<compile_context>
chip_gen: v7x
topology: tpu7x:2x2x1
jax: 0.10.2.dev20260603
libtpu: 0.0.44.dev20260713+nightly
codegen_flags: <defaults>
</compile_context>

<pallas_src>
import jax
import jax.numpy as jnp
from jax import lax
from jax.experimental import pallas as pl
from jax.experimental.pallas import tpu as pltpu
from jax.experimental.pallas import tpu_sc as plsc

DIM = 64
L = 50
K = 5
M = 10
B = 4096
LK = L - K
NEG_N = LK * M
ROWS = L + NEG_N
GC = 5
GW = ROWS // GC

NUM_CORES = 2
NUM_SUBCORES = 16
NW = NUM_CORES * NUM_SUBCORES
WPB = B // NW
IDX_CHUNK = 16


def _sc_body(pidx_hbm, emb_hbm, out_hbm,
             pidx_v, rows_v, obuf_v, gsem0, gsem1, osem):
    cid = lax.axis_index("c")
    sid = lax.axis_index("s")
    wid = sid * NUM_CORES + cid
    base = wid * WPB

    def stage(chunk):
        pltpu.sync_copy(
            pidx_hbm.at[pl.ds(base + chunk * IDX_CHUNK, IDX_CHUNK)],
            pidx_v.at[chunk % 2])

    def gather_descs(x, p, sem):
        cpx = (x // IDX_CHUNK) % 2
        wj = x % IDX_CHUNK
        return [
            pltpu.make_async_copy(
                emb_hbm.at[pidx_v.at[cpx, wj, c]],
                rows_v.at[p, pl.ds(c * GW, GW)], sem)
            for c in range(GC)
        ]

    lanes = lax.iota(jnp.int32, 16)

    def _dot(w_chunks, r, p):
        acc = w_chunks[0] * rows_v[p, r, pl.ds(0, 16)]
        for c in range(1, 4):
            acc = acc + w_chunks[c] * rows_v[p, r, pl.ds(c * 16, 16)]
        return jnp.sum(acc)

    def compute(x, p, obuf):
        def one_pos(i, carry):
            w = [rows_v[p, i, pl.ds(c * 16, 16)] for c in range(4)]
            res = jnp.zeros((16,), jnp.float32)
            for k in range(K):
                s = _dot(w, i + 1 + k, p)
                res = jnp.where(lanes == k, jnp.full((16,), s, jnp.float32), res)
            for m in range(M):
                s = _dot(w, L + i * M + m, p)
                res = jnp.where(lanes == K + m, jnp.full((16,), s, jnp.float32), res)
            obuf[i] = res
            return carry

        lax.fori_loop(0, LK, one_pos, 0)

    def slot(x, p):
        sem = gsem0 if p == 0 else gsem1
        nsem = gsem1 if p == 0 else gsem0

        for d in gather_descs(x, p, sem):
            d.wait()

        @pl.when(x + 1 < WPB)
        def _():
            @pl.when((x + 1) % IDX_CHUNK == 0)
            def _():
                stage((x + 1) // IDX_CHUNK)

            for d in gather_descs(x + 1, 1 - p, nsem):
                d.start()

        @pl.when(x >= 1)
        def _():
            pltpu.make_async_copy(obuf_v, out_hbm.at[base + x - 1], osem).wait()

        compute(x, p, obuf_v)
        pltpu.async_copy(obuf_v, out_hbm.at[base + x], osem)

    stage(0)
    for d in gather_descs(0, 0, gsem0):
        d.start()

    @pl.loop(0, WPB // 2)
    def _iter(h):
        slot(2 * h, 0)
        slot(2 * h + 1, 1)

    pltpu.make_async_copy(obuf_v, out_hbm.at[base + WPB - 1], osem).wait()


@jax.jit
def _sc_call(pidx, emb):
    mesh = plsc.VectorSubcoreMesh(
        core_axis_name="c", subcore_axis_name="s",
        num_cores=NUM_CORES, num_subcores=NUM_SUBCORES)
    return pl.kernel(
        _sc_body,
        out_type=jax.ShapeDtypeStruct((B, LK, 16), jnp.float32),
        mesh=mesh,
        compiler_params=pltpu.CompilerParams(
            needs_layout_passes=False, use_tc_tiling_on_sc=False),
        scratch_types=[
            pltpu.VMEM((2, IDX_CHUNK, GC, GW), jnp.int32),
            pltpu.VMEM((2, ROWS, DIM), jnp.float32),
            pltpu.VMEM((LK, 16), jnp.float32),
            pltpu.SemaphoreType.DMA,
            pltpu.SemaphoreType.DMA,
            pltpu.SemaphoreType.DMA,
        ],
    )(pidx, emb)


def kernel(walk, negative, emb):
    t = walk[0, 0]
    one_i = (t >> 31) | 1
    one_f = one_i.astype(jnp.float32)
    allidx = jnp.concatenate(
        [walk, negative.reshape(B, NEG_N)], axis=1)
    pidx = (allidx * one_i).reshape(B, GC, GW)
    embu = emb * one_f
    out = _sc_call(pidx, embu)
    pos = out[:, :, :K]
    neg = out[:, :, K:K + M]
    return pos, neg

# --- scband reference (transcript-rebuilt; emitter-appended) ---
"""Pipeline reference for scband-skip-gram-model-22067541967312 (READ-ONLY COPY).

The authoritative reference and input builder live on the scoring server;
editing this copy changes nothing except your own understanding.
"""

import jax, jax.numpy as jnp
import numpy as np

NODE_NUM = 1000000
DIM = 64
L = 50
K = 5
M = 10
B = 4096


def setup_inputs(seed: int = 0) -> dict:
    key = jax.random.key(seed)
    k1, k2, k3 = jax.random.split(key, 3)
    walk = jax.random.randint(k1, (B, L), 0, NODE_NUM, dtype=jnp.int32)
    negative = jax.random.randint(k2, (B, L - K, M), 0, NODE_NUM, dtype=jnp.int32)
    emb = jax.random.normal(k3, (NODE_NUM, DIM), dtype=jnp.float32) * 0.1
    return {"walk": walk, "negative": negative, "emb": emb}


def reference(walk, negative, emb):
    lk = L - K
    # positive contexts: sliding windows of size K after each position
    positive = jnp.concatenate([walk[:, i + 1:i + K + 1] for i in range(lk)], axis=1)
    positive = positive.reshape(-1, lk, K)
    walk_e = jnp.take(emb, walk[:, :lk], axis=0)            # [B, lk, DIM]
    pos_e = jnp.take(emb, positive, axis=0)                  # [B, lk, K, DIM]
    pos_e = jnp.swapaxes(pos_e, 2, 3)                        # [B, lk, DIM, K]
    neg_e = jnp.take(emb, negative, axis=0)                  # [B, lk, M, DIM]
    neg_e = jnp.swapaxes(neg_e, 2, 3)                        # [B, lk, DIM, M]
    walk_e = walk_e.reshape(-1, 1, DIM)
    pos_e = pos_e.reshape(-1, DIM, K)
    neg_e = neg_e.reshape(-1, DIM, M)
    pos = jnp.matmul(walk_e, pos_e).reshape(-1, lk, K)
    neg = jnp.matmul(walk_e, neg_e).reshape(-1, lk, M)
    return (pos, neg)

if __name__ == "__main__":
    import jax
    _d = setup_inputs()
    print(jax.jit(kernel)(*tuple(_d.values())))

</pallas_src>

<mosaic_0001>
#map = affine_map<(d0, d1) -> (0, 0, 0)>
#map1 = affine_map<(d0, d1) -> (0, 0)>
module attributes {stable_mosaic.version = 14 : i64} {
  func.func @_sc_body(%arg0: i32, %arg1: i32, %arg2: memref<4096x5x100xi32, #tpu.memory_space<hbm>>, %arg3: memref<1000000x64xf32, #tpu.memory_space<hbm>>, %arg4: memref<4096x45x16xf32, #tpu.memory_space<hbm>>, %arg5: memref<2x16x5x100xi32, #tpu.memory_space<vmem>>, %arg6: memref<2x500x64xf32, #tpu.memory_space<vmem>>, %arg7: memref<45x16xf32, #tpu.memory_space<vmem>>, %arg8: memref<!tpu.dma_semaphore, #tpu.memory_space<semaphore_mem>>, %arg9: memref<!tpu.dma_semaphore, #tpu.memory_space<semaphore_mem>>, %arg10: memref<!tpu.dma_semaphore, #tpu.memory_space<semaphore_mem>>) attributes {dimension_semantics = [#tpu.dimension_semantics<core_parallel>, #tpu.dimension_semantics<subcore_parallel>], iteration_bounds = array<i64: 2, 16>, scalar_prefetch = 0 : i64, scratch_operands = 6 : i64, tpu.core_type = #tpu.core_type<sc_vector_subcore>, window_params = [{transform_indices = #map}, {transform_indices = #map1}, {transform_indices = #map}]} {
    %mul3A = arith.constant 2 : i32
    %mul3A_0 = arith.muli %arg1, %mul3A : i32
    %add3A = arith.addi %mul3A_0, %arg0 : i32
    %mul3A_1 = arith.constant 128 : i32
    %mul3A_2 = arith.muli %add3A, %mul3A_1 : i32
    %iota3A = tpu.iota {dimensions = array<i32: 0>} : vector<16xi32>
    %add3A_3 = arith.constant 0 : i32
    %add3A_4 = arith.addi %mul3A_2, %add3A_3 : i32
    %run_scoped3A = arith.constant 0 : i32
    "tpu.region"() ({
      %run_scoped3A_88 = tpu.sem_alloc : memref<!tpu.dma_semaphore, #tpu.memory_space<semaphore_mem>>
      %dma_start3A_89 = arith.constant 0 : i32
      %dma_start3A_90 = arith.constant 0 : i32
      %dma_start3A_91 = arith.constant 0 : i32
      %dma_start3A_92 = tpu.memref_slice %arg5[%run_scoped3A, %dma_start3A_89, %dma_start3A_90, %dma_start3A_91] : memref<2x16x5x100xi32, #tpu.memory_space<vmem>> -> memref<1x16x5x100xi32, #tpu.memory_space<vmem>>
      %dma_start3A_93 = tpu.memref_squeeze %dma_start3A_92 : memref<1x16x5x100xi32, #tpu.memory_space<vmem>> -> memref<16x5x100xi32, #tpu.memory_space<vmem>>
      %dma_start3A_94 = arith.constant 0 : i32
      %dma_start3A_95 = arith.constant 0 : i32
      %dma_start3A_96 = tpu.memref_slice %arg2[%add3A_4, %dma_start3A_94, %dma_start3A_95] : memref<4096x5x100xi32, #tpu.memory_space<hbm>> -> memref<16x5x100xi32, #tpu.memory_space<hbm>>
      %dma_start3A_97 = arith.constant 0 : i32
      %dma_start3A_98 = arith.constant 0 : i32
      %dma_start3A_99 = arith.constant 0 : i32
      %dma_start3A_100 = tpu.memref_slice %arg5[%run_scoped3A, %dma_start3A_97, %dma_start3A_98, %dma_start3A_99] : memref<2x16x5x100xi32, #tpu.memory_space<vmem>> -> memref<1x16x5x100xi32, #tpu.memory_space<vmem>>
      %dma_start3A_101 = tpu.memref_squeeze %dma_start3A_100 : memref<1x16x5x100xi32, #tpu.memory_space<vmem>> -> memref<16x5x100xi32, #tpu.memory_space<vmem>>
      %dma_start3A_102 = arith.constant 0 : i32
      %dma_start3A_103 = arith.constant 0 : i32
      %dma_start3A_104 = tpu.memref_slice %arg2[%add3A_4, %dma_start3A_102, %dma_start3A_103] : memref<4096x5x100xi32, #tpu.memory_space<hbm>> -> memref<16x5x100xi32, #tpu.memory_space<hbm>>
      tpu.enqueue_dma source(%dma_start3A_104 : memref<16x5x100xi32, #tpu.memory_space<hbm>>) target(%dma_start3A_101 : memref<16x5x100xi32, #tpu.memory_space<vmem>>) target_semaphore(%run_scoped3A_88 : memref<!tpu.dma_semaphore, #tpu.memory_space<semaphore_mem>>)
      %dma_wait3A_105 = arith.constant 0 : i32
      %dma_wait3A_106 = arith.constant 0 : i32
      %dma_wait3A_107 = arith.constant 0 : i32
      %dma_wait3A_108 = tpu.memref_slice %arg5[%run_scoped3A, %dma_wait3A_105, %dma_wait3A_106, %dma_wait3A_107] : memref<2x16x5x100xi32, #tpu.memory_space<vmem>> -> memref<1x16x5x100xi32, #tpu.memory_space<vmem>>
      %dma_wait3A_109 = tpu.memref_squeeze %dma_wait3A_108 : memref<1x16x5x100xi32, #tpu.memory_space<vmem>> -> memref<16x5x100xi32, #tpu.memory_space<vmem>>
      %dma_wait3A_110 = arith.constant 0 : i32
      %dma_wait3A_111 = arith.constant 0 : i32
      %dma_wait3A_112 = tpu.memref_slice %arg2[%add3A_4, %dma_wait3A_110, %dma_wait3A_111] : memref<4096x5x100xi32, #tpu.memory_space<hbm>> -> memref<16x5x100xi32, #tpu.memory_space<hbm>>
      %dma_wait3A_113 = arith.constant 0 : i32
      %dma_wait3A_114 = arith.constant 0 : i32
      %dma_wait3A_115 = arith.constant 0 : i32
      %dma_wait3A_116 = tpu.memref_slice %arg5[%run_scoped3A, %dma_wait3A_113, %dma_wait3A_114, %dma_wait3A_115] : memref<2x16x5x100xi32, #tpu.memory_space<vmem>> -> memref<1x16x5x100xi32, #tpu.memory_space<vmem>>
      %dma_wait3A_117 = tpu.memref_squeeze %dma_wait3A_116 : memref<1x16x5x100xi32, #tpu.memory_space<vmem>> -> memref<16x5x100xi32, #tpu.memory_space<vmem>>
      %dma_wait3A_118 = arith.constant 0 : i32
      %dma_wait3A_119 = arith.constant 0 : i32
      %dma_wait3A_120 = tpu.memref_slice %arg2[%add3A_4, %dma_wait3A_118, %dma_wait3A_119] : memref<4096x5x100xi32, #tpu.memory_space<hbm>> -> memref<16x5x100xi32, #tpu.memory_space<hbm>>
      tpu.wait_dma2 semaphore(%run_scoped3A_88 : memref<!tpu.dma_semaphore, #tpu.memory_space<semaphore_mem>>) src(%dma_wait3A_120 : memref<16x5x100xi32, #tpu.memory_space<hbm>>) dst(%dma_wait3A_117 : memref<16x5x100xi32, #tpu.memory_space<vmem>>)
      tpu.yield
    }) : () -> ()
    %dma_start3A = arith.constant 0 : i32
    %dma_start3A_5 = arith.constant 0 : i32
    %dma_start3A_6 = arith.constant 0 : i32
    %dma_start3A_7 = arith.constant 0 : i32
    %dma_start3A_8 = arith.constant 0 : i32
    %dma_start3A_9 = arith.constant 0 : i32
    %dma_start3A_10 = tpu.memref_slice %arg6[%dma_start3A_7, %dma_start3A_8, %dma_start3A_9] : memref<2x500x64xf32, #tpu.memory_space<vmem>> -> memref<1x100x64xf32, #tpu.memory_space<vmem>>
    %dma_start3A_11 = tpu.memref_squeeze %dma_start3A_10 : memref<1x100x64xf32, #tpu.memory_space<vmem>> -> memref<100x64xf32, #tpu.memory_space<vmem>>
    %dma_start3A_12 = arith.constant 0 : i32
    %dma_start3A_13 = tpu.memref_slice %arg5[%dma_start3A, %dma_start3A_5, %dma_start3A_6, %dma_start3A_12] : memref<2x16x5x100xi32, #tpu.memory_space<vmem>> -> memref<1x1x1x100xi32, #tpu.memory_space<vmem>>
    %dma_start3A_14 = tpu.memref_squeeze %dma_start3A_13 : memref<1x1x1x100xi32, #tpu.memory_space<vmem>> -> memref<100xi32, #tpu.memory_space<vmem>>
    %dma_start3A_15 = arith.constant 0 : i32
    %dma_start3A_16 = arith.constant 0 : i32
    %dma_start3A_17 = tpu.memref_slice %arg3[%dma_start3A_15, %dma_start3A_16] : memref<1000000x64xf32, #tpu.memory_space<hbm>> -> memref<1000000x64xf32, #tpu.memory_space<hbm>>
    tpu.enqueue_indirect_dma source(%dma_start3A_17 : memref<1000000x64xf32, #tpu.memory_space<hbm>>) target(%dma_start3A_11 : memref<100x64xf32, #tpu.memory_space<vmem>>) offsets(%dma_start3A_14 : memref<100xi32, #tpu.memory_space<vmem>>) semaphore(%arg8 : memref<!tpu.dma_semaphore, #tpu.memory_space<semaphore_mem>>)
    %dma_start3A_18 = arith.constant 0 : i32
    %dma_start3A_19 = arith.constant 0 : i32
    %dma_start3A_20 = arith.constant 1 : i32
    %dma_start3A_21 = arith.constant 0 : i32
    %dma_start3A_22 = arith.constant 100 : i32
    %dma_start3A_23 = arith.constant 0 : i32
    %dma_start3A_24 = tpu.memref_slice %arg6[%dma_start3A_21, %dma_start3A_22, %dma_start3A_23] : memref<2x500x64xf32, #tpu.memory_space<vmem>> -> memref<1x100x64xf32, #tpu.memory_space<vmem>>
    %dma_start3A_25 = tpu.memref_squeeze %dma_start3A_24 : memref<1x100x64xf32, #tpu.memory_space<vmem>> -> memref<100x64xf32, #tpu.memory_space<vmem>>
    %dma_start3A_26 = arith.constant 0 : i32
    %dma_start3A_27 = tpu.memref_slice %arg5[%dma_start3A_18, %dma_start3A_19, %dma_start3A_20, %dma_start3A_26] : memref<2x16x5x100xi32, #tpu.memory_space<vmem>> -> memref<1x1x1x100xi32, #tpu.memory_space<vmem>>
    %dma_start3A_28 = tpu.memref_squeeze %dma_start3A_27 : memref<1x1x1x100xi32, #tpu.memory_space<vmem>> -> memref<100xi32, #tpu.memory_space<vmem>>
    %dma_start3A_29 = arith.constant 0 : i32
    %dma_start3A_30 = arith.constant 0 : i32
    %dma_start3A_31 = tpu.memref_slice %arg3[%dma_start3A_29, %dma_start3A_30] : memref<1000000x64xf32, #tpu.memory_space<hbm>> -> memref<1000000x64xf32, #tpu.memory_space<hbm>>
    tpu.enqueue_indirect_dma source(%dma_start3A_31 : memref<1000000x64xf32, #tpu.memory_space<hbm>>) target(%dma_start3A_25 : memref<100x64xf32, #tpu.memory_space<vmem>>) offsets(%dma_start3A_28 : memref<100xi32, #tpu.memory_space<vmem>>) semaphore(%arg8 : memref<!tpu.dma_semaphore, #tpu.memory_space<semaphore_mem>>)
    %dma_start3A_32 = arith.constant 0 : i32
    %dma_start3A_33 = arith.constant 0 : i32
    %dma_start3A_34 = arith.constant 2 : i32
    %dma_start3A_35 = arith.constant 0 : i32
    %dma_start3A_36 = arith.constant 200 : i32
    %dma_start3A_37 = arith.constant 0 : i32
    %dma_start3A_38 = tpu.memref_slice %arg6[%dma_start3A_35, %dma_start3A_36, %dma_start3A_37] : memref<2x500x64xf32, #tpu.memory_space<vmem>> -> memref<1x100x64xf32, #tpu.memory_space<vmem>>
    %dma_start3A_39 = tpu.memref_squeeze %dma_start3A_38 : memref<1x100x64xf32, #tpu.memory_space<vmem>> -> memref<100x64xf32, #tpu.memory_space<vmem>>
    %dma_start3A_40 = arith.constant 0 : i32
    %dma_start3A_41 = tpu.memref_slice %arg5[%dma_start3A_32, %dma_start3A_33, %dma_start3A_34, %dma_start3A_40] : memref<2x16x5x100xi32, #tpu.memory_space<vmem>> -> memref<1x1x1x100xi32, #tpu.memory_space<vmem>>
    %dma_start3A_42 = tpu.memref_squeeze %dma_start3A_41 : memref<1x1x1x100xi32, #tpu.memory_space<vmem>> -> memref<100xi32, #tpu.memory_space<vmem>>
    %dma_start3A_43 = arith.constant 0 : i32
    %dma_start3A_44 = arith.constant 0 : i32
    %dma_start3A_45 = tpu.memref_slice %arg3[%dma_start3A_43, %dma_start3A_44] : memref<1000000x64xf32, #tpu.memory_space<hbm>> -> memref<1000000x64xf32, #tpu.memory_space<hbm>>
    tpu.enqueue_indirect_dma source(%dma_start3A_45 : memref<1000000x64xf32, #tpu.memory_space<hbm>>) target(%dma_start3A_39 : memref<100x64xf32, #tpu.memory_space<vmem>>) offsets(%dma_start3A_42 : memref<100xi32, #tpu.memory_space<vmem>>) semaphore(%arg8 : memref<!tpu.dma_semaphore, #tpu.memory_space<semaphore_mem>>)
    %dma_start3A_46 = arith.constant 0 : i32
    %dma_start3A_47 = arith.constant 0 : i32
    %dma_start3A_48 = arith.constant 3 : i32
    %dma_start3A_49 = arith.constant 0 : i32
    %dma_start3A_50 = arith.constant 300 : i32
    %dma_start3A_51 = arith.constant 0 : i32
    %dma_start3A_52 = tpu.memref_slice %arg6[%dma_start3A_49, %dma_start3A_50, %dma_start3A_51] : memref<2x500x64xf32, #tpu.memory_space<vmem>> -> memref<1x100x64xf32, #tpu.memory_space<vmem>>
    %dma_start3A_53 = tpu.memref_squeeze %dma_start3A_52 : memref<1x100x64xf32, #tpu.memory_space<vmem>> -> memref<100x64xf32, #tpu.memory_space<vmem>>
    %dma_start3A_54 = arith.constant 0 : i32
    %dma_start3A_55 = tpu.memref_slice %arg5[%dma_start3A_46, %dma_start3A_47, %dma_start3A_48, %dma_start3A_54] : memref<2x16x5x100xi32, #tpu.memory_space<vmem>> -> memref<1x1x1x100xi32, #tpu.memory_space<vmem>>
    %dma_start3A_56 = tpu.memref_squeeze %dma_start3A_55 : memref<1x1x1x100xi32, #tpu.memory_space<vmem>> -> memref<100xi32, #tpu.memory_space<vmem>>
    %dma_start3A_57 = arith.constant 0 : i32
    %dma_start3A_58 = arith.constant 0 : i32
    %dma_start3A_59 = tpu.memref_slice %arg3[%dma_start3A_57, %dma_start3A_58] : memref<1000000x64xf32, #tpu.memory_space<hbm>> -> memref<1000000x64xf32, #tpu.memory_space<hbm>>
    tpu.enqueue_indirect_dma source(%dma_start3A_59 : memref<1000000x64xf32, #tpu.memory_space<hbm>>) target(%dma_start3A_53 : memref<100x64xf32, #tpu.memory_space<vmem>>) offsets(%dma_start3A_56 : memref<100xi32, #tpu.memory_space<vmem>>) semaphore(%arg8 : memref<!tpu.dma_semaphore, #tpu.memory_space<semaphore_mem>>)
    %dma_start3A_60 = arith.constant 0 : i32
    %dma_start3A_61 = arith.constant 0 : i32
    %dma_start3A_62 = arith.constant 4 : i32
    %dma_start3A_63 = arith.constant 0 : i32
    %dma_start3A_64 = arith.constant 400 : i32
    %dma_start3A_65 = arith.constant 0 : i32
    %dma_start3A_66 = tpu.memref_slice %arg6[%dma_start3A_63, %dma_start3A_64, %dma_start3A_65] : memref<2x500x64xf32, #tpu.memory_space<vmem>> -> memref<1x100x64xf32, #tpu.memory_space<vmem>>
    %dma_start3A_67 = tpu.memref_squeeze %dma_start3A_66 : memref<1x100x64xf32, #tpu.memory_space<vmem>> -> memref<100x64xf32, #tpu.memory_space<vmem>>
    %dma_start3A_68 = arith.constant 0 : i32
    %dma_start3A_69 = tpu.memref_slice %arg5[%dma_start3A_60, %dma_start3A_61, %dma_start3A_62, %dma_start3A_68] : memref<2x16x5x100xi32, #tpu.memory_space<vmem>> -> memref<1x1x1x100xi32, #tpu.memory_space<vmem>>
    %dma_start3A_70 = tpu.memref_squeeze %dma_start3A_69 : memref<1x1x1x100xi32, #tpu.memory_space<vmem>> -> memref<100xi32, #tpu.memory_space<vmem>>
    %dma_start3A_71 = arith.constant 0 : i32
    %dma_start3A_72 = arith.constant 0 : i32
    %dma_start3A_73 = tpu.memref_slice %arg3[%dma_start3A_71, %dma_start3A_72] : memref<1000000x64xf32, #tpu.memory_space<hbm>> -> memref<1000000x64xf32, #tpu.memory_space<hbm>>
    tpu.enqueue_indirect_dma source(%dma_start3A_73 : memref<1000000x64xf32, #tpu.memory_space<hbm>>) target(%dma_start3A_67 : memref<100x64xf32, #tpu.memory_space<vmem>>) offsets(%dma_start3A_70 : memref<100xi32, #tpu.memory_space<vmem>>) semaphore(%arg8 : memref<!tpu.dma_semaphore, #tpu.memory_space<semaphore_mem>>)
    %scan3A = arith.constant 0 : i32
    %scan3A_74 = arith.constant 64 : i32
    %scan3A_75 = arith.addi %scan3A, %scan3A_74 : i32
    %scan3A_76 = arith.constant 1 : i32
    scf.for %scan3A_88 = %scan3A to %scan3A_75 step %scan3A_76  : i32 {
      %mul3A_89 = arith.constant 1 : i32
      %mul3A_90 = arith.muli %scan3A_88, %mul3A_89 : i32
      %add3A_91 = arith.constant 0 : i32
      %add3A_92 = arith.addi %add3A_91, %mul3A_90 : i32
      %mul3A_93 = arith.constant 2 : i32
      %mul3A_94 = arith.muli %mul3A_93, %add3A_92 : i32
      %jit3A = arith.constant 16 : i32
      %div3A = arith.divsi %mul3A_94, %jit3A : i32
      %sign3A = arith.constant 0 : i32
      %sign3A_95 = arith.cmpi sgt, %mul3A_94, %sign3A : i32
      %sign3A_96 = arith.extui %sign3A_95 : i1 to i32
      %sign3A_97 = arith.constant 0 : i32
      %sign3A_98 = arith.cmpi slt, %mul3A_94, %sign3A_97 : i32
      %sign3A_99 = arith.extui %sign3A_98 : i1 to i32
      %sign3A_100 = arith.subi %sign3A_96, %sign3A_99 : i32
      %sign3A_101 = arith.constant 0 : i32
      %sign3A_102 = arith.cmpi sgt, %jit3A, %sign3A_101 : i32
      %sign3A_103 = arith.extui %sign3A_102 : i1 to i32
      %sign3A_104 = arith.constant 0 : i32
      %sign3A_105 = arith.cmpi slt, %jit3A, %sign3A_104 : i32
      %sign3A_106 = arith.extui %sign3A_105 : i1 to i32
      %sign3A_107 = arith.subi %sign3A_103, %sign3A_106 : i32
      %ne3A = arith.cmpi ne, %sign3A_100, %sign3A_107 : i32
      %rem3A = arith.remsi %mul3A_94, %jit3A : i32
      %ne3A_108 = arith.constant 0 : i32
      %ne3A_109 = arith.cmpi ne, %rem3A, %ne3A_108 : i32
      %and3A = arith.andi %ne3A, %ne3A_109 : i1
      %sub3A_110 = arith.constant 1 : i32
      %sub3A_111 = arith.subi %div3A, %sub3A_110 : i32
      %select_n3A = arith.select %and3A, %sub3A_111, %div3A : i32
      %jit3A_112 = arith.constant 2 : i32
      %eq3A = arith.constant 0 : i32
      %eq3A_113 = arith.cmpi eq, %jit3A_112, %eq3A : i32
      %jit3A_114 = arith.constant 1 : i32
      %select_n3A_115 = arith.select %eq3A_113, %jit3A_114, %jit3A_112 : i32
      %rem3A_116 = arith.remsi %select_n3A, %select_n3A_115 : i32
      %ne3A_117 = arith.constant 0 : i32
      %ne3A_118 = arith.cmpi ne, %rem3A_116, %ne3A_117 : i32
      %lt3A = arith.constant 0 : i32
      %lt3A_119 = arith.cmpi slt, %rem3A_116, %lt3A : i32
      %lt3A_120 = arith.constant 0 : i32
      %lt3A_121 = arith.cmpi slt, %select_n3A_115, %lt3A_120 : i32
      %ne3A_122 = arith.xori %lt3A_119, %lt3A_121 : i1
      %and3A_123 = arith.andi %ne3A_122, %ne3A_118 : i1
      %add3A_124 = arith.addi %rem3A_116, %select_n3A_115 : i32
      %select_n3A_125 = arith.select %and3A_123, %add3A_124, %rem3A_116 : i32
      %jit3A_126 = arith.constant 16 : i32
      %eq3A_127 = arith.constant 0 : i32
      %eq3A_128 = arith.cmpi eq, %jit3A_126, %eq3A_127 : i32
      %jit3A_129 = arith.constant 1 : i32
      %select_n3A_130 = arith.select %eq3A_128, %jit3A_129, %jit3A_126 : i32
      %rem3A_131 = arith.remsi %mul3A_94, %select_n3A_130 : i32
      %ne3A_132 = arith.constant 0 : i32
      %ne3A_133 = arith.cmpi ne, %rem3A_131, %ne3A_132 : i32
      %lt3A_134 = arith.constant 0 : i32
      %lt3A_135 = arith.cmpi slt, %rem3A_131, %lt3A_134 : i32
      %lt3A_136 = arith.constant 0 : i32
      %lt3A_137 = arith.cmpi slt, %select_n3A_130, %lt3A_136 : i32
      %ne3A_138 = arith.xori %lt3A_135, %lt3A_137 : i1
      %and3A_139 = arith.andi %ne3A_138, %ne3A_133 : i1
      %add3A_140 = arith.addi %rem3A_131, %select_n3A_130 : i32
      %select_n3A_141 = arith.select %and3A_139, %add3A_140, %rem3A_131 : i32
      %dma_wait3A_142 = arith.constant 0 : i32
      %dma_wait3A_143 = arith.constant 0 : i32
      %dma_wait3A_144 = arith.constant 0 : i32
      %dma_wait3A_145 = arith.constant 0 : i32
      %dma_wait3A_146 = tpu.memref_slice %arg6[%dma_wait3A_143, %dma_wait3A_144, %dma_wait3A_145] : memref<2x500x64xf32, #tpu.memory_space<vmem>> -> memref<1x100x64xf32, #tpu.memory_space<vmem>>
      %dma_wait3A_147 = tpu.memref_squeeze %dma_wait3A_146 : memref<1x100x64xf32, #tpu.memory_space<vmem>> -> memref<100x64xf32, #tpu.memory_space<vmem>>
      %dma_wait3A_148 = arith.constant 0 : i32
      %dma_wait3A_149 = tpu.memref_slice %arg5[%select_n3A_125, %select_n3A_141, %dma_wait3A_142, %dma_wait3A_148] : memref<2x16x5x100xi32, #tpu.memory_space<vmem>> -> memref<1x1x1x100xi32, #tpu.memory_space<vmem>>
      %dma_wait3A_150 = tpu.memref_squeeze %dma_wait3A_149 : memref<1x1x1x100xi32, #tpu.memory_space<vmem>> -> memref<100xi32, #tpu.memory_space<vmem>>
      %dma_wait3A_151 = arith.constant 0 : i32
      %dma_wait3A_152 = arith.constant 0 : i32
      %dma_wait3A_153 = tpu.memref_slice %arg3[%dma_wait3A_151, %dma_wait3A_152] : memref<1000000x64xf32, #tpu.memory_space<hbm>> -> memref<1000000x64xf32, #tpu.memory_space<hbm>>
      tpu.wait_indirect_dma semaphore(%arg8 : memref<!tpu.dma_semaphore, #tpu.memory_space<semaphore_mem>>) src(%dma_wait3A_153 : memref<1000000x64xf32, #tpu.memory_space<hbm>>) dst(%dma_wait3A_147 : memref<100x64xf32, #tpu.memory_space<vmem>>)
      %dma_wait3A_154 = arith.constant 1 : i32
      %dma_wait3A_155 = arith.constant 0 : i32
      %dma_wait3A_156 = arith.constant 100 : i32
      %dma_wait3A_157 = arith.constant 0 : i32
      %dma_wait3A_158 = tpu.memref_slice %arg6[%dma_wait3A_155, %dma_wait3A_156, %dma_wait3A_157] : memref<2x500x64xf32, #tpu.memory_space<vmem>> -> memref<1x100x64xf32, #tpu.memory_space<vmem>>
      %dma_wait3A_159 = tpu.memref_squeeze %dma_wait3A_158 : memref<1x100x64xf32, #tpu.memory_space<vmem>> -> memref<100x64xf32, #tpu.memory_space<vmem>>
      %dma_wait3A_160 = arith.constant 0 : i32
      %dma_wait3A_161 = tpu.memref_slice %arg5[%select_n3A_125, %select_n3A_141, %dma_wait3A_154, %dma_wait3A_160] : memref<2x16x5x100xi32, #tpu.memory_space<vmem>> -> memref<1x1x1x100xi32, #tpu.memory_space<vmem>>
      %dma_wait3A_162 = tpu.memref_squeeze %dma_wait3A_161 : memref<1x1x1x100xi32, #tpu.memory_space<vmem>> -> memref<100xi32, #tpu.memory_space<vmem>>
      %dma_wait3A_163 = arith.constant 0 : i32
      %dma_wait3A_164 = arith.constant 0 : i32
      %dma_wait3A_165 = tpu.memref_slice %arg3[%dma_wait3A_163, %dma_wait3A_164] : memref<1000000x64xf32, #tpu.memory_space<hbm>> -> memref<1000000x64xf32, #tpu.memory_space<hbm>>
      tpu.wait_indirect_dma semaphore(%arg8 : memref<!tpu.dma_semaphore, #tpu.memory_space<semaphore_mem>>) src(%dma_wait3A_165 : memref<1000000x64xf32, #tpu.memory_space<hbm>>) dst(%dma_wait3A_159 : memref<100x64xf32, #tpu.memory_space<vmem>>)
      %dma_wait3A_166 = arith.constant 2 : i32
      %dma_wait3A_167 = arith.constant 0 : i32
      %dma_wait3A_168 = arith.constant 200 : i32
      %dma_wait3A_169 = arith.constant 0 : i32
      %dma_wait3A_170 = tpu.memref_slice %arg6[%dma_wait3A_167, %dma_wait3A_168, %dma_wait3A_169] : memref<2x500x64xf32, #tpu.memory_space<vmem>> -> memref<1x100x64xf32, #tpu.memory_space<vmem>>
      %dma_wait3A_171 = tpu.memref_squeeze %dma_wait3A_170 : memref<1x100x64xf32, #tpu.memory_space<vmem>> -> memref<100x64xf32, #tpu.memory_space<vmem>>
      %dma_wait3A_172 = arith.constant 0 : i32
      %dma_wait3A_173 = tpu.memref_slice %arg5[%select_n3A_125, %select_n3A_141, %dma_wait3A_166, %dma_wait3A_172] : memref<2x16x5x100xi32, #tpu.memory_space<vmem>> -> memref<1x1x1x100xi32, #tpu.memory_space<vmem>>
      %dma_wait3A_174 = tpu.memref_squeeze %dma_wait3A_173 : memref<1x1x1x100xi32, #tpu.memory_space<vmem>> -> memref<100xi32, #tpu.memory_space<vmem>>
      %dma_wait3A_175 = arith.constant 0 : i32
      %dma_wait3A_176 = arith.constant 0 : i32
      %dma_wait3A_177 = tpu.memref_slice %arg3[%dma_wait3A_175, %dma_wait3A_176] : memref<1000000x64xf32, #tpu.memory_space<hbm>> -> memref<1000000x64xf32, #tpu.memory_space<hbm>>
      tpu.wait_indirect_dma semaphore(%arg8 : memref<!tpu.dma_semaphore, #tpu.memory_space<semaphore_mem>>) src(%dma_wait3A_177 : memref<1000000x64xf32, #tpu.memory_space<hbm>>) dst(%dma_wait3A_171 : memref<100x64xf32, #tpu.memory_space<vmem>>)
      %dma_wait3A_178 = arith.constant 3 : i32
      %dma_wait3A_179 = arith.constant 0 : i32
      %dma_wait3A_180 = arith.constant 300 : i32
      %dma_wait3A_181 = arith.constant 0 : i32
      %dma_wait3A_182 = tpu.memref_slice %arg6[%dma_wait3A_179, %dma_wait3A_180, %dma_wait3A_181] : memref<2x500x64xf32, #tpu.memory_space<vmem>> -> memref<1x100x64xf32, #tpu.memory_space<vmem>>
      %dma_wait3A_183 = tpu.memref_squeeze %dma_wait3A_182 : memref<1x100x64xf32, #tpu.memory_space<vmem>> -> memref<100x64xf32, #tpu.memory_space<vmem>>
      %dma_wait3A_184 = arith.constant 0 : i32
      %dma_wait3A_185 = tpu.memref_slice %arg5[%select_n3A_125, %select_n3A_141, %dma_wait3A_178, %dma_wait3A_184] : memref<2x16x5x100xi32, #tpu.memory_space<vmem>> -> memref<1x1x1x100xi32, #tpu.memory_space<vmem>>
      %dma_wait3A_186 = tpu.memref_squeeze %dma_wait3A_185 : memref<1x1x1x100xi32, #tpu.memory_space<vmem>> -> memref<100xi32, #tpu.memory_space<vmem>>
      %dma_wait3A_187 = arith.constant 0 : i32
      %dma_wait3A_188 = arith.constant 0 : i32
      %dma_wait3A_189 = tpu.memref_slice %arg3[%dma_wait3A_187, %dma_wait3A_188] : memref<1000000x64xf32, #tpu.memory_space<hbm>> -> memref<1000000x64xf32, #tpu.memory_space<hbm>>
      tpu.wait_indirect_dma semaphore(%arg8 : memref<!tpu.dma_semaphore, #tpu.memory_space<semaphore_mem>>) src(%dma_wait3A_189 : memref<1000000x64xf32, #tpu.memory_space<hbm>>) dst(%dma_wait3A_183 : memref<100x64xf32, #tpu.memory_space<vmem>>)
      %dma_wait3A_190 = arith.constant 4 : i32
      %dma_wait3A_191 = arith.constant 0 : i32
      %dma_wait3A_192 = arith.constant 400 : i32
      %dma_wait3A_193 = arith.constant 0 : i32
      %dma_wait3A_194 = tpu.memref_slice %arg6[%dma_wait3A_191, %dma_wait3A_192, %dma_wait3A_193] : memref<2x500x64xf32, #tpu.memory_space<vmem>> -> memref<1x100x64xf32, #tpu.memory_space<vmem>>
      %dma_wait3A_195 = tpu.memref_squeeze %dma_wait3A_194 : memref<1x100x64xf32, #tpu.memory_space<vmem>> -> memref<100x64xf32, #tpu.memory_space<vmem>>
      %dma_wait3A_196 = arith.constant 0 : i32
      %dma_wait3A_197 = tpu.memref_slice %arg5[%select_n3A_125, %select_n3A_141, %dma_wait3A_190, %dma_wait3A_196] : memref<2x16x5x100xi32, #tpu.memory_space<vmem>> -> memref<1x1x1x100xi32, #tpu.memory_space<vmem>>
      %dma_wait3A_198 = tpu.memref_squeeze %dma_wait3A_197 : memref<1x1x1x100xi32, #tpu.memory_space<vmem>> -> memref<100xi32, #tpu.memory_space<vmem>>
      %dma_wait3A_199 = arith.constant 0 : i32
      %dma_wait3A_200 = arith.constant 0 : i32
      %dma_wait3A_201 = tpu.memref_slice %arg3[%dma_wait3A_199, %dma_wait3A_200] : memref<1000000x64xf32, #tpu.memory_space<hbm>> -> memref<1000000x64xf32, #tpu.memory_space<hbm>>
      tpu.wait_indirect_dma semaphore(%arg8 : memref<!tpu.dma_semaphore, #tpu.memory_space<semaphore_mem>>) src(%dma_wait3A_201 : memref<1000000x64xf32, #tpu.memory_space<hbm>>) dst(%dma_wait3A_195 : memref<100x64xf32, #tpu.memory_space<vmem>>)
      %add3A_202 = arith.constant 1 : i32
      %add3A_203 = arith.addi %mul3A_94, %add3A_202 : i32
      %lt3A_204 = arith.constant 128 : i32
      %lt3A_205 = arith.cmpi slt, %add3A_203, %lt3A_204 : i32
      %convert_element_type3A = arith.extui %lt3A_205 : i1 to i32
      %cond3A = arith.constant 0 : i32
      %cond3A_206 = arith.cmpi ne, %convert_element_type3A, %cond3A : i32
      scf.if %cond3A_206 {
        %add3A_373 = arith.constant 1 : i32
        %add3A_374 = arith.addi %mul3A_94, %add3A_373 : i32
        %jit3A_375 = arith.constant 16 : i32
        %eq3A_376 = arith.constant 0 : i32
        %eq3A_377 = arith.cmpi eq, %jit3A_375, %eq3A_376 : i32
        %jit3A_378 = arith.constant 1 : i32
        %select_n3A_379 = arith.select %eq3A_377, %jit3A_378, %jit3A_375 : i32
        %rem3A_380 = arith.remsi %add3A_374, %select_n3A_379 : i32
        %ne3A_381 = arith.constant 0 : i32
        %ne3A_382 = arith.cmpi ne, %rem3A_380, %ne3A_381 : i32
        %lt3A_383 = arith.constant 0 : i32
        %lt3A_384 = arith.cmpi slt, %rem3A_380, %lt3A_383 : i32
        %lt3A_385 = arith.constant 0 : i32
        %lt3A_386 = arith.cmpi slt, %select_n3A_379, %lt3A_385 : i32
        %ne3A_387 = arith.xori %lt3A_384, %lt3A_386 : i1
        %and3A_388 = arith.andi %ne3A_387, %ne3A_382 : i1
        %add3A_389 = arith.addi %rem3A_380, %select_n3A_379 : i32
        %select_n3A_390 = arith.select %and3A_388, %add3A_389, %rem3A_380 : i32
        %eq3A_391 = arith.constant 0 : i32
        %eq3A_392 = arith.cmpi eq, %select_n3A_390, %eq3A_391 : i32
        %convert_element_type3A_393 = arith.extui %eq3A_392 : i1 to i32
        %cond3A_394 = arith.constant 0 : i32
        %cond3A_395 = arith.cmpi ne, %convert_element_type3A_393, %cond3A_394 : i32
        scf.if %cond3A_395 {
          %add3A_514 = arith.constant 1 : i32
          %add3A_515 = arith.addi %mul3A_94, %add3A_514 : i32
          %jit3A_516 = arith.constant 16 : i32
          %div3A_517 = arith.divsi %add3A_515, %jit3A_516 : i32
          %sign3A_518 = arith.constant 0 : i32
          %sign3A_519 = arith.cmpi sgt, %add3A_515, %sign3A_518 : i32
          %sign3A_520 = arith.extui %sign3A_519 : i1 to i32
          %sign3A_521 = arith.constant 0 : i32
          %sign3A_522 = arith.cmpi slt, %add3A_515, %sign3A_521 : i32
          %sign3A_523 = arith.extui %sign3A_522 : i1 to i32
          %sign3A_524 = arith.subi %sign3A_520, %sign3A_523 : i32
          %sign3A_525 = arith.constant 0 : i32
          %sign3A_526 = arith.cmpi sgt, %jit3A_516, %sign3A_525 : i32
          %sign3A_527 = arith.extui %sign3A_526 : i1 to i32
          %sign3A_528 = arith.constant 0 : i32
          %sign3A_529 = arith.cmpi slt, %jit3A_516, %sign3A_528 : i32
          %sign3A_530 = arith.extui %sign3A_529 : i1 to i32
          %sign3A_531 = arith.subi %sign3A_527, %sign3A_530 : i32
          %ne3A_532 = arith.cmpi ne, %sign3A_524, %sign3A_531 : i32
          %rem3A_533 = arith.remsi %add3A_515, %jit3A_516 : i32
          %ne3A_534 = arith.constant 0 : i32
          %ne3A_535 = arith.cmpi ne, %rem3A_533, %ne3A_534 : i32
          %and3A_536 = arith.andi %ne3A_532, %ne3A_535 : i1
          %sub3A_537 = arith.constant 1 : i32
          %sub3A_538 = arith.subi %div3A_517, %sub3A_537 : i32
          %select_n3A_539 = arith.select %and3A_536, %sub3A_538, %div3A_517 : i32
          %mul3A_540 = arith.constant 16 : i32
          %mul3A_541 = arith.muli %select_n3A_539, %mul3A_540 : i32
          %add3A_542 = arith.addi %mul3A_2, %mul3A_541 : i32
          %jit3A_543 = arith.constant 2 : i32
          %eq3A_544 = arith.constant 0 : i32
          %eq3A_545 = arith.cmpi eq, %jit3A_543, %eq3A_544 : i32
          %jit3A_546 = arith.constant 1 : i32
          %select_n3A_547 = arith.select %eq3A_545, %jit3A_546, %jit3A_543 : i32
          %rem3A_548 = arith.remsi %select_n3A_539, %select_n3A_547 : i32
          %ne3A_549 = arith.constant 0 : i32
          %ne3A_550 = arith.cmpi ne, %rem3A_548, %ne3A_549 : i32
          %lt3A_551 = arith.constant 0 : i32
          %lt3A_552 = arith.cmpi slt, %rem3A_548, %lt3A_551 : i32
          %lt3A_553 = arith.constant 0 : i32
          %lt3A_554 = arith.cmpi slt, %select_n3A_547, %lt3A_553 : i32
          %ne3A_555 = arith.xori %lt3A_552, %lt3A_554 : i1
          %and3A_556 = arith.andi %ne3A_555, %ne3A_550 : i1
          %add3A_557 = arith.addi %rem3A_548, %select_n3A_547 : i32
          %select_n3A_558 = arith.select %and3A_556, %add3A_557, %rem3A_548 : i32
          "tpu.region"() ({
            %run_scoped3A_559 = tpu.sem_alloc : memref<!tpu.dma_semaphore, #tpu.memory_space<semaphore_mem>>
            %dma_start3A_560 = arith.constant 0 : i32
            %dma_start3A_561 = arith.constant 0 : i32
            %dma_start3A_562 = arith.constant 0 : i32
            %dma_start3A_563 = tpu.memref_slice %arg5[%select_n3A_558, %dma_start3A_560, %dma_start3A_561, %dma_start3A_562] : memref<2x16x5x100xi32, #tpu.memory_space<vmem>> -> memref<1x16x5x100xi32, #tpu.memory_space<vmem>>
            %dma_start3A_564 = tpu.memref_squeeze %dma_start3A_563 : memref<1x16x5x100xi32, #tpu.memory_space<vmem>> -> memref<16x5x100xi32, #tpu.memory_space<vmem>>
            %dma_start3A_565 = arith.constant 0 : i32
            %dma_start3A_566 = arith.constant 0 : i32
            %dma_start3A_567 = tpu.memref_slice %arg2[%add3A_542, %dma_start3A_565, %dma_start3A_566] : memref<4096x5x100xi32, #tpu.memory_space<hbm>> -> memref<16x5x100xi32, #tpu.memory_space<hbm>>
            %dma_start3A_568 = arith.constant 0 : i32
            %dma_start3A_569 = arith.constant 0 : i32
            %dma_start3A_570 = arith.constant 0 : i32
            %dma_start3A_571 = tpu.memref_slice %arg5[%select_n3A_558, %dma_start3A_568, %dma_start3A_569, %dma_start3A_570] : memref<2x16x5x100xi32, #tpu.memory_space<vmem>> -> memref<1x16x5x100xi32, #tpu.memory_space<vmem>>
            %dma_start3A_572 = tpu.memref_squeeze %dma_start3A_571 : memref<1x16x5x100xi32, #tpu.memory_space<vmem>> -> memref<16x5x100xi32, #tpu.memory_space<vmem>>
            %dma_start3A_573 = arith.constant 0 : i32
            %dma_start3A_574 = arith.constant 0 : i32
            %dma_start3A_575 = tpu.memref_slice %arg2[%add3A_542, %dma_start3A_573, %dma_start3A_574] : memref<4096x5x100xi32, #tpu.memory_space<hbm>> -> memref<16x5x100xi32, #tpu.memory_space<hbm>>
            tpu.enqueue_dma source(%dma_start3A_575 : memref<16x5x100xi32, #tpu.memory_space<hbm>>) target(%dma_start3A_572 : memref<16x5x100xi32, #tpu.memory_space<vmem>>) target_semaphore(%run_scoped3A_559 : memref<!tpu.dma_semaphore, #tpu.memory_space<semaphore_mem>>)
            %dma_wait3A_576 = arith.constant 0 : i32
            %dma_wait3A_577 = arith.constant 0 : i32
            %dma_wait3A_578 = arith.constant 0 : i32
            %dma_wait3A_579 = tpu.memref_slice %arg5[%select_n3A_558, %dma_wait3A_576, %dma_wait3A_577, %dma_wait3A_578] : memref<2x16x5x100xi32, #tpu.memory_space<vmem>> -> memref<1x16x5x100xi32, #tpu.memory_space<vmem>>
            %dma_wait3A_580 = tpu.memref_squeeze %dma_wait3A_579 : memref<1x16x5x100xi32, #tpu.memory_space<vmem>> -> memref<16x5x100xi32, #tpu.memory_space<vmem>>
            %dma_wait3A_581 = arith.constant 0 : i32
            %dma_wait3A_582 = arith.constant 0 : i32
            %dma_wait3A_583 = tpu.memref_slice %arg2[%add3A_542, %dma_wait3A_581, %dma_wait3A_582] : memref<4096x5x100xi32, #tpu.memory_space<hbm>> -> memref<16x5x100xi32, #tpu.memory_space<hbm>>
            %dma_wait3A_584 = arith.constant 0 : i32
            %dma_wait3A_585 = arith.constant 0 : i32
            %dma_wait3A_586 = arith.constant 0 : i32
            %dma_wait3A_587 = tpu.memref_slice %arg5[%select_n3A_558, %dma_wait3A_584, %dma_wait3A_585, %dma_wait3A_586] : memref<2x16x5x100xi32, #tpu.memory_space<vmem>> -> memref<1x16x5x100xi32, #tpu.memory_space<vmem>>
            %dma_wait3A_588 = tpu.memref_squeeze %dma_wait3A_587 : memref<1x16x5x100xi32, #tpu.memory_space<vmem>> -> memref<16x5x100xi32, #tpu.memory_space<vmem>>
            %dma_wait3A_589 = arith.constant 0 : i32
            %dma_wait3A_590 = arith.constant 0 : i32
            %dma_wait3A_591 = tpu.memref_slice %arg2[%add3A_542, %dma_wait3A_589, %dma_wait3A_590] : memref<4096x5x100xi32, #tpu.memory_space<hbm>> -> memref<16x5x100xi32, #tpu.memory_space<hbm>>
            tpu.wait_dma2 semaphore(%run_scoped3A_559 : memref<!tpu.dma_semaphore, #tpu.memory_space<semaphore_mem>>) src(%dma_wait3A_591 : memref<16x5x100xi32, #tpu.memory_space<hbm>>) dst(%dma_wait3A_588 : memref<16x5x100xi32, #tpu.memory_space<vmem>>)
            tpu.yield
          }) : () -> ()
        } else {
        }
        %add3A_396 = arith.constant 1 : i32
        %add3A_397 = arith.addi %mul3A_94, %add3A_396 : i32
        %jit3A_398 = arith.constant 16 : i32
        %div3A_399 = arith.divsi %add3A_397, %jit3A_398 : i32
        %sign3A_400 = arith.constant 0 : i32
        %sign3A_401 = arith.cmpi sgt, %add3A_397, %sign3A_400 : i32
        %sign3A_402 = arith.extui %sign3A_401 : i1 to i32
        %sign3A_403 = arith.constant 0 : i32
        %sign3A_404 = arith.cmpi slt, %add3A_397, %sign3A_403 : i32
        %sign3A_405 = arith.extui %sign3A_404 : i1 to i32
        %sign3A_406 = arith.subi %sign3A_402, %sign3A_405 : i32
        %sign3A_407 = arith.constant 0 : i32
        %sign3A_408 = arith.cmpi sgt, %jit3A_398, %sign3A_407 : i32
        %sign3A_409 = arith.extui %sign3A_408 : i1 to i32
        %sign3A_410 = arith.constant 0 : i32
        %sign3A_411 = arith.cmpi slt, %jit3A_398, %sign3A_410 : i32
        %sign3A_412 = arith.extui %sign3A_411 : i1 to i32
        %sign3A_413 = arith.subi %sign3A_409, %sign3A_412 : i32
        %ne3A_414 = arith.cmpi ne, %sign3A_406, %sign3A_413 : i32
        %rem3A_415 = arith.remsi %add3A_397, %jit3A_398 : i32
        %ne3A_416 = arith.constant 0 : i32
        %ne3A_417 = arith.cmpi ne, %rem3A_415, %ne3A_416 : i32
        %and3A_418 = arith.andi %ne3A_414, %ne3A_417 : i1
        %sub3A_419 = arith.constant 1 : i32
        %sub3A_420 = arith.subi %div3A_399, %sub3A_419 : i32
        %select_n3A_421 = arith.select %and3A_418, %sub3A_420, %div3A_399 : i32
        %jit3A_422 = arith.constant 2 : i32
        %eq3A_423 = arith.constant 0 : i32
        %eq3A_424 = arith.cmpi eq, %jit3A_422, %eq3A_423 : i32
        %jit3A_425 = arith.constant 1 : i32
        %select_n3A_426 = arith.select %eq3A_424, %jit3A_425, %jit3A_422 : i32
        %rem3A_427 = arith.remsi %select_n3A_421, %select_n3A_426 : i32
        %ne3A_428 = arith.constant 0 : i32
        %ne3A_429 = arith.cmpi ne, %rem3A_427, %ne3A_428 : i32
        %lt3A_430 = arith.constant 0 : i32
        %lt3A_431 = arith.cmpi slt, %rem3A_427, %lt3A_430 : i32
        %lt3A_432 = arith.constant 0 : i32
        %lt3A_433 = arith.cmpi slt, %select_n3A_426, %lt3A_432 : i32
        %ne3A_434 = arith.xori %lt3A_431, %lt3A_433 : i1
        %and3A_435 = arith.andi %ne3A_434, %ne3A_429 : i1
        %add3A_436 = arith.addi %rem3A_427, %select_n3A_426 : i32
        %select_n3A_437 = arith.select %and3A_435, %add3A_436, %rem3A_427 : i32
        %jit3A_438 = arith.constant 16 : i32
        %eq3A_439 = arith.constant 0 : i32
        %eq3A_440 = arith.cmpi eq, %jit3A_438, %eq3A_439 : i32
        %jit3A_441 = arith.constant 1 : i32
        %select_n3A_442 = arith.select %eq3A_440, %jit3A_441, %jit3A_438 : i32
        %rem3A_443 = arith.remsi %add3A_397, %select_n3A_442 : i32
        %ne3A_444 = arith.constant 0 : i32
        %ne3A_445 = arith.cmpi ne, %rem3A_443, %ne3A_444 : i32
        %lt3A_446 = arith.constant 0 : i32
        %lt3A_447 = arith.cmpi slt, %rem3A_443, %lt3A_446 : i32
        %lt3A_448 = arith.constant 0 : i32
        %lt3A_449 = arith.cmpi slt, %select_n3A_442, %lt3A_448 : i32
        %ne3A_450 = arith.xori %lt3A_447, %lt3A_449 : i1
        %and3A_451 = arith.andi %ne3A_450, %ne3A_445 : i1
        %add3A_452 = arith.addi %rem3A_443, %select_n3A_442 : i32
        %select_n3A_453 = arith.select %and3A_451, %add3A_452, %rem3A_443 : i32
        %dma_start3A_454 = arith.constant 0 : i32
        %dma_start3A_455 = arith.constant 1 : i32
        %dma_start3A_456 = arith.constant 0 : i32
        %dma_start3A_457 = arith.constant 0 : i32
        %dma_start3A_458 = tpu.memref_slice %arg6[%dma_start3A_455, %dma_start3A_456, %dma_start3A_457] : memref<2x500x64xf32, #tpu.memory_space<vmem>> -> memref<1x100x64xf32, #tpu.memory_space<vmem>>
        %dma_start3A_459 = tpu.memref_squeeze %dma_start3A_458 : memref<1x100x64xf32, #tpu.memory_space<vmem>> -> memref<100x64xf32, #tpu.memory_space<vmem>>
        %dma_start3A_460 = arith.constant 0 : i32
        %dma_start3A_461 = tpu.memref_slice %arg5[%select_n3A_437, %select_n3A_453, %dma_start3A_454, %dma_start3A_460] : memref<2x16x5x100xi32, #tpu.memory_space<vmem>> -> memref<1x1x1x100xi32, #tpu.memory_space<vmem>>
        %dma_start3A_462 = tpu.memref_squeeze %dma_start3A_461 : memref<1x1x1x100xi32, #tpu.memory_space<vmem>> -> memref<100xi32, #tpu.memory_space<vmem>>
        %dma_start3A_463 = arith.constant 0 : i32
        %dma_start3A_464 = arith.constant 0 : i32
        %dma_start3A_465 = tpu.memref_slice %arg3[%dma_start3A_463, %dma_start3A_464] : memref<1000000x64xf32, #tpu.memory_space<hbm>> -> memref<1000000x64xf32, #tpu.memory_space<hbm>>
        tpu.enqueue_indirect_dma source(%dma_start3A_465 : memref<1000000x64xf32, #tpu.memory_space<hbm>>) target(%dma_start3A_459 : memref<100x64xf32, #tpu.memory_space<vmem>>) offsets(%dma_start3A_462 : memref<100xi32, #tpu.memory_space<vmem>>) semaphore(%arg9 : memref<!tpu.dma_semaphore, #tpu.memory_space<semaphore_mem>>)
        %dma_start3A_466 = arith.constant 1 : i32
        %dma_start3A_467 = arith.constant 1 : i32
        %dma_start3A_468 = arith.constant 100 : i32
        %dma_start3A_469 = arith.constant 0 : i32
        %dma_start3A_470 = tpu.memref_slice %arg6[%dma_start3A_467, %dma_start3A_468, %dma_start3A_469] : memref<2x500x64xf32, #tpu.memory_space<vmem>> -> memref<1x100x64xf32, #tpu.memory_space<vmem>>
        %dma_start3A_471 = tpu.memref_squeeze %dma_start3A_470 : memref<1x100x64xf32, #tpu.memory_space<vmem>> -> memref<100x64xf32, #tpu.memory_space<vmem>>
        %dma_start3A_472 = arith.constant 0 : i32
        %dma_start3A_473 = tpu.memref_slice %arg5[%select_n3A_437, %select_n3A_453, %dma_start3A_466, %dma_start3A_472] : memref<2x16x5x100xi32, #tpu.memory_space<vmem>> -> memref<1x1x1x100xi32, #tpu.memory_space<vmem>>
        %dma_start3A_474 = tpu.memref_squeeze %dma_start3A_473 : memref<1x1x1x100xi32, #tpu.memory_space<vmem>> -> memref<100xi32, #tpu.memory_space<vmem>>
        %dma_start3A_475 = arith.constant 0 : i32
        %dma_start3A_476 = arith.constant 0 : i32
        %dma_start3A_477 = tpu.memref_slice %arg3[%dma_start3A_475, %dma_start3A_476] : memref<1000000x64xf32, #tpu.memory_space<hbm>> -> memref<1000000x64xf32, #tpu.memory_space<hbm>>
        tpu.enqueue_indirect_dma source(%dma_start3A_477 : memref<1000000x64xf32, #tpu.memory_space<hbm>>) target(%dma_start3A_471 : memref<100x64xf32, #tpu.memory_space<vmem>>) offsets(%dma_start3A_474 : memref<100xi32, #tpu.memory_space<vmem>>) semaphore(%arg9 : memref<!tpu.dma_semaphore, #tpu.memory_space<semaphore_mem>>)
        %dma_start3A_478 = arith.constant 2 : i32
        %dma_start3A_479 = arith.constant 1 : i32
        %dma_start3A_480 = arith.constant 200 : i32
        %dma_start3A_481 = arith.constant 0 : i32
        %dma_start3A_482 = tpu.memref_slice %arg6[%dma_start3A_479, %dma_start3A_480, %dma_start3A_481] : memref<2x500x64xf32, #tpu.memory_space<vmem>> -> memref<1x100x64xf32, #tpu.memory_space<vmem>>
        %dma_start3A_483 = tpu.memref_squeeze %dma_start3A_482 : memref<1x100x64xf32, #tpu.memory_space<vmem>> -> memref<100x64xf32, #tpu.memory_space<vmem>>
        %dma_start3A_484 = arith.constant 0 : i32
        %dma_start3A_485 = tpu.memref_slice %arg5[%select_n3A_437, %select_n3A_453, %dma_start3A_478, %dma_start3A_484] : memref<2x16x5x100xi32, #tpu.memory_space<vmem>> -> memref<1x1x1x100xi32, #tpu.memory_space<vmem>>
        %dma_start3A_486 = tpu.memref_squeeze %dma_start3A_485 : memref<1x1x1x100xi32, #tpu.memory_space<vmem>> -> memref<100xi32, #tpu.memory_space<vmem>>
        %dma_start3A_487 = arith.constant 0 : i32
        %dma_start3A_488 = arith.constant 0 : i32
        %dma_start3A_489 = tpu.memref_slice %arg3[%dma_start3A_487, %dma_start3A_488] : memref<1000000x64xf32, #tpu.memory_space<hbm>> -> memref<1000000x64xf32, #tpu.memory_space<hbm>>
        tpu.enqueue_indirect_dma source(%dma_start3A_489 : memref<1000000x64xf32, #tpu.memory_space<hbm>>) target(%dma_start3A_483 : memref<100x64xf32, #tpu.memory_space<vmem>>) offsets(%dma_start3A_486 : memref<100xi32, #tpu.memory_space<vmem>>) semaphore(%arg9 : memref<!tpu.dma_semaphore, #tpu.memory_space<semaphore_mem>>)
        %dma_start3A_490 = arith.constant 3 : i32
        %dma_start3A_491 = arith.constant 1 : i32
        %dma_start3A_492 = arith.constant 300 : i32
        %dma_start3A_493 = arith.constant 0 : i32
        %dma_start3A_494 = tpu.memref_slice %arg6[%dma_start3A_491, %dma_start3A_492, %dma_start3A_493] : memref<2x500x64xf32, #tpu.memory_space<vmem>> -> memref<1x100x64xf32, #tpu.memory_space<vmem>>
        %dma_start3A_495 = tpu.memref_squeeze %dma_start3A_494 : memref<1x100x64xf32, #tpu.memory_space<vmem>> -> memref<100x64xf32, #tpu.memory_space<vmem>>
        %dma_start3A_496 = arith.constant 0 : i32
        %dma_start3A_497 = tpu.memref_slice %arg5[%select_n3A_437, %select_n3A_453, %dma_start3A_490, %dma_start3A_496] : memref<2x16x5x100xi32, #tpu.memory_space<vmem>> -> memref<1x1x1x100xi32, #tpu.memory_space<vmem>>
        %dma_start3A_498 = tpu.memref_squeeze %dma_start3A_497 : memref<1x1x1x100xi32, #tpu.memory_space<vmem>> -> memref<100xi32, #tpu.memory_space<vmem>>
        %dma_start3A_499 = arith.constant 0 : i32
        %dma_start3A_500 = arith.constant 0 : i32
        %dma_start3A_501 = tpu.memref_slice %arg3[%dma_start3A_499, %dma_start3A_500] : memref<1000000x64xf32, #tpu.memory_space<hbm>> -> memref<1000000x64xf32, #tpu.memory_space<hbm>>
        tpu.enqueue_indirect_dma source(%dma_start3A_501 : memref<1000000x64xf32, #tpu.memory_space<hbm>>) target(%dma_start3A_495 : memref<100x64xf32, #tpu.memory_space<vmem>>) offsets(%dma_start3A_498 : memref<100xi32, #tpu.memory_space<vmem>>) semaphore(%arg9 : memref<!tpu.dma_semaphore, #tpu.memory_space<semaphore_mem>>)
        %dma_start3A_502 = arith.constant 4 : i32
        %dma_start3A_503 = arith.constant 1 : i32
        %dma_start3A_504 = arith.constant 400 : i32
        %dma_start3A_505 = arith.constant 0 : i32
        %dma_start3A_506 = tpu.memref_slice %arg6[%dma_start3A_503, %dma_start3A_504, %dma_start3A_505] : memref<2x500x64xf32, #tpu.memory_space<vmem>> -> memref<1x100x64xf32, #tpu.memory_space<vmem>>
        %dma_start3A_507 = tpu.memref_squeeze %dma_start3A_506 : memref<1x100x64xf32, #tpu.memory_space<vmem>> -> memref<100x64xf32, #tpu.memory_space<vmem>>
        %dma_start3A_508 = arith.constant 0 : i32
        %dma_start3A_509 = tpu.memref_slice %arg5[%select_n3A_437, %select_n3A_453, %dma_start3A_502, %dma_start3A_508] : memref<2x16x5x100xi32, #tpu.memory_space<vmem>> -> memref<1x1x1x100xi32, #tpu.memory_space<vmem>>
        %dma_start3A_510 = tpu.memref_squeeze %dma_start3A_509 : memref<1x1x1x100xi32, #tpu.memory_space<vmem>> -> memref<100xi32, #tpu.memory_space<vmem>>
        %dma_start3A_511 = arith.constant 0 : i32
        %dma_start3A_512 = arith.constant 0 : i32
        %dma_start3A_513 = tpu.memref_slice %arg3[%dma_start3A_511, %dma_start3A_512] : memref<1000000x64xf32, #tpu.memory_space<hbm>> -> memref<1000000x64xf32, #tpu.memory_space<hbm>>
        tpu.enqueue_indirect_dma source(%dma_start3A_513 : memref<1000000x64xf32, #tpu.memory_space<hbm>>) target(%dma_start3A_507 : memref<100x64xf32, #tpu.memory_space<vmem>>) offsets(%dma_start3A_510 : memref<100xi32, #tpu.memory_space<vmem>>) semaphore(%arg9 : memref<!tpu.dma_semaphore, #tpu.memory_space<semaphore_mem>>)
      } else {
      }
      %ge3A = arith.constant 1 : i32
      %ge3A_207 = arith.cmpi sge, %mul3A_94, %ge3A : i32
      %convert_element_type3A_208 = arith.extui %ge3A_207 : i1 to i32
      %cond3A_209 = arith.constant 0 : i32
      %cond3A_210 = arith.cmpi ne, %convert_element_type3A_208, %cond3A_209 : i32
      scf.if %cond3A_210 {
        %add3A_373 = arith.addi %mul3A_2, %mul3A_94 : i32
        %sub3A_374 = arith.constant 1 : i32
        %sub3A_375 = arith.subi %add3A_373, %sub3A_374 : i32
        %dma_wait3A_376 = arith.constant 0 : i32
        %dma_wait3A_377 = arith.constant 0 : i32
        %dma_wait3A_378 = tpu.memref_slice %arg4[%sub3A_375, %dma_wait3A_376, %dma_wait3A_377] : memref<4096x45x16xf32, #tpu.memory_space<hbm>> -> memref<1x45x16xf32, #tpu.memory_space<hbm>>
        %dma_wait3A_379 = tpu.memref_squeeze %dma_wait3A_378 : memref<1x45x16xf32, #tpu.memory_space<hbm>> -> memref<45x16xf32, #tpu.memory_space<hbm>>
        %dma_wait3A_380 = arith.constant 0 : i32
        %dma_wait3A_381 = arith.constant 0 : i32
        %dma_wait3A_382 = tpu.memref_slice %arg4[%sub3A_375, %dma_wait3A_380, %dma_wait3A_381] : memref<4096x45x16xf32, #tpu.memory_space<hbm>> -> memref<1x45x16xf32, #tpu.memory_space<hbm>>
        %dma_wait3A_383 = tpu.memref_squeeze %dma_wait3A_382 : memref<1x45x16xf32, #tpu.memory_space<hbm>> -> memref<45x16xf32, #tpu.memory_space<hbm>>
        tpu.wait_dma2 semaphore(%arg10 : memref<!tpu.dma_semaphore, #tpu.memory_space<semaphore_mem>>) src(%arg7 : memref<45x16xf32, #tpu.memory_space<vmem>>) dst(%dma_wait3A_383 : memref<45x16xf32, #tpu.memory_space<hbm>>)
      } else {
      }
      %scan3A_211 = arith.constant 0 : i32
      %scan3A_212 = arith.constant 0 : i32
      %scan3A_213 = arith.constant 45 : i32
      %scan3A_214 = arith.addi %scan3A_212, %scan3A_213 : i32
      %scan3A_215 = arith.constant 1 : i32
      scf.for %scan3A_373 = %scan3A_212 to %scan3A_214 step %scan3A_215  : i32 {
        %get3A = arith.constant 0 : i32
        %get3A_374 = arith.index_cast %get3A : i32 to index
        %get3A_375 = arith.index_cast %scan3A_373 : i32 to index
        %get3A_376 = arith.constant 0 : index
        %get3A_377 = tpu.vector_load %arg6[%get3A_374, %get3A_375, %get3A_376] {strides = array<i32>} : memref<2x500x64xf32, #tpu.memory_space<vmem>>, vector<16xf32>,
        %get3A_378 = arith.constant 0 : i32
        %get3A_379 = arith.index_cast %get3A_378 : i32 to index
        %get3A_380 = arith.index_cast %scan3A_373 : i32 to index
        %get3A_381 = arith.constant 16 : index
        %get3A_382 = tpu.vector_load %arg6[%get3A_379, %get3A_380, %get3A_381] {strides = array<i32>} : memref<2x500x64xf32, #tpu.memory_space<vmem>>, vector<16xf32>,
        %get3A_383 = arith.constant 0 : i32
        %get3A_384 = arith.index_cast %get3A_383 : i32 to index
        %get3A_385 = arith.index_cast %scan3A_373 : i32 to index
        %get3A_386 = arith.constant 32 : index
        %get3A_387 = tpu.vector_load %arg6[%get3A_384, %get3A_385, %get3A_386] {strides = array<i32>} : memref<2x500x64xf32, #tpu.memory_space<vmem>>, vector<16xf32>,
        %get3A_388 = arith.constant 0 : i32
        %get3A_389 = arith.index_cast %get3A_388 : i32 to index
        %get3A_390 = arith.index_cast %scan3A_373 : i32 to index
        %get3A_391 = arith.constant 48 : index
        %get3A_392 = tpu.vector_load %arg6[%get3A_389, %get3A_390, %get3A_391] {strides = array<i32>} : memref<2x500x64xf32, #tpu.memory_space<vmem>>, vector<16xf32>,
        %broadcast_in_dim3A = arith.constant 0.000000e+00 : f32
        %broadcast_in_dim3A_393 = vector.broadcast %broadcast_in_dim3A : f32 to vector<16xf32>
        %add3A_394 = arith.constant 1 : i32
        %add3A_395 = arith.addi %scan3A_373, %add3A_394 : i32
        %add3A_396 = arith.constant 0 : i32
        %add3A_397 = arith.addi %add3A_395, %add3A_396 : i32
        %get3A_398 = arith.constant 0 : i32
        %get3A_399 = arith.index_cast %get3A_398 : i32 to index
        %get3A_400 = arith.index_cast %add3A_397 : i32 to index
        %get3A_401 = arith.constant 0 : index
        %get3A_402 = tpu.vector_load %arg6[%get3A_399, %get3A_400, %get3A_401] {strides = array<i32>} : memref<2x500x64xf32, #tpu.memory_space<vmem>>, vector<16xf32>,
        %mul3A_403 = arith.mulf %get3A_377, %get3A_402 : vector<16xf32>
        %get3A_404 = arith.constant 0 : i32
        %get3A_405 = arith.index_cast %get3A_404 : i32 to index
        %get3A_406 = arith.index_cast %add3A_397 : i32 to index
        %get3A_407 = arith.constant 16 : index
        %get3A_408 = tpu.vector_load %arg6[%get3A_405, %get3A_406, %get3A_407] {strides = array<i32>} : memref<2x500x64xf32, #tpu.memory_space<vmem>>, vector<16xf32>,
        %mul3A_409 = arith.mulf %get3A_382, %get3A_408 : vector<16xf32>
        %add3A_410 = arith.addf %mul3A_403, %mul3A_409 : vector<16xf32>
        %get3A_411 = arith.constant 0 : i32
        %get3A_412 = arith.index_cast %get3A_411 : i32 to index
        %get3A_413 = arith.index_cast %add3A_397 : i32 to index
        %get3A_414 = arith.constant 32 : index
        %get3A_415 = tpu.vector_load %arg6[%get3A_412, %get3A_413, %get3A_414] {strides = array<i32>} : memref<2x500x64xf32, #tpu.memory_space<vmem>>, vector<16xf32>,
        %mul3A_416 = arith.mulf %get3A_387, %get3A_415 : vector<16xf32>
        %add3A_417 = arith.addf %add3A_410, %mul3A_416 : vector<16xf32>
        %get3A_418 = arith.constant 0 : i32
        %get3A_419 = arith.index_cast %get3A_418 : i32 to index
        %get3A_420 = arith.index_cast %add3A_397 : i32 to index
        %get3A_421 = arith.constant 48 : index
        %get3A_422 = tpu.vector_load %arg6[%get3A_419, %get3A_420, %get3A_421] {strides = array<i32>} : memref<2x500x64xf32, #tpu.memory_space<vmem>>, vector<16xf32>,
        %mul3A_423 = arith.mulf %get3A_392, %get3A_422 : vector<16xf32>
        %add3A_424 = arith.addf %add3A_417, %mul3A_423 : vector<16xf32>
        %reduce_sum3A = arith.constant true
        %reduce_sum3A_425 = vector.broadcast %reduce_sum3A : i1 to vector<16xi1>
        %reduce_sum3A_426 = tpu.scan <sum>, %add3A_424 masked %reduce_sum3A_425 : vector<16xf32>, vector<16xi1> -> vector<16xf32>
        %reduce_sum3A_427 = vector.extract %reduce_sum3A_426[15] : f32 from vector<16xf32>
        %eq3A_428 = arith.constant 0 : i32
        %eq3A_429 = vector.broadcast %eq3A_428 : i32 to vector<16xi32>
        %eq3A_430 = arith.cmpi eq, %iota3A, %eq3A_429 : vector<16xi32>
        %broadcast_in_dim3A_431 = vector.broadcast %reduce_sum3A_427 : f32 to vector<16xf32>
        %select_n3A_432 = arith.select %eq3A_430, %broadcast_in_dim3A_431, %broadcast_in_dim3A_393 : vector<16xi1>, vector<16xf32>
        %add3A_433 = arith.constant 1 : i32
        %add3A_434 = arith.addi %scan3A_373, %add3A_433 : i32
        %add3A_435 = arith.constant 1 : i32
        %add3A_436 = arith.addi %add3A_434, %add3A_435 : i32
        %get3A_437 = arith.constant 0 : i32
        %get3A_438 = arith.index_cast %get3A_437 : i32 to index
        %get3A_439 = arith.index_cast %add3A_436 : i32 to index
        %get3A_440 = arith.constant 0 : index
        %get3A_441 = tpu.vector_load %arg6[%get3A_438, %get3A_439, %get3A_440] {strides = array<i32>} : memref<2x500x64xf32, #tpu.memory_space<vmem>>, vector<16xf32>,
        %mul3A_442 = arith.mulf %get3A_377, %get3A_441 : vector<16xf32>
        %get3A_443 = arith.constant 0 : i32
        %get3A_444 = arith.index_cast %get3A_443 : i32 to index
        %get3A_445 = arith.index_cast %add3A_436 : i32 to index
        %get3A_446 = arith.constant 16 : index
        %get3A_447 = tpu.vector_load %arg6[%get3A_444, %get3A_445, %get3A_446] {strides = array<i32>} : memref<2x500x64xf32, #tpu.memory_space<vmem>>, vector<16xf32>,
        %mul3A_448 = arith.mulf %get3A_382, %get3A_447 : vector<16xf32>
        %add3A_449 = arith.addf %mul3A_442, %mul3A_448 : vector<16xf32>
        %get3A_450 = arith.constant 0 : i32
        %get3A_451 = arith.index_cast %get3A_450 : i32 to index
        %get3A_452 = arith.index_cast %add3A_436 : i32 to index
        %get3A_453 = arith.constant 32 : index
        %get3A_454 = tpu.vector_load %arg6[%get3A_451, %get3A_452, %get3A_453] {strides = array<i32>} : memref<2x500x64xf32, #tpu.memory_space<vmem>>, vector<16xf32>,
        %mul3A_455 = arith.mulf %get3A_387, %get3A_454 : vector<16xf32>
        %add3A_456 = arith.addf %add3A_449, %mul3A_455 : vector<16xf32>
        %get3A_457 = arith.constant 0 : i32
        %get3A_458 = arith.index_cast %get3A_457 : i32 to index
        %get3A_459 = arith.index_cast %add3A_436 : i32 to index
        %get3A_460 = arith.constant 48 : index
        %get3A_461 = tpu.vector_load %arg6[%get3A_458, %get3A_459, %get3A_460] {strides = array<i32>} : memref<2x500x64xf32, #tpu.memory_space<vmem>>, vector<16xf32>,
        %mul3A_462 = arith.mulf %get3A_392, %get3A_461 : vector<16xf32>
        %add3A_463 = arith.addf %add3A_456, %mul3A_462 : vector<16xf32>
        %reduce_sum3A_464 = arith.constant true
        %reduce_sum3A_465 = vector.broadcast %reduce_sum3A_464 : i1 to vector<16xi1>
        %reduce_sum3A_466 = tpu.scan <sum>, %add3A_463 masked %reduce_sum3A_465 : vector<16xf32>, vector<16xi1> -> vector<16xf32>
        %reduce_sum3A_467 = vector.extract %reduce_sum3A_466[15] : f32 from vector<16xf32>
        %eq3A_468 = arith.constant 1 : i32
        %eq3A_469 = vector.broadcast %eq3A_468 : i32 to vector<16xi32>
        %eq3A_470 = arith.cmpi eq, %iota3A, %eq3A_469 : vector<16xi32>
        %broadcast_in_dim3A_471 = vector.broadcast %reduce_sum3A_467 : f32 to vector<16xf32>
        %select_n3A_472 = arith.select %eq3A_470, %broadcast_in_dim3A_471, %select_n3A_432 : vector<16xi1>, vector<16xf32>
        %add3A_473 = arith.constant 1 : i32
        %add3A_474 = arith.addi %scan3A_373, %add3A_473 : i32
        %add3A_475 = arith.constant 2 : i32
        %add3A_476 = arith.addi %add3A_474, %add3A_475 : i32
        %get3A_477 = arith.constant 0 : i32
        %get3A_478 = arith.index_cast %get3A_477 : i32 to index
        %get3A_479 = arith.index_cast %add3A_476 : i32 to index
        %get3A_480 = arith.constant 0 : index
        %get3A_481 = tpu.vector_load %arg6[%get3A_478, %get3A_479, %get3A_480] {strides = array<i32>} : memref<2x500x64xf32, #tpu.memory_space<vmem>>, vector<16xf32>,
        %mul3A_482 = arith.mulf %get3A_377, %get3A_481 : vector<16xf32>
        %get3A_483 = arith.constant 0 : i32
        %get3A_484 = arith.index_cast %get3A_483 : i32 to index
        %get3A_485 = arith.index_cast %add3A_476 : i32 to index
        %get3A_486 = arith.constant 16 : index
        %get3A_487 = tpu.vector_load %arg6[%get3A_484, %get3A_485, %get3A_486] {strides = array<i32>} : memref<2x500x64xf32, #tpu.memory_space<vmem>>, vector<16xf32>,
        %mul3A_488 = arith.mulf %get3A_382, %get3A_487 : vector<16xf32>
        %add3A_489 = arith.addf %mul3A_482, %mul3A_488 : vector<16xf32>
        %get3A_490 = arith.constant 0 : i32
        %get3A_491 = arith.index_cast %get3A_490 : i32 to index
        %get3A_492 = arith.index_cast %add3A_476 : i32 to index
        %get3A_493 = arith.constant 32 : index
        %get3A_494 = tpu.vector_load %arg6[%get3A_491, %get3A_492, %get3A_493] {strides = array<i32>} : memref<2x500x64xf32, #tpu.memory_space<vmem>>, vector<16xf32>,
        %mul3A_495 = arith.mulf %get3A_387, %get3A_494 : vector<16xf32>
        %add3A_496 = arith.addf %add3A_489, %mul3A_495 : vector<16xf32>
        %get3A_497 = arith.constant 0 : i32
        %get3A_498 = arith.index_cast %get3A_497 : i32 to index
        %get3A_499 = arith.index_cast %add3A_476 : i32 to index
        %get3A_500 = arith.constant 48 : index
        %get3A_501 = tpu.vector_load %arg6[%get3A_498, %get3A_499, %get3A_500] {strides = array<i32>} : memref<2x500x64xf32, #tpu.memory_space<vmem>>, vector<16xf32>,
        %mul3A_502 = arith.mulf %get3A_392, %get3A_501 : vector<16xf32>
        %add3A_503 = arith.addf %add3A_496, %mul3A_502 : vector<16xf32>
        %reduce_sum3A_504 = arith.constant true
        %reduce_sum3A_505 = vector.broadcast %reduce_sum3A_504 : i1 to vector<16xi1>
        %reduce_sum3A_506 = tpu.scan <sum>, %add3A_503 masked %reduce_sum3A_505 : vector<16xf32>, vector<16xi1> -> vector<16xf32>
        %reduce_sum3A_507 = vector.extract %reduce_sum3A_506[15] : f32 from vector<16xf32>
        %eq3A_508 = arith.constant 2 : i32
        %eq3A_509 = vector.broadcast %eq3A_508 : i32 to vector<16xi32>
        %eq3A_510 = arith.cmpi eq, %iota3A, %eq3A_509 : vector<16xi32>
        %broadcast_in_dim3A_511 = vector.broadcast %reduce_sum3A_507 : f32 to vector<16xf32>
        %select_n3A_512 = arith.select %eq3A_510, %broadcast_in_dim3A_511, %select_n3A_472 : vector<16xi1>, vector<16xf32>
        %add3A_513 = arith.constant 1 : i32
        %add3A_514 = arith.addi %scan3A_373, %add3A_513 : i32
        %add3A_515 = arith.constant 3 : i32
        %add3A_516 = arith.addi %add3A_514, %add3A_515 : i32
        %get3A_517 = arith.constant 0 : i32
        %get3A_518 = arith.index_cast %get3A_517 : i32 to index
        %get3A_519 = arith.index_cast %add3A_516 : i32 to index
        %get3A_520 = arith.constant 0 : index
        %get3A_521 = tpu.vector_load %arg6[%get3A_518, %get3A_519, %get3A_520] {strides = array<i32>} : memref<2x500x64xf32, #tpu.memory_space<vmem>>, vector<16xf32>,
        %mul3A_522 = arith.mulf %get3A_377, %get3A_521 : vector<16xf32>
        %get3A_523 = arith.constant 0 : i32
        %get3A_524 = arith.index_cast %get3A_523 : i32 to index
        %get3A_525 = arith.index_cast %add3A_516 : i32 to index
        %get3A_526 = arith.constant 16 : index
        %get3A_527 = tpu.vector_load %arg6[%get3A_524, %get3A_525, %get3A_526] {strides = array<i32>} : memref<2x500x64xf32, #tpu.memory_space<vmem>>, vector<16xf32>,
        %mul3A_528 = arith.mulf %get3A_382, %get3A_527 : vector<16xf32>
        %add3A_529 = arith.addf %mul3A_522, %mul3A_528 : vector<16xf32>
        %get3A_530 = arith.constant 0 : i32
        %get3A_531 = arith.index_cast %get3A_530 : i32 to index
        %get3A_532 = arith.index_cast %add3A_516 : i32 to index
        %get3A_533 = arith.constant 32 : index
        %get3A_534 = tpu.vector_load %arg6[%get3A_531, %get3A_532, %get3A_533] {strides = array<i32>} : memref<2x500x64xf32, #tpu.memory_space<vmem>>, vector<16xf32>,
        %mul3A_535 = arith.mulf %get3A_387, %get3A_534 : vector<16xf32>
        %add3A_536 = arith.addf %add3A_529, %mul3A_535 : vector<16xf32>
        %get3A_537 = arith.constant 0 : i32
        %get3A_538 = arith.index_cast %get3A_537 : i32 to index
        %get3A_539 = arith.index_cast %add3A_516 : i32 to index
        %get3A_540 = arith.constant 48 : index
        %get3A_541 = tpu.vector_load %arg6[%get3A_538, %get3A_539, %get3A_540] {strides = array<i32>} : memref<2x500x64xf32, #tpu.memory_space<vmem>>, vector<16xf32>,
        %mul3A_542 = arith.mulf %get3A_392, %get3A_541 : vector<16xf32>
        %add3A_543 = arith.addf %add3A_536, %mul3A_542 : vector<16xf32>
        %reduce_sum3A_544 = arith.constant true
        %reduce_sum3A_545 = vector.broadcast %reduce_sum3A_544 : i1 to vector<16xi1>
        %reduce_sum3A_546 = tpu.scan <sum>, %add3A_543 masked %reduce_sum3A_545 : vector<16xf32>, vector<16xi1> -> vector<16xf32>
        %reduce_sum3A_547 = vector.extract %reduce_sum3A_546[15] : f32 from vector<16xf32>
        %eq3A_548 = arith.constant 3 : i32
        %eq3A_549 = vector.broadcast %eq3A_548 : i32 to vector<16xi32>
        %eq3A_550 = arith.cmpi eq, %iota3A, %eq3A_549 : vector<16xi32>
        %broadcast_in_dim3A_551 = vector.broadcast %reduce_sum3A_547 : f32 to vector<16xf32>
        %select_n3A_552 = arith.select %eq3A_550, %broadcast_in_dim3A_551, %select_n3A_512 : vector<16xi1>, vector<16xf32>
        %add3A_553 = arith.constant 1 : i32
        %add3A_554 = arith.addi %scan3A_373, %add3A_553 : i32
        %add3A_555 = arith.constant 4 : i32
        %add3A_556 = arith.addi %add3A_554, %add3A_555 : i32
        %get3A_557 = arith.constant 0 : i32
        %get3A_558 = arith.index_cast %get3A_557 : i32 to index
        %get3A_559 = arith.index_cast %add3A_556 : i32 to index
        %get3A_560 = arith.constant 0 : index
        %get3A_561 = tpu.vector_load %arg6[%get3A_558, %get3A_559, %get3A_560] {strides = array<i32>} : memref<2x500x64xf32, #tpu.memory_space<vmem>>, vector<16xf32>,
        %mul3A_562 = arith.mulf %get3A_377, %get3A_561 : vector<16xf32>
        %get3A_563 = arith.constant 0 : i32
        %get3A_564 = arith.index_cast %get3A_563 : i32 to index
        %get3A_565 = arith.index_cast %add3A_556 : i32 to index
        %get3A_566 = arith.constant 16 : index
        %get3A_567 = tpu.vector_load %arg6[%get3A_564, %get3A_565, %get3A_566] {strides = array<i32>} : memref<2x500x64xf32, #tpu.memory_space<vmem>>, vector<16xf32>,
        %mul3A_568 = arith.mulf %get3A_382, %get3A_567 : vector<16xf32>
        %add3A_569 = arith.addf %mul3A_562, %mul3A_568 : vector<16xf32>
        %get3A_570 = arith.constant 0 : i32
        %get3A_571 = arith.index_cast %get3A_570 : i32 to index
        %get3A_572 = arith.index_cast %add3A_556 : i32 to index
        %get3A_573 = arith.constant 32 : index
        %get3A_574 = tpu.vector_load %arg6[%get3A_571, %get3A_572, %get3A_573] {strides = array<i32>} : memref<2x500x64xf32, #tpu.memory_space<vmem>>, vector<16xf32>,
        %mul3A_575 = arith.mulf %get3A_387, %get3A_574 : vector<16xf32>
        %add3A_576 = arith.addf %add3A_569, %mul3A_575 : vector<16xf32>
        %get3A_577 = arith.constant 0 : i32
        %get3A_578 = arith.index_cast %get3A_577 : i32 to index
        %get3A_579 = arith.index_cast %add3A_556 : i32 to index
        %get3A_580 = arith.constant 48 : index
        %get3A_581 = tpu.vector_load %arg6[%get3A_578, %get3A_579, %get3A_580] {strides = array<i32>} : memref<2x500x64xf32, #tpu.memory_space<vmem>>, vector<16xf32>,
        %mul3A_582 = arith.mulf %get3A_392, %get3A_581 : vector<16xf32>
        %add3A_583 = arith.addf %add3A_576, %mul3A_582 : vector<16xf32>
        %reduce_sum3A_584 = arith.constant true
        %reduce_sum3A_585 = vector.broadcast %reduce_sum3A_584 : i1 to vector<16xi1>
        %reduce_sum3A_586 = tpu.scan <sum>, %add3A_583 masked %reduce_sum3A_585 : vector<16xf32>, vector<16xi1> -> vector<16xf32>
        %reduce_sum3A_587 = vector.extract %reduce_sum3A_586[15] : f32 from vector<16xf32>
        %eq3A_588 = arith.constant 4 : i32
        %eq3A_589 = vector.broadcast %eq3A_588 : i32 to vector<16xi32>
        %eq3A_590 = arith.cmpi eq, %iota3A, %eq3A_589 : vector<16xi32>
        %broadcast_in_dim3A_591 = vector.broadcast %reduce_sum3A_587 : f32 to vector<16xf32>
        %select_n3A_592 = arith.select %eq3A_590, %broadcast_in_dim3A_591, %select_n3A_552 : vector<16xi1>, vector<16xf32>
        %mul3A_593 = arith.constant 10 : i32
        %mul3A_594 = arith.muli %scan3A_373, %mul3A_593 : i32
        %add3A_595 = arith.constant 50 : i32
        %add3A_596 = arith.addi %add3A_595, %mul3A_594 : i32
        %add3A_597 = arith.constant 0 : i32
        %add3A_598 = arith.addi %add3A_596, %add3A_597 : i32
        %get3A_599 = arith.constant 0 : i32
        %get3A_600 = arith.index_cast %get3A_599 : i32 to index
        %get3A_601 = arith.index_cast %add3A_598 : i32 to index
        %get3A_602 = arith.constant 0 : index
        %get3A_603 = tpu.vector_load %arg6[%get3A_600, %get3A_601, %get3A_602] {strides = array<i32>} : memref<2x500x64xf32, #tpu.memory_space<vmem>>, vector<16xf32>,
        %mul3A_604 = arith.mulf %get3A_377, %get3A_603 : vector<16xf32>
        %get3A_605 = arith.constant 0 : i32
        %get3A_606 = arith.index_cast %get3A_605 : i32 to index
        %get3A_607 = arith.index_cast %add3A_598 : i32 to index
        %get3A_608 = arith.constant 16 : index
        %get3A_609 = tpu.vector_load %arg6[%get3A_606, %get3A_607, %get3A_608] {strides = array<i32>} : memref<2x500x64xf32, #tpu.memory_space<vmem>>, vector<16xf32>,
        %mul3A_610 = arith.mulf %get3A_382, %get3A_609 : vector<16xf32>
        %add3A_611 = arith.addf %mul3A_604, %mul3A_610 : vector<16xf32>
        %get3A_612 = arith.constant 0 : i32
        %get3A_613 = arith.index_cast %get3A_612 : i32 to index
        %get3A_614 = arith.index_cast %add3A_598 : i32 to index
        %get3A_615 = arith.constant 32 : index
        %get3A_616 = tpu.vector_load %arg6[%get3A_613, %get3A_614, %get3A_615] {strides = array<i32>} : memref<2x500x64xf32, #tpu.memory_space<vmem>>, vector<16xf32>,
        %mul3A_617 = arith.mulf %get3A_387, %get3A_616 : vector<16xf32>
        %add3A_618 = arith.addf %add3A_611, %mul3A_617 : vector<16xf32>
        %get3A_619 = arith.constant 0 : i32
        %get3A_620 = arith.index_cast %get3A_619 : i32 to index
        %get3A_621 = arith.index_cast %add3A_598 : i32 to index
        %get3A_622 = arith.constant 48 : index
        %get3A_623 = tpu.vector_load %arg6[%get3A_620, %get3A_621, %get3A_622] {strides = array<i32>} : memref<2x500x64xf32, #tpu.memory_space<vmem>>, vector<16xf32>,
        %mul3A_624 = arith.mulf %get3A_392, %get3A_623 : vector<16xf32>
        %add3A_625 = arith.addf %add3A_618, %mul3A_624 : vector<16xf32>
        %reduce_sum3A_626 = arith.constant true
        %reduce_sum3A_627 = vector.broadcast %reduce_sum3A_626 : i1 to vector<16xi1>
        %reduce_sum3A_628 = tpu.scan <sum>, %add3A_625 masked %reduce_sum3A_627 : vector<16xf32>, vector<16xi1> -> vector<16xf32>
        %reduce_sum3A_629 = vector.extract %reduce_sum3A_628[15] : f32 from vector<16xf32>
        %eq3A_630 = arith.constant 5 : i32
        %eq3A_631 = vector.broadcast %eq3A_630 : i32 to vector<16xi32>
        %eq3A_632 = arith.cmpi eq, %iota3A, %eq3A_631 : vector<16xi32>
        %broadcast_in_dim3A_633 = vector.broadcast %reduce_sum3A_629 : f32 to vector<16xf32>
        %select_n3A_634 = arith.select %eq3A_632, %broadcast_in_dim3A_633, %select_n3A_592 : vector<16xi1>, vector<16xf32>
        %mul3A_635 = arith.constant 10 : i32
        %mul3A_636 = arith.muli %scan3A_373, %mul3A_635 : i32
        %add3A_637 = arith.constant 50 : i32
        %add3A_638 = arith.addi %add3A_637, %mul3A_636 : i32
        %add3A_639 = arith.constant 1 : i32
        %add3A_640 = arith.addi %add3A_638, %add3A_639 : i32
        %get3A_641 = arith.constant 0 : i32
        %get3A_642 = arith.index_cast %get3A_641 : i32 to index
        %get3A_643 = arith.index_cast %add3A_640 : i32 to index
        %get3A_644 = arith.constant 0 : index
        %get3A_645 = tpu.vector_load %arg6[%get3A_642, %get3A_643, %get3A_644] {strides = array<i32>} : memref<2x500x64xf32, #tpu.memory_space<vmem>>, vector<16xf32>,
        %mul3A_646 = arith.mulf %get3A_377, %get3A_645 : vector<16xf32>
        %get3A_647 = arith.constant 0 : i32
        %get3A_648 = arith.index_cast %get3A_647 : i32 to index
        %get3A_649 = arith.index_cast %add3A_640 : i32 to index
        %get3A_650 = arith.constant 16 : index
        %get3A_651 = tpu.vector_load %arg6[%get3A_648, %get3A_649, %get3A_650] {strides = array<i32>} : memref<2x500x64xf32, #tpu.memory_space<vmem>>, vector<16xf32>,
        %mul3A_652 = arith.mulf %get3A_382, %get3A_651 : vector<16xf32>
        %add3A_653 = arith.addf %mul3A_646, %mul3A_652 : vector<16xf32>
        %get3A_654 = arith.constant 0 : i32
        %get3A_655 = arith.index_cast %get3A_654 : i32 to index
        %get3A_656 = arith.index_cast %add3A_640 : i32 to index
        %get3A_657 = arith.constant 32 : index
        %get3A_658 = tpu.vector_load %arg6[%get3A_655, %get3A_656, %get3A_657] {strides = array<i32>} : memref<2x500x64xf32, #tpu.memory_space<vmem>>, vector<16xf32>,
        %mul3A_659 = arith.mulf %get3A_387, %get3A_658 : vector<16xf32>
        %add3A_660 = arith.addf %add3A_653, %mul3A_659 : vector<16xf32>
        %get3A_661 = arith.constant 0 : i32
        %get3A_662 = arith.index_cast %get3A_661 : i32 to index
        %get3A_663 = arith.index_cast %add3A_640 : i32 to index
        %get3A_664 = arith.constant 48 : index
        %get3A_665 = tpu.vector_load %arg6[%get3A_662, %get3A_663, %get3A_664] {strides = array<i32>} : memref<2x500x64xf32, #tpu.memory_space<vmem>>, vector<16xf32>,
        %mul3A_666 = arith.mulf %get3A_392, %get3A_665 : vector<16xf32>
        %add3A_667 = arith.addf %add3A_660, %mul3A_666 : vector<16xf32>
        %reduce_sum3A_668 = arith.constant true
        %reduce_sum3A_669 = vector.broadcast %reduce_sum3A_668 : i1 to vector<16xi1>
        %reduce_sum3A_670 = tpu.scan <sum>, %add3A_667 masked %reduce_sum3A_669 : vector<16xf32>, vector<16xi1> -> vector<16xf32>
        %reduce_sum3A_671 = vector.extract %reduce_sum3A_670[15] : f32 from vector<16xf32>
        %eq3A_672 = arith.constant 6 : i32
        %eq3A_673 = vector.broadcast %eq3A_672 : i32 to vector<16xi32>
        %eq3A_674 = arith.cmpi eq, %iota3A, %eq3A_673 : vector<16xi32>
        %broadcast_in_dim3A_675 = vector.broadcast %reduce_sum3A_671 : f32 to vector<16xf32>
        %select_n3A_676 = arith.select %eq3A_674, %broadcast_in_dim3A_675, %select_n3A_634 : vector<16xi1>, vector<16xf32>
        %mul3A_677 = arith.constant 10 : i32
        %mul3A_678 = arith.muli %scan3A_373, %mul3A_677 : i32
        %add3A_679 = arith.constant 50 : i32
        %add3A_680 = arith.addi %add3A_679, %mul3A_678 : i32
        %add3A_681 = arith.constant 2 : i32
        %add3A_682 = arith.addi %add3A_680, %add3A_681 : i32
        %get3A_683 = arith.constant 0 : i32
        %get3A_684 = arith.index_cast %get3A_683 : i32 to index
        %get3A_685 = arith.index_cast %add3A_682 : i32 to index
        %get3A_686 = arith.constant 0 : index
        %get3A_687 = tpu.vector_load %arg6[%get3A_684, %get3A_685, %get3A_686] {strides = array<i32>} : memref<2x500x64xf32, #tpu.memory_space<vmem>>, vector<16xf32>,
        %mul3A_688 = arith.mulf %get3A_377, %get3A_687 : vector<16xf32>
        %get3A_689 = arith.constant 0 : i32
        %get3A_690 = arith.index_cast %get3A_689 : i32 to index
        %get3A_691 = arith.index_cast %add3A_682 : i32 to index
        %get3A_692 = arith.constant 16 : index
        %get3A_693 = tpu.vector_load %arg6[%get3A_690, %get3A_691, %get3A_692] {strides = array<i32>} : memref<2x500x64xf32, #tpu.memory_space<vmem>>, vector<16xf32>,
        %mul3A_694 = arith.mulf %get3A_382, %get3A_693 : vector<16xf32>
        %add3A_695 = arith.addf %mul3A_688, %mul3A_694 : vector<16xf32>
        %get3A_696 = arith.constant 0 : i32
        %get3A_697 = arith.index_cast %get3A_696 : i32 to index
        %get3A_698 = arith.index_cast %add3A_682 : i32 to index
        %get3A_699 = arith.constant 32 : index
        %get3A_700 = tpu.vector_load %arg6[%get3A_697, %get3A_698, %get3A_699] {strides = array<i32>} : memref<2x500x64xf32, #tpu.memory_space<vmem>>, vector<16xf32>,
        %mul3A_701 = arith.mulf %get3A_387, %get3A_700 : vector<16xf32>
        %add3A_702 = arith.addf %add3A_695, %mul3A_701 : vector<16xf32>
        %get3A_703 = arith.constant 0 : i32
        %get3A_704 = arith.index_cast %get3A_703 : i32 to index
        %get3A_705 = arith.index_cast %add3A_682 : i32 to index
        %get3A_706 = arith.constant 48 : index
        %get3A_707 = tpu.vector_load %arg6[%get3A_704, %get3A_705, %get3A_706] {strides = array<i32>} : memref<2x500x64xf32, #tpu.memory_space<vmem>>, vector<16xf32>,
        %mul3A_708 = arith.mulf %get3A_392, %get3A_707 : vector<16xf32>
        %add3A_709 = arith.addf %add3A_702, %mul3A_708 : vector<16xf32>
        %reduce_sum3A_710 = arith.constant true
        %reduce_sum3A_711 = vector.broadcast %reduce_sum3A_710 : i1 to vector<16xi1>
        %reduce_sum3A_712 = tpu.scan <sum>, %add3A_709 masked %reduce_sum3A_711 : vector<16xf32>, vector<16xi1> -> vector<16xf32>
        %reduce_sum3A_713 = vector.extract %reduce_sum3A_712[15] : f32 from vector<16xf32>
        %eq3A_714 = arith.constant 7 : i32
        %eq3A_715 = vector.broadcast %eq3A_714 : i32 to vector<16xi32>
        %eq3A_716 = arith.cmpi eq, %iota3A, %eq3A_715 : vector<16xi32>
        %broadcast_in_dim3A_717 = vector.broadcast %reduce_sum3A_713 : f32 to vector<16xf32>
        %select_n3A_718 = arith.select %eq3A_716, %broadcast_in_dim3A_717, %select_n3A_676 : vector<16xi1>, vector<16xf32>
        %mul3A_719 = arith.constant 10 : i32
        %mul3A_720 = arith.muli %scan3A_373, %mul3A_719 : i32
        %add3A_721 = arith.constant 50 : i32
        %add3A_722 = arith.addi %add3A_721, %mul3A_720 : i32
        %add3A_723 = arith.constant 3 : i32
        %add3A_724 = arith.addi %add3A_722, %add3A_723 : i32
        %get3A_725 = arith.constant 0 : i32
        %get3A_726 = arith.index_cast %get3A_725 : i32 to index
        %get3A_727 = arith.index_cast %add3A_724 : i32 to index
        %get3A_728 = arith.constant 0 : index
        %get3A_729 = tpu.vector_load %arg6[%get3A_726, %get3A_727, %get3A_728] {strides = array<i32>} : memref<2x500x64xf32, #tpu.memory_space<vmem>>, vector<16xf32>,
        %mul3A_730 = arith.mulf %get3A_377, %get3A_729 : vector<16xf32>
        %get3A_731 = arith.constant 0 : i32
        %get3A_732 = arith.index_cast %get3A_731 : i32 to index
        %get3A_733 = arith.index_cast %add3A_724 : i32 to index
        %get3A_734 = arith.constant 16 : index
        %get3A_735 = tpu.vector_load %arg6[%get3A_732, %get3A_733, %get3A_734] {strides = array<i32>} : memref<2x500x64xf32, #tpu.memory_space<vmem>>, vector<16xf32>,
        %mul3A_736 = arith.mulf %get3A_382, %get3A_735 : vector<16xf32>
        %add3A_737 = arith.addf %mul3A_730, %mul3A_736 : vector<16xf32>
        %get3A_738 = arith.constant 0 : i32
        %get3A_739 = arith.index_cast %get3A_738 : i32 to index
        %get3A_740 = arith.index_cast %add3A_724 : i32 to index
        %get3A_741 = arith.constant 32 : index
        %get3A_742 = tpu.vector_load %arg6[%get3A_739, %get3A_740, %get3A_741] {strides = array<i32>} : memref<2x500x64xf32, #tpu.memory_space<vmem>>, vector<16xf32>,
        %mul3A_743 = arith.mulf %get3A_387, %get3A_742 : vector<16xf32>
        %add3A_744 = arith.addf %add3A_737, %mul3A_743 : vector<16xf32>
        %get3A_745 = arith.constant 0 : i32
        %get3A_746 = arith.index_cast %get3A_745 : i32 to index
        %get3A_747 = arith.index_cast %add3A_724 : i32 to index
        %get3A_748 = arith.constant 48 : index
        %get3A_749 = tpu.vector_load %arg6[%get3A_746, %get3A_747, %get3A_748] {strides = array<i32>} : memref<2x500x64xf32, #tpu.memory_space<vmem>>, vector<16xf32>,
        %mul3A_750 = arith.mulf %get3A_392, %get3A_749 : vector<16xf32>
        %add3A_751 = arith.addf %add3A_744, %mul3A_750 : vector<16xf32>
        %reduce_sum3A_752 = arith.constant true
        %reduce_sum3A_753 = vector.broadcast %reduce_sum3A_752 : i1 to vector<16xi1>
        %reduce_sum3A_754 = tpu.scan <sum>, %add3A_751 masked %reduce_sum3A_753 : vector<16xf32>, vector<16xi1> -> vector<16xf32>
        %reduce_sum3A_755 = vector.extract %reduce_sum3A_754[15] : f32 from vector<16xf32>
        %eq3A_756 = arith.constant 8 : i32
        %eq3A_757 = vector.broadcast %eq3A_756 : i32 to vector<16xi32>
        %eq3A_758 = arith.cmpi eq, %iota3A, %eq3A_757 : vector<16xi32>
        %broadcast_in_dim3A_759 = vector.broadcast %reduce_sum3A_755 : f32 to vector<16xf32>
        %select_n3A_760 = arith.select %eq3A_758, %broadcast_in_dim3A_759, %select_n3A_718 : vector<16xi1>, vector<16xf32>
        %mul3A_761 = arith.constant 10 : i32
        %mul3A_762 = arith.muli %scan3A_373, %mul3A_761 : i32
        %add3A_763 = arith.constant 50 : i32
        %add3A_764 = arith.addi %add3A_763, %mul3A_762 : i32
        %add3A_765 = arith.constant 4 : i32
        %add3A_766 = arith.addi %add3A_764, %add3A_765 : i32
        %get3A_767 = arith.constant 0 : i32
        %get3A_768 = arith.index_cast %get3A_767 : i32 to index
        %get3A_769 = arith.index_cast %add3A_766 : i32 to index
        %get3A_770 = arith.constant 0 : index
        %get3A_771 = tpu.vector_load %arg6[%get3A_768, %get3A_769, %get3A_770] {strides = array<i32>} : memref<2x500x64xf32, #tpu.memory_space<vmem>>, vector<16xf32>,
        %mul3A_772 = arith.mulf %get3A_377, %get3A_771 : vector<16xf32>
        %get3A_773 = arith.constant 0 : i32
        %get3A_774 = arith.index_cast %get3A_773 : i32 to index
        %get3A_775 = arith.index_cast %add3A_766 : i32 to index
        %get3A_776 = arith.constant 16 : index
        %get3A_777 = tpu.vector_load %arg6[%get3A_774, %get3A_775, %get3A_776] {strides = array<i32>} : memref<2x500x64xf32, #tpu.memory_space<vmem>>, vector<16xf32>,
        %mul3A_778 = arith.mulf %get3A_382, %get3A_777 : vector<16xf32>
        %add3A_779 = arith.addf %mul3A_772, %mul3A_778 : vector<16xf32>
        %get3A_780 = arith.constant 0 : i32
        %get3A_781 = arith.index_cast %get3A_780 : i32 to index
        %get3A_782 = arith.index_cast %add3A_766 : i32 to index
        %get3A_783 = arith.constant 32 : index
        %get3A_784 = tpu.vector_load %arg6[%get3A_781, %get3A_782, %get3A_783] {strides = array<i32>} : memref<2x500x64xf32, #tpu.memory_space<vmem>>, vector<16xf32>,
        %mul3A_785 = arith.mulf %get3A_387, %get3A_784 : vector<16xf32>
        %add3A_786 = arith.addf %add3A_779, %mul3A_785 : vector<16xf32>
        %get3A_787 = arith.constant 0 : i32
        %get3A_788 = arith.index_cast %get3A_787 : i32 to index
        %get3A_789 = arith.index_cast %add3A_766 : i32 to index
        %get3A_790 = arith.constant 48 : index
        %get3A_791 = tpu.vector_load %arg6[%get3A_788, %get3A_789, %get3A_790] {strides = array<i32>} : memref<2x500x64xf32, #tpu.memory_space<vmem>>, vector<16xf32>,
        %mul3A_792 = arith.mulf %get3A_392, %get3A_791 : vector<16xf32>
        %add3A_793 = arith.addf %add3A_786, %mul3A_792 : vector<16xf32>
        %reduce_sum3A_794 = arith.constant true
        %reduce_sum3A_795 = vector.broadcast %reduce_sum3A_794 : i1 to vector<16xi1>
        %reduce_sum3A_796 = tpu.scan <sum>, %add3A_793 masked %reduce_sum3A_795 : vector<16xf32>, vector<16xi1> -> vector<16xf32>
        %reduce_sum3A_797 = vector.extract %reduce_sum3A_796[15] : f32 from vector<16xf32>
        %eq3A_798 = arith.constant 9 : i32
        %eq3A_799 = vector.broadcast %eq3A_798 : i32 to vector<16xi32>
        %eq3A_800 = arith.cmpi eq, %iota3A, %eq3A_799 : vector<16xi32>
        %broadcast_in_dim3A_801 = vector.broadcast %reduce_sum3A_797 : f32 to vector<16xf32>
        %select_n3A_802 = arith.select %eq3A_800, %broadcast_in_dim3A_801, %select_n3A_760 : vector<16xi1>, vector<16xf32>
        %mul3A_803 = arith.constant 10 : i32
        %mul3A_804 = arith.muli %scan3A_373, %mul3A_803 : i32
        %add3A_805 = arith.constant 50 : i32
        %add3A_806 = arith.addi %add3A_805, %mul3A_804 : i32
        %add3A_807 = arith.constant 5 : i32
        %add3A_808 = arith.addi %add3A_806, %add3A_807 : i32
        %get3A_809 = arith.constant 0 : i32
        %get3A_810 = arith.index_cast %get3A_809 : i32 to index
        %get3A_811 = arith.index_cast %add3A_808 : i32 to index
        %get3A_812 = arith.constant 0 : index
        %get3A_813 = tpu.vector_load %arg6[%get3A_810, %get3A_811, %get3A_812] {strides = array<i32>} : memref<2x500x64xf32, #tpu.memory_space<vmem>>, vector<16xf32>,
        %mul3A_814 = arith.mulf %get3A_377, %get3A_813 : vector<16xf32>
        %get3A_815 = arith.constant 0 : i32
        %get3A_816 = arith.index_cast %get3A_815 : i32 to index
        %get3A_817 = arith.index_cast %add3A_808 : i32 to index
        %get3A_818 = arith.constant 16 : index
        %get3A_819 = tpu.vector_load %arg6[%get3A_816, %get3A_817, %get3A_818] {strides = array<i32>} : memref<2x500x64xf32, #tpu.memory_space<vmem>>, vector<16xf32>,
        %mul3A_820 = arith.mulf %get3A_382, %get3A_819 : vector<16xf32>
        %add3A_821 = arith.addf %mul3A_814, %mul3A_820 : vector<16xf32>
        %get3A_822 = arith.constant 0 : i32
        %get3A_823 = arith.index_cast %get3A_822 : i32 to index
        %get3A_824 = arith.index_cast %add3A_808 : i32 to index
        %get3A_825 = arith.constant 32 : index
        %get3A_826 = tpu.vector_load %arg6[%get3A_823, %get3A_824, %get3A_825] {strides = array<i32>} : memref<2x500x64xf32, #tpu.memory_space<vmem>>, vector<16xf32>,
        %mul3A_827 = arith.mulf %get3A_387, %get3A_826 : vector<16xf32>
        %add3A_828 = arith.addf %add3A_821, %mul3A_827 : vector<16xf32>
        %get3A_829 = arith.constant 0 : i32
        %get3A_830 = arith.index_cast %get3A_829 : i32 to index
        %get3A_831 = arith.index_cast %add3A_808 : i32 to index
        %get3A_832 = arith.constant 48 : index
        %get3A_833 = tpu.vector_load %arg6[%get3A_830, %get3A_831, %get3A_832] {strides = array<i32>} : memref<2x500x64xf32, #tpu.memory_space<vmem>>, vector<16xf32>,
        %mul3A_834 = arith.mulf %get3A_392, %get3A_833 : vector<16xf32>
        %add3A_835 = arith.addf %add3A_828, %mul3A_834 : vector<16xf32>
        %reduce_sum3A_836 = arith.constant true
        %reduce_sum3A_837 = vector.broadcast %reduce_sum3A_836 : i1 to vector<16xi1>
        %reduce_sum3A_838 = tpu.scan <sum>, %add3A_835 masked %reduce_sum3A_837 : vector<16xf32>, vector<16xi1> -> vector<16xf32>
        %reduce_sum3A_839 = vector.extract %reduce_sum3A_838[15] : f32 from vector<16xf32>
        %eq3A_840 = arith.constant 10 : i32
        %eq3A_841 = vector.broadcast %eq3A_840 : i32 to vector<16xi32>
        %eq3A_842 = arith.cmpi eq, %iota3A, %eq3A_841 : vector<16xi32>
        %broadcast_in_dim3A_843 = vector.broadcast %reduce_sum3A_839 : f32 to vector<16xf32>
        %select_n3A_844 = arith.select %eq3A_842, %broadcast_in_dim3A_843, %select_n3A_802 : vector<16xi1>, vector<16xf32>
        %mul3A_845 = arith.constant 10 : i32
        %mul3A_846 = arith.muli %scan3A_373, %mul3A_845 : i32
        %add3A_847 = arith.constant 50 : i32
        %add3A_848 = arith.addi %add3A_847, %mul3A_846 : i32
        %add3A_849 = arith.constant 6 : i32
        %add3A_850 = arith.addi %add3A_848, %add3A_849 : i32
        %get3A_851 = arith.constant 0 : i32
        %get3A_852 = arith.index_cast %get3A_851 : i32 to index
        %get3A_853 = arith.index_cast %add3A_850 : i32 to index
        %get3A_854 = arith.constant 0 : index
        %get3A_855 = tpu.vector_load %arg6[%get3A_852, %get3A_853, %get3A_854] {strides = array<i32>} : memref<2x500x64xf32, #tpu.memory_space<vmem>>, vector<16xf32>,
        %mul3A_856 = arith.mulf %get3A_377, %get3A_855 : vector<16xf32>
        %get3A_857 = arith.constant 0 : i32
        %get3A_858 = arith.index_cast %get3A_857 : i32 to index
        %get3A_859 = arith.index_cast %add3A_850 : i32 to index
        %get3A_860 = arith.constant 16 : index
        %get3A_861 = tpu.vector_load %arg6[%get3A_858, %get3A_859, %get3A_860] {strides = array<i32>} : memref<2x500x64xf32, #tpu.memory_space<vmem>>, vector<16xf32>,
        %mul3A_862 = arith.mulf %get3A_382, %get3A_861 : vector<16xf32>
        %add3A_863 = arith.addf %mul3A_856, %mul3A_862 : vector<16xf32>
        %get3A_864 = arith.constant 0 : i32
        %get3A_865 = arith.index_cast %get3A_864 : i32 to index
        %get3A_866 = arith.index_cast %add3A_850 : i32 to index
        %get3A_867 = arith.constant 32 : index
        %get3A_868 = tpu.vector_load %arg6[%get3A_865, %get3A_866, %get3A_867] {strides = array<i32>} : memref<2x500x64xf32, #tpu.memory_space<vmem>>, vector<16xf32>,
        %mul3A_869 = arith.mulf %get3A_387, %get3A_868 : vector<16xf32>
        %add3A_870 = arith.addf %add3A_863, %mul3A_869 : vector<16xf32>
        %get3A_871 = arith.constant 0 : i32
        %get3A_872 = arith.index_cast %get3A_871 : i32 to index
        %get3A_873 = arith.index_cast %add3A_850 : i32 to index
        %get3A_874 = arith.constant 48 : index
        %get3A_875 = tpu.vector_load %arg6[%get3A_872, %get3A_873, %get3A_874] {strides = array<i32>} : memref<2x500x64xf32, #tpu.memory_space<vmem>>, vector<16xf32>,
        %mul3A_876 = arith.mulf %get3A_392, %get3A_875 : vector<16xf32>
        %add3A_877 = arith.addf %add3A_870, %mul3A_876 : vector<16xf32>
        %reduce_sum3A_878 = arith.constant true
        %reduce_sum3A_879 = vector.broadcast %reduce_sum3A_878 : i1 to vector<16xi1>
        %reduce_sum3A_880 = tpu.scan <sum>, %add3A_877 masked %reduce_sum3A_879 : vector<16xf32>, vector<16xi1> -> vector<16xf32>
        %reduce_sum3A_881 = vector.extract %reduce_sum3A_880[15] : f32 from vector<16xf32>
        %eq3A_882 = arith.constant 11 : i32
        %eq3A_883 = vector.broadcast %eq3A_882 : i32 to vector<16xi32>
        %eq3A_884 = arith.cmpi eq, %iota3A, %eq3A_883 : vector<16xi32>
        %broadcast_in_dim3A_885 = vector.broadcast %reduce_sum3A_881 : f32 to vector<16xf32>
        %select_n3A_886 = arith.select %eq3A_884, %broadcast_in_dim3A_885, %select_n3A_844 : vector<16xi1>, vector<16xf32>
        %mul3A_887 = arith.constant 10 : i32
        %mul3A_888 = arith.muli %scan3A_373, %mul3A_887 : i32
        %add3A_889 = arith.constant 50 : i32
        %add3A_890 = arith.addi %add3A_889, %mul3A_888 : i32
        %add3A_891 = arith.constant 7 : i32
        %add3A_892 = arith.addi %add3A_890, %add3A_891 : i32
        %get3A_893 = arith.constant 0 : i32
        %get3A_894 = arith.index_cast %get3A_893 : i32 to index
        %get3A_895 = arith.index_cast %add3A_892 : i32 to index
        %get3A_896 = arith.constant 0 : index
        %get3A_897 = tpu.vector_load %arg6[%get3A_894, %get3A_895, %get3A_896] {strides = array<i32>} : memref<2x500x64xf32, #tpu.memory_space<vmem>>, vector<16xf32>,
        %mul3A_898 = arith.mulf %get3A_377, %get3A_897 : vector<16xf32>
        %get3A_899 = arith.constant 0 : i32
        %get3A_900 = arith.index_cast %get3A_899 : i32 to index
        %get3A_901 = arith.index_cast %add3A_892 : i32 to index
        %get3A_902 = arith.constant 16 : index
        %get3A_903 = tpu.vector_load %arg6[%get3A_900, %get3A_901, %get3A_902] {strides = array<i32>} : memref<2x500x64xf32, #tpu.memory_space<vmem>>, vector<16xf32>,
        %mul3A_904 = arith.mulf %get3A_382, %get3A_903 : vector<16xf32>
        %add3A_905 = arith.addf %mul3A_898, %mul3A_904 : vector<16xf32>
        %get3A_906 = arith.constant 0 : i32
        %get3A_907 = arith.index_cast %get3A_906 : i32 to index
        %get3A_908 = arith.index_cast %add3A_892 : i32 to index
        %get3A_909 = arith.constant 32 : index
        %get3A_910 = tpu.vector_load %arg6[%get3A_907, %get3A_908, %get3A_909] {strides = array<i32>} : memref<2x500x64xf32, #tpu.memory_space<vmem>>, vector<16xf32>,
        %mul3A_911 = arith.mulf %get3A_387, %get3A_910 : vector<16xf32>
        %add3A_912 = arith.addf %add3A_905, %mul3A_911 : vector<16xf32>
        %get3A_913 = arith.constant 0 : i32
        %get3A_914 = arith.index_cast %get3A_913 : i32 to index
        %get3A_915 = arith.index_cast %add3A_892 : i32 to index
        %get3A_916 = arith.constant 48 : index
        %get3A_917 = tpu.vector_load %arg6[%get3A_914, %get3A_915, %get3A_916] {strides = array<i32>} : memref<2x500x64xf32, #tpu.memory_space<vmem>>, vector<16xf32>,
        %mul3A_918 = arith.mulf %get3A_392, %get3A_917 : vector<16xf32>
        %add3A_919 = arith.addf %add3A_912, %mul3A_918 : vector<16xf32>
        %reduce_sum3A_920 = arith.constant true
        %reduce_sum3A_921 = vector.broadcast %reduce_sum3A_920 : i1 to vector<16xi1>
        %reduce_sum3A_922 = tpu.scan <sum>, %add3A_919 masked %reduce_sum3A_921 : vector<16xf32>, vector<16xi1> -> vector<16xf32>
        %reduce_sum3A_923 = vector.extract %reduce_sum3A_922[15] : f32 from vector<16xf32>
        %eq3A_924 = arith.constant 12 : i32
        %eq3A_925 = vector.broadcast %eq3A_924 : i32 to vector<16xi32>
        %eq3A_926 = arith.cmpi eq, %iota3A, %eq3A_925 : vector<16xi32>
        %broadcast_in_dim3A_927 = vector.broadcast %reduce_sum3A_923 : f32 to vector<16xf32>
        %select_n3A_928 = arith.select %eq3A_926, %broadcast_in_dim3A_927, %select_n3A_886 : vector<16xi1>, vector<16xf32>
        %mul3A_929 = arith.constant 10 : i32
        %mul3A_930 = arith.muli %scan3A_373, %mul3A_929 : i32
        %add3A_931 = arith.constant 50 : i32
        %add3A_932 = arith.addi %add3A_931, %mul3A_930 : i32
        %add3A_933 = arith.constant 8 : i32
        %add3A_934 = arith.addi %add3A_932, %add3A_933 : i32
        %get3A_935 = arith.constant 0 : i32
        %get3A_936 = arith.index_cast %get3A_935 : i32 to index
        %get3A_937 = arith.index_cast %add3A_934 : i32 to index
        %get3A_938 = arith.constant 0 : index
        %get3A_939 = tpu.vector_load %arg6[%get3A_936, %get3A_937, %get3A_938] {strides = array<i32>} : memref<2x500x64xf32, #tpu.memory_space<vmem>>, vector<16xf32>,
        %mul3A_940 = arith.mulf %get3A_377, %get3A_939 : vector<16xf32>
        %get3A_941 = arith.constant 0 : i32
        %get3A_942 = arith.index_cast %get3A_941 : i32 to index
        %get3A_943 = arith.index_cast %add3A_934 : i32 to index
        %get3A_944 = arith.constant 16 : index
        %get3A_945 = tpu.vector_load %arg6[%get3A_942, %get3A_943, %get3A_944] {strides = array<i32>} : memref<2x500x64xf32, #tpu.memory_space<vmem>>, vector<16xf32>,
        %mul3A_946 = arith.mulf %get3A_382, %get3A_945 : vector<16xf32>
        %add3A_947 = arith.addf %mul3A_940, %mul3A_946 : vector<16xf32>
        %get3A_948 = arith.constant 0 : i32
        %get3A_949 = arith.index_cast %get3A_948 : i32 to index
        %get3A_950 = arith.index_cast %add3A_934 : i32 to index
        %get3A_951 = arith.constant 32 : index
        %get3A_952 = tpu.vector_load %arg6[%get3A_949, %get3A_950, %get3A_951] {strides = array<i32>} : memref<2x500x64xf32, #tpu.memory_space<vmem>>, vector<16xf32>,
        %mul3A_953 = arith.mulf %get3A_387, %get3A_952 : vector<16xf32>
        %add3A_954 = arith.addf %add3A_947, %mul3A_953 : vector<16xf32>
        %get3A_955 = arith.constant 0 : i32
        %get3A_956 = arith.index_cast %get3A_955 : i32 to index
        %get3A_957 = arith.index_cast %add3A_934 : i32 to index
        %get3A_958 = arith.constant 48 : index
        %get3A_959 = tpu.vector_load %arg6[%get3A_956, %get3A_957, %get3A_958] {strides = array<i32>} : memref<2x500x64xf32, #tpu.memory_space<vmem>>, vector<16xf32>,
        %mul3A_960 = arith.mulf %get3A_392, %get3A_959 : vector<16xf32>
        %add3A_961 = arith.addf %add3A_954, %mul3A_960 : vector<16xf32>
        %reduce_sum3A_962 = arith.constant true
        %reduce_sum3A_963 = vector.broadcast %reduce_sum3A_962 : i1 to vector<16xi1>
        %reduce_sum3A_964 = tpu.scan <sum>, %add3A_961 masked %reduce_sum3A_963 : vector<16xf32>, vector<16xi1> -> vector<16xf32>
        %reduce_sum3A_965 = vector.extract %reduce_sum3A_964[15] : f32 from vector<16xf32>
        %eq3A_966 = arith.constant 13 : i32
        %eq3A_967 = vector.broadcast %eq3A_966 : i32 to vector<16xi32>
        %eq3A_968 = arith.cmpi eq, %iota3A, %eq3A_967 : vector<16xi32>
        %broadcast_in_dim3A_969 = vector.broadcast %reduce_sum3A_965 : f32 to vector<16xf32>
        %select_n3A_970 = arith.select %eq3A_968, %broadcast_in_dim3A_969, %select_n3A_928 : vector<16xi1>, vector<16xf32>
        %mul3A_971 = arith.constant 10 : i32
        %mul3A_972 = arith.muli %scan3A_373, %mul3A_971 : i32
        %add3A_973 = arith.constant 50 : i32
        %add3A_974 = arith.addi %add3A_973, %mul3A_972 : i32
        %add3A_975 = arith.constant 9 : i32
        %add3A_976 = arith.addi %add3A_974, %add3A_975 : i32
        %get3A_977 = arith.constant 0 : i32
        %get3A_978 = arith.index_cast %get3A_977 : i32 to index
        %get3A_979 = arith.index_cast %add3A_976 : i32 to index
        %get3A_980 = arith.constant 0 : index
        %get3A_981 = tpu.vector_load %arg6[%get3A_978, %get3A_979, %get3A_980] {strides = array<i32>} : memref<2x500x64xf32, #tpu.memory_space<vmem>>, vector<16xf32>,
        %mul3A_982 = arith.mulf %get3A_377, %get3A_981 : vector<16xf32>
        %get3A_983 = arith.constant 0 : i32
        %get3A_984 = arith.index_cast %get3A_983 : i32 to index
        %get3A_985 = arith.index_cast %add3A_976 : i32 to index
        %get3A_986 = arith.constant 16 : index
        %get3A_987 = tpu.vector_load %arg6[%get3A_984, %get3A_985, %get3A_986] {strides = array<i32>} : memref<2x500x64xf32, #tpu.memory_space<vmem>>, vector<16xf32>,
        %mul3A_988 = arith.mulf %get3A_382, %get3A_987 : vector<16xf32>
        %add3A_989 = arith.addf %mul3A_982, %mul3A_988 : vector<16xf32>
        %get3A_990 = arith.constant 0 : i32
        %get3A_991 = arith.index_cast %get3A_990 : i32 to index
        %get3A_992 = arith.index_cast %add3A_976 : i32 to index
        %get3A_993 = arith.constant 32 : index
        %get3A_994 = tpu.vector_load %arg6[%get3A_991, %get3A_992, %get3A_993] {strides = array<i32>} : memref<2x500x64xf32, #tpu.memory_space<vmem>>, vector<16xf32>,
        %mul3A_995 = arith.mulf %get3A_387, %get3A_994 : vector<16xf32>
        %add3A_996 = arith.addf %add3A_989, %mul3A_995 : vector<16xf32>
        %get3A_997 = arith.constant 0 : i32
        %get3A_998 = arith.index_cast %get3A_997 : i32 to index
        %get3A_999 = arith.index_cast %add3A_976 : i32 to index
        %get3A_1000 = arith.constant 48 : index
        %get3A_1001 = tpu.vector_load %arg6[%get3A_998, %get3A_999, %get3A_1000] {strides = array<i32>} : memref<2x500x64xf32, #tpu.memory_space<vmem>>, vector<16xf32>,
        %mul3A_1002 = arith.mulf %get3A_392, %get3A_1001 : vector<16xf32>
        %add3A_1003 = arith.addf %add3A_996, %mul3A_1002 : vector<16xf32>
        %reduce_sum3A_1004 = arith.constant true
        %reduce_sum3A_1005 = vector.broadcast %reduce_sum3A_1004 : i1 to vector<16xi1>
        %reduce_sum3A_1006 = tpu.scan <sum>, %add3A_1003 masked %reduce_sum3A_1005 : vector<16xf32>, vector<16xi1> -> vector<16xf32>
        %reduce_sum3A_1007 = vector.extract %reduce_sum3A_1006[15] : f32 from vector<16xf32>
        %eq3A_1008 = arith.constant 14 : i32
        %eq3A_1009 = vector.broadcast %eq3A_1008 : i32 to vector<16xi32>
        %eq3A_1010 = arith.cmpi eq, %iota3A, %eq3A_1009 : vector<16xi32>
        %broadcast_in_dim3A_1011 = vector.broadcast %reduce_sum3A_1007 : f32 to vector<16xf32>
        %select_n3A_1012 = arith.select %eq3A_1010, %broadcast_in_dim3A_1011, %select_n3A_970 : vector<16xi1>, vector<16xf32>
        %swap3A = arith.index_cast %scan3A_373 : i32 to index
        %swap3A_1013 = arith.constant 0 : index
        %swap3A_1014 = tpu.vector_load %arg7[%swap3A, %swap3A_1013] {strides = array<i32>} : memref<45x16xf32, #tpu.memory_space<vmem>>, vector<16xf32>,
        tpu.vector_store %arg7[%swap3A, %swap3A_1013], %select_n3A_1012 {strides = array<i32>} : memref<45x16xf32, #tpu.memory_space<vmem>>, vector<16xf32>,
      }
      %scan3A_216 = arith.constant 45 : i32
      %add3A_217 = arith.addi %mul3A_2, %mul3A_94 : i32
      %dma_start3A_218 = arith.constant 0 : i32
      %dma_start3A_219 = arith.constant 0 : i32
      %dma_start3A_220 = tpu.memref_slice %arg4[%add3A_217, %dma_start3A_218, %dma_start3A_219] : memref<4096x45x16xf32, #tpu.memory_space<hbm>> -> memref<1x45x16xf32, #tpu.memory_space<hbm>>
      %dma_start3A_221 = tpu.memref_squeeze %dma_start3A_220 : memref<1x45x16xf32, #tpu.memory_space<hbm>> -> memref<45x16xf32, #tpu.memory_space<hbm>>
      %dma_start3A_222 = arith.constant 0 : i32
      %dma_start3A_223 = arith.constant 0 : i32
      %dma_start3A_224 = tpu.memref_slice %arg4[%add3A_217, %dma_start3A_222, %dma_start3A_223] : memref<4096x45x16xf32, #tpu.memory_space<hbm>> -> memref<1x45x16xf32, #tpu.memory_space<hbm>>
      %dma_start3A_225 = tpu.memref_squeeze %dma_start3A_224 : memref<1x45x16xf32, #tpu.memory_space<hbm>> -> memref<45x16xf32, #tpu.memory_space<hbm>>
      tpu.enqueue_dma source(%arg7 : memref<45x16xf32, #tpu.memory_space<vmem>>) target(%dma_start3A_225 : memref<45x16xf32, #tpu.memory_space<hbm>>) target_semaphore(%arg10 : memref<!tpu.dma_semaphore, #tpu.memory_space<semaphore_mem>>)
      %mul3A_226 = arith.constant 2 : i32
      %mul3A_227 = arith.muli %mul3A_226, %add3A_92 : i32
      %add3A_228 = arith.constant 1 : i32
      %add3A_229 = arith.addi %mul3A_227, %add3A_228 : i32
      %jit3A_230 = arith.constant 16 : i32
      %div3A_231 = arith.divsi %add3A_229, %jit3A_230 : i32
      %sign3A_232 = arith.constant 0 : i32
      %sign3A_233 = arith.cmpi sgt, %add3A_229, %sign3A_232 : i32
      %sign3A_234 = arith.extui %sign3A_233 : i1 to i32
      %sign3A_235 = arith.constant 0 : i32
      %sign3A_236 = arith.cmpi slt, %add3A_229, %sign3A_235 : i32
      %sign3A_237 = arith.extui %sign3A_236 : i1 to i32
      %sign3A_238 = arith.subi %sign3A_234, %sign3A_237 : i32
      %sign3A_239 = arith.constant 0 : i32
      %sign3A_240 = arith.cmpi sgt, %jit3A_230, %sign3A_239 : i32
      %sign3A_241 = arith.extui %sign3A_240 : i1 to i32
      %sign3A_242 = arith.constant 0 : i32
      %sign3A_243 = arith.cmpi slt, %jit3A_230, %sign3A_242 : i32
      %sign3A_244 = arith.extui %sign3A_243 : i1 to i32
      %sign3A_245 = arith.subi %sign3A_241, %sign3A_244 : i32
      %ne3A_246 = arith.cmpi ne, %sign3A_238, %sign3A_245 : i32
      %rem3A_247 = arith.remsi %add3A_229, %jit3A_230 : i32
      %ne3A_248 = arith.constant 0 : i32
      %ne3A_249 = arith.cmpi ne, %rem3A_247, %ne3A_248 : i32
      %and3A_250 = arith.andi %ne3A_246, %ne3A_249 : i1
      %sub3A_251 = arith.constant 1 : i32
      %sub3A_252 = arith.subi %div3A_231, %sub3A_251 : i32
      %select_n3A_253 = arith.select %and3A_250, %sub3A_252, %div3A_231 : i32
      %jit3A_254 = arith.constant 2 : i32
      %eq3A_255 = arith.constant 0 : i32
      %eq3A_256 = arith.cmpi eq, %jit3A_254, %eq3A_255 : i32
      %jit3A_257 = arith.constant 1 : i32
      %select_n3A_258 = arith.select %eq3A_256, %jit3A_257, %jit3A_254 : i32
      %rem3A_259 = arith.remsi %select_n3A_253, %select_n3A_258 : i32
      %ne3A_260 = arith.constant 0 : i32
      %ne3A_261 = arith.cmpi ne, %rem3A_259, %ne3A_260 : i32
      %lt3A_262 = arith.constant 0 : i32
      %lt3A_263 = arith.cmpi slt, %rem3A_259, %lt3A_262 : i32
      %lt3A_264 = arith.constant 0 : i32
      %lt3A_265 = arith.cmpi slt, %select_n3A_258, %lt3A_264 : i32
      %ne3A_266 = arith.xori %lt3A_263, %lt3A_265 : i1
      %and3A_267 = arith.andi %ne3A_266, %ne3A_261 : i1
      %add3A_268 = arith.addi %rem3A_259, %select_n3A_258 : i32
      %select_n3A_269 = arith.select %and3A_267, %add3A_268, %rem3A_259 : i32
      %jit3A_270 = arith.constant 16 : i32
      %eq3A_271 = arith.constant 0 : i32
      %eq3A_272 = arith.cmpi eq, %jit3A_270, %eq3A_271 : i32
      %jit3A_273 = arith.constant 1 : i32
      %select_n3A_274 = arith.select %eq3A_272, %jit3A_273, %jit3A_270 : i32
      %rem3A_275 = arith.remsi %add3A_229, %select_n3A_274 : i32
      %ne3A_276 = arith.constant 0 : i32
      %ne3A_277 = arith.cmpi ne, %rem3A_275, %ne3A_276 : i32
      %lt3A_278 = arith.constant 0 : i32
      %lt3A_279 = arith.cmpi slt, %rem3A_275, %lt3A_278 : i32
      %lt3A_280 = arith.constant 0 : i32
      %lt3A_281 = arith.cmpi slt, %select_n3A_274, %lt3A_280 : i32
      %ne3A_282 = arith.xori %lt3A_279, %lt3A_281 : i1
      %and3A_283 = arith.andi %ne3A_282, %ne3A_277 : i1
      %add3A_284 = arith.addi %rem3A_275, %select_n3A_274 : i32
      %select_n3A_285 = arith.select %and3A_283, %add3A_284, %rem3A_275 : i32
      %dma_wait3A_286 = arith.constant 0 : i32
      %dma_wait3A_287 = arith.constant 1 : i32
      %dma_wait3A_288 = arith.constant 0 : i32
      %dma_wait3A_289 = arith.constant 0 : i32
      %dma_wait3A_290 = tpu.memref_slice %arg6[%dma_wait3A_287, %dma_wait3A_288, %dma_wait3A_289] : memref<2x500x64xf32, #tpu.memory_space<vmem>> -> memref<1x100x64xf32, #tpu.memory_space<vmem>>
      %dma_wait3A_291 = tpu.memref_squeeze %dma_wait3A_290 : memref<1x100x64xf32, #tpu.memory_space<vmem>> -> memref<100x64xf32, #tpu.memory_space<vmem>>
      %dma_wait3A_292 = arith.constant 0 : i32
      %dma_wait3A_293 = tpu.memref_slice %arg5[%select_n3A_269, %select_n3A_285, %dma_wait3A_286, %dma_wait3A_292] : memref<2x16x5x100xi32, #tpu.memory_space<vmem>> -> memref<1x1x1x100xi32, #tpu.memory_space<vmem>>
      %dma_wait3A_294 = tpu.memref_squeeze %dma_wait3A_293 : memref<1x1x1x100xi32, #tpu.memory_space<vmem>> -> memref<100xi32, #tpu.memory_space<vmem>>
      %dma_wait3A_295 = arith.constant 0 : i32
      %dma_wait3A_296 = arith.constant 0 : i32
      %dma_wait3A_297 = tpu.memref_slice %arg3[%dma_wait3A_295, %dma_wait3A_296] : memref<1000000x64xf32, #tpu.memory_space<hbm>> -> memref<1000000x64xf32, #tpu.memory_space<hbm>>
      tpu.wait_indirect_dma semaphore(%arg9 : memref<!tpu.dma_semaphore, #tpu.memory_space<semaphore_mem>>) src(%dma_wait3A_297 : memref<1000000x64xf32, #tpu.memory_space<hbm>>) dst(%dma_wait3A_291 : memref<100x64xf32, #tpu.memory_space<vmem>>)
      %dma_wait3A_298 = arith.constant 1 : i32
      %dma_wait3A_299 = arith.constant 1 : i32
      %dma_wait3A_300 = arith.constant 100 : i32
      %dma_wait3A_301 = arith.constant 0 : i32
      %dma_wait3A_302 = tpu.memref_slice %arg6[%dma_wait3A_299, %dma_wait3A_300, %dma_wait3A_301] : memref<2x500x64xf32, #tpu.memory_space<vmem>> -> memref<1x100x64xf32, #tpu.memory_space<vmem>>
      %dma_wait3A_303 = tpu.memref_squeeze %dma_wait3A_302 : memref<1x100x64xf32, #tpu.memory_space<vmem>> -> memref<100x64xf32, #tpu.memory_space<vmem>>
      %dma_wait3A_304 = arith.constant 0 : i32
      %dma_wait3A_305 = tpu.memref_slice %arg5[%select_n3A_269, %select_n3A_285, %dma_wait3A_298, %dma_wait3A_304] : memref<2x16x5x100xi32, #tpu.memory_space<vmem>> -> memref<1x1x1x100xi32, #tpu.memory_space<vmem>>
      %dma_wait3A_306 = tpu.memref_squeeze %dma_wait3A_305 : memref<1x1x1x100xi32, #tpu.memory_space<vmem>> -> memref<100xi32, #tpu.memory_space<vmem>>
      %dma_wait3A_307 = arith.constant 0 : i32
      %dma_wait3A_308 = arith.constant 0 : i32
      %dma_wait3A_309 = tpu.memref_slice %arg3[%dma_wait3A_307, %dma_wait3A_308] : memref<1000000x64xf32, #tpu.memory_space<hbm>> -> memref<1000000x64xf32, #tpu.memory_space<hbm>>
      tpu.wait_indirect_dma semaphore(%arg9 : memref<!tpu.dma_semaphore, #tpu.memory_space<semaphore_mem>>) src(%dma_wait3A_309 : memref<1000000x64xf32, #tpu.memory_space<hbm>>) dst(%dma_wait3A_303 : memref<100x64xf32, #tpu.memory_space<vmem>>)
      %dma_wait3A_310 = arith.constant 2 : i32
      %dma_wait3A_311 = arith.constant 1 : i32
      %dma_wait3A_312 = arith.constant 200 : i32
      %dma_wait3A_313 = arith.constant 0 : i32
      %dma_wait3A_314 = tpu.memref_slice %arg6[%dma_wait3A_311, %dma_wait3A_312, %dma_wait3A_313] : memref<2x500x64xf32, #tpu.memory_space<vmem>> -> memref<1x100x64xf32, #tpu.memory_space<vmem>>
      %dma_wait3A_315 = tpu.memref_squeeze %dma_wait3A_314 : memref<1x100x64xf32, #tpu.memory_space<vmem>> -> memref<100x64xf32, #tpu.memory_space<vmem>>
      %dma_wait3A_316 = arith.constant 0 : i32
      %dma_wait3A_317 = tpu.memref_slice %arg5[%select_n3A_269, %select_n3A_285, %dma_wait3A_310, %dma_wait3A_316] : memref<2x16x5x100xi32, #tpu.memory_space<vmem>> -> memref<1x1x1x100xi32, #tpu.memory_space<vmem>>
      %dma_wait3A_318 = tpu.memref_squeeze %dma_wait3A_317 : memref<1x1x1x100xi32, #tpu.memory_space<vmem>> -> memref<100xi32, #tpu.memory_space<vmem>>
      %dma_wait3A_319 = arith.constant 0 : i32
      %dma_wait3A_320 = arith.constant 0 : i32
      %dma_wait3A_321 = tpu.memref_slice %arg3[%dma_wait3A_319, %dma_wait3A_320] : memref<1000000x64xf32, #tpu.memory_space<hbm>> -> memref<1000000x64xf32, #tpu.memory_space<hbm>>
      tpu.wait_indirect_dma semaphore(%arg9 : memref<!tpu.dma_semaphore, #tpu.memory_space<semaphore_mem>>) src(%dma_wait3A_321 : memref<1000000x64xf32, #tpu.memory_space<hbm>>) dst(%dma_wait3A_315 : memref<100x64xf32, #tpu.memory_space<vmem>>)
      %dma_wait3A_322 = arith.constant 3 : i32
      %dma_wait3A_323 = arith.constant 1 : i32
      %dma_wait3A_324 = arith.constant 300 : i32
      %dma_wait3A_325 = arith.constant 0 : i32
      %dma_wait3A_326 = tpu.memref_slice %arg6[%dma_wait3A_323, %dma_wait3A_324, %dma_wait3A_325] : memref<2x500x64xf32, #tpu.memory_space<vmem>> -> memref<1x100x64xf32, #tpu.memory_space<vmem>>
      %dma_wait3A_327 = tpu.memref_squeeze %dma_wait3A_326 : memref<1x100x64xf32, #tpu.memory_space<vmem>> -> memref<100x64xf32, #tpu.memory_space<vmem>>
      %dma_wait3A_328 = arith.constant 0 : i32
      %dma_wait3A_329 = tpu.memref_slice %arg5[%select_n3A_269, %select_n3A_285, %dma_wait3A_322, %dma_wait3A_328] : memref<2x16x5x100xi32, #tpu.memory_space<vmem>> -> memref<1x1x1x100xi32, #tpu.memory_space<vmem>>
      %dma_wait3A_330 = tpu.memref_squeeze %dma_wait3A_329 : memref<1x1x1x100xi32, #tpu.memory_space<vmem>> -> memref<100xi32, #tpu.memory_space<vmem>>
      %dma_wait3A_331 = arith.constant 0 : i32
      %dma_wait3A_332 = arith.constant 0 : i32
      %dma_wait3A_333 = tpu.memref_slice %arg3[%dma_wait3A_331, %dma_wait3A_332] : memref<1000000x64xf32, #tpu.memory_space<hbm>> -> memref<1000000x64xf32, #tpu.memory_space<hbm>>
      tpu.wait_indirect_dma semaphore(%arg9 : memref<!tpu.dma_semaphore, #tpu.memory_space<semaphore_mem>>) src(%dma_wait3A_333 : memref<1000000x64xf32, #tpu.memory_space<hbm>>) dst(%dma_wait3A_327 : memref<100x64xf32, #tpu.memory_space<vmem>>)
      %dma_wait3A_334 = arith.constant 4 : i32
      %dma_wait3A_335 = arith.constant 1 : i32
      %dma_wait3A_336 = arith.constant 400 : i32
      %dma_wait3A_337 = arith.constant 0 : i32
      %dma_wait3A_338 = tpu.memref_slice %arg6[%dma_wait3A_335, %dma_wait3A_336, %dma_wait3A_337] : memref<2x500x64xf32, #tpu.memory_space<vmem>> -> memref<1x100x64xf32, #tpu.memory_space<vmem>>
      %dma_wait3A_339 = tpu.memref_squeeze %dma_wait3A_338 : memref<1x100x64xf32, #tpu.memory_space<vmem>> -> memref<100x64xf32, #tpu.memory_space<vmem>>
      %dma_wait3A_340 = arith.constant 0 : i32
      %dma_wait3A_341 = tpu.memref_slice %arg5[%select_n3A_269, %select_n3A_285, %dma_wait3A_334, %dma_wait3A_340] : memref<2x16x5x100xi32, #tpu.memory_space<vmem>> -> memref<1x1x1x100xi32, #tpu.memory_space<vmem>>
      %dma_wait3A_342 = tpu.memref_squeeze %dma_wait3A_341 : memref<1x1x1x100xi32, #tpu.memory_space<vmem>> -> memref<100xi32, #tpu.memory_space<vmem>>
      %dma_wait3A_343 = arith.constant 0 : i32
      %dma_wait3A_344 = arith.constant 0 : i32
      %dma_wait3A_345 = tpu.memref_slice %arg3[%dma_wait3A_343, %dma_wait3A_344] : memref<1000000x64xf32, #tpu.memory_space<hbm>> -> memref<1000000x64xf32, #tpu.memory_space<hbm>>
      tpu.wait_indirect_dma semaphore(%arg9 : memref<!tpu.dma_semaphore, #tpu.memory_space<semaphore_mem>>) src(%dma_wait3A_345 : memref<1000000x64xf32, #tpu.memory_space<hbm>>) dst(%dma_wait3A_339 : memref<100x64xf32, #tpu.memory_space<vmem>>)
      %add3A_346 = arith.constant 1 : i32
      %add3A_347 = arith.addi %add3A_229, %add3A_346 : i32
      %lt3A_348 = arith.constant 128 : i32
      %lt3A_349 = arith.cmpi slt, %add3A_347, %lt3A_348 : i32
      %convert_element_type3A_350 = arith.extui %lt3A_349 : i1 to i32
      %cond3A_351 = arith.constant 0 : i32
      %cond3A_352 = arith.cmpi ne, %convert_element_type3A_350, %cond3A_351 : i32
      scf.if %cond3A_352 {
        %add3A_373 = arith.constant 1 : i32
        %add3A_374 = arith.addi %add3A_229, %add3A_373 : i32
        %jit3A_375 = arith.constant 16 : i32
        %eq3A_376 = arith.constant 0 : i32
        %eq3A_377 = arith.cmpi eq, %jit3A_375, %eq3A_376 : i32
        %jit3A_378 = arith.constant 1 : i32
        %select_n3A_379 = arith.select %eq3A_377, %jit3A_378, %jit3A_375 : i32
        %rem3A_380 = arith.remsi %add3A_374, %select_n3A_379 : i32
        %ne3A_381 = arith.constant 0 : i32
        %ne3A_382 = arith.cmpi ne, %rem3A_380, %ne3A_381 : i32
        %lt3A_383 = arith.constant 0 : i32
        %lt3A_384 = arith.cmpi slt, %rem3A_380, %lt3A_383 : i32
        %lt3A_385 = arith.constant 0 : i32
        %lt3A_386 = arith.cmpi slt, %select_n3A_379, %lt3A_385 : i32
        %ne3A_387 = arith.xori %lt3A_384, %lt3A_386 : i1
        %and3A_388 = arith.andi %ne3A_387, %ne3A_382 : i1
        %add3A_389 = arith.addi %rem3A_380, %select_n3A_379 : i32
        %select_n3A_390 = arith.select %and3A_388, %add3A_389, %rem3A_380 : i32
        %eq3A_391 = arith.constant 0 : i32
        %eq3A_392 = arith.cmpi eq, %select_n3A_390, %eq3A_391 : i32
        %convert_element_type3A_393 = arith.extui %eq3A_392 : i1 to i32
        %cond3A_394 = arith.constant 0 : i32
        %cond3A_395 = arith.cmpi ne, %convert_element_type3A_393, %cond3A_394 : i32
        scf.if %cond3A_395 {
          %add3A_514 = arith.constant 1 : i32
          %add3A_515 = arith.addi %add3A_229, %add3A_514 : i32
          %jit3A_516 = arith.constant 16 : i32
          %div3A_517 = arith.divsi %add3A_515, %jit3A_516 : i32
          %sign3A_518 = arith.constant 0 : i32
          %sign3A_519 = arith.cmpi sgt, %add3A_515, %sign3A_518 : i32
          %sign3A_520 = arith.extui %sign3A_519 : i1 to i32
          %sign3A_521 = arith.constant 0 : i32
          %sign3A_522 = arith.cmpi slt, %add3A_515, %sign3A_521 : i32
          %sign3A_523 = arith.extui %sign3A_522 : i1 to i32
          %sign3A_524 = arith.subi %sign3A_520, %sign3A_523 : i32
          %sign3A_525 = arith.constant 0 : i32
          %sign3A_526 = arith.cmpi sgt, %jit3A_516, %sign3A_525 : i32
          %sign3A_527 = arith.extui %sign3A_526 : i1 to i32
          %sign3A_528 = arith.constant 0 : i32
          %sign3A_529 = arith.cmpi slt, %jit3A_516, %sign3A_528 : i32
          %sign3A_530 = arith.extui %sign3A_529 : i1 to i32
          %sign3A_531 = arith.subi %sign3A_527, %sign3A_530 : i32
          %ne3A_532 = arith.cmpi ne, %sign3A_524, %sign3A_531 : i32
          %rem3A_533 = arith.remsi %add3A_515, %jit3A_516 : i32
          %ne3A_534 = arith.constant 0 : i32
          %ne3A_535 = arith.cmpi ne, %rem3A_533, %ne3A_534 : i32
          %and3A_536 = arith.andi %ne3A_532, %ne3A_535 : i1
          %sub3A_537 = arith.constant 1 : i32
          %sub3A_538 = arith.subi %div3A_517, %sub3A_537 : i32
          %select_n3A_539 = arith.select %and3A_536, %sub3A_538, %div3A_517 : i32
          %mul3A_540 = arith.constant 16 : i32
          %mul3A_541 = arith.muli %select_n3A_539, %mul3A_540 : i32
          %add3A_542 = arith.addi %mul3A_2, %mul3A_541 : i32
          %jit3A_543 = arith.constant 2 : i32
          %eq3A_544 = arith.constant 0 : i32
          %eq3A_545 = arith.cmpi eq, %jit3A_543, %eq3A_544 : i32
          %jit3A_546 = arith.constant 1 : i32
          %select_n3A_547 = arith.select %eq3A_545, %jit3A_546, %jit3A_543 : i32
          %rem3A_548 = arith.remsi %select_n3A_539, %select_n3A_547 : i32
          %ne3A_549 = arith.constant 0 : i32
          %ne3A_550 = arith.cmpi ne, %rem3A_548, %ne3A_549 : i32
          %lt3A_551 = arith.constant 0 : i32
          %lt3A_552 = arith.cmpi slt, %rem3A_548, %lt3A_551 : i32
          %lt3A_553 = arith.constant 0 : i32
          %lt3A_554 = arith.cmpi slt, %select_n3A_547, %lt3A_553 : i32
          %ne3A_555 = arith.xori %lt3A_552, %lt3A_554 : i1
          %and3A_556 = arith.andi %ne3A_555, %ne3A_550 : i1
          %add3A_557 = arith.addi %rem3A_548, %select_n3A_547 : i32
          %select_n3A_558 = arith.select %and3A_556, %add3A_557, %rem3A_548 : i32
          "tpu.region"() ({
            %run_scoped3A_559 = tpu.sem_alloc : memref<!tpu.dma_semaphore, #tpu.memory_space<semaphore_mem>>
            %dma_start3A_560 = arith.constant 0 : i32
            %dma_start3A_561 = arith.constant 0 : i32
            %dma_start3A_562 = arith.constant 0 : i32
            %dma_start3A_563 = tpu.memref_slice %arg5[%select_n3A_558, %dma_start3A_560, %dma_start3A_561, %dma_start3A_562] : memref<2x16x5x100xi32, #tpu.memory_space<vmem>> -> memref<1x16x5x100xi32, #tpu.memory_space<vmem>>
            %dma_start3A_564 = tpu.memref_squeeze %dma_start3A_563 : memref<1x16x5x100xi32, #tpu.memory_space<vmem>> -> memref<16x5x100xi32, #tpu.memory_space<vmem>>
            %dma_start3A_565 = arith.constant 0 : i32
            %dma_start3A_566 = arith.constant 0 : i32
            %dma_start3A_567 = tpu.memref_slice %arg2[%add3A_542, %dma_start3A_565, %dma_start3A_566] : memref<4096x5x100xi32, #tpu.memory_space<hbm>> -> memref<16x5x100xi32, #tpu.memory_space<hbm>>
            %dma_start3A_568 = arith.constant 0 : i32
            %dma_start3A_569 = arith.constant 0 : i32
            %dma_start3A_570 = arith.constant 0 : i32
            %dma_start3A_571 = tpu.memref_slice %arg5[%select_n3A_558, %dma_start3A_568, %dma_start3A_569, %dma_start3A_570] : memref<2x16x5x100xi32, #tpu.memory_space<vmem>> -> memref<1x16x5x100xi32, #tpu.memory_space<vmem>>
            %dma_start3A_572 = tpu.memref_squeeze %dma_start3A_571 : memref<1x16x5x100xi32, #tpu.memory_space<vmem>> -> memref<16x5x100xi32, #tpu.memory_space<vmem>>
            %dma_start3A_573 = arith.constant 0 : i32
            %dma_start3A_574 = arith.constant 0 : i32
            %dma_start3A_575 = tpu.memref_slice %arg2[%add3A_542, %dma_start3A_573, %dma_start3A_574] : memref<4096x5x100xi32, #tpu.memory_space<hbm>> -> memref<16x5x100xi32, #tpu.memory_space<hbm>>
            tpu.enqueue_dma source(%dma_start3A_575 : memref<16x5x100xi32, #tpu.memory_space<hbm>>) target(%dma_start3A_572 : memref<16x5x100xi32, #tpu.memory_space<vmem>>) target_semaphore(%run_scoped3A_559 : memref<!tpu.dma_semaphore, #tpu.memory_space<semaphore_mem>>)
            %dma_wait3A_576 = arith.constant 0 : i32
            %dma_wait3A_577 = arith.constant 0 : i32
            %dma_wait3A_578 = arith.constant 0 : i32
            %dma_wait3A_579 = tpu.memref_slice %arg5[%select_n3A_558, %dma_wait3A_576, %dma_wait3A_577, %dma_wait3A_578] : memref<2x16x5x100xi32, #tpu.memory_space<vmem>> -> memref<1x16x5x100xi32, #tpu.memory_space<vmem>>
            %dma_wait3A_580 = tpu.memref_squeeze %dma_wait3A_579 : memref<1x16x5x100xi32, #tpu.memory_space<vmem>> -> memref<16x5x100xi32, #tpu.memory_space<vmem>>
            %dma_wait3A_581 = arith.constant 0 : i32
            %dma_wait3A_582 = arith.constant 0 : i32
            %dma_wait3A_583 = tpu.memref_slice %arg2[%add3A_542, %dma_wait3A_581, %dma_wait3A_582] : memref<4096x5x100xi32, #tpu.memory_space<hbm>> -> memref<16x5x100xi32, #tpu.memory_space<hbm>>
            %dma_wait3A_584 = arith.constant 0 : i32
            %dma_wait3A_585 = arith.constant 0 : i32
            %dma_wait3A_586 = arith.constant 0 : i32
            %dma_wait3A_587 = tpu.memref_slice %arg5[%select_n3A_558, %dma_wait3A_584, %dma_wait3A_585, %dma_wait3A_586] : memref<2x16x5x100xi32, #tpu.memory_space<vmem>> -> memref<1x16x5x100xi32, #tpu.memory_space<vmem>>
            %dma_wait3A_588 = tpu.memref_squeeze %dma_wait3A_587 : memref<1x16x5x100xi32, #tpu.memory_space<vmem>> -> memref<16x5x100xi32, #tpu.memory_space<vmem>>
            %dma_wait3A_589 = arith.constant 0 : i32
            %dma_wait3A_590 = arith.constant 0 : i32
            %dma_wait3A_591 = tpu.memref_slice %arg2[%add3A_542, %dma_wait3A_589, %dma_wait3A_590] : memref<4096x5x100xi32, #tpu.memory_space<hbm>> -> memref<16x5x100xi32, #tpu.memory_space<hbm>>
            tpu.wait_dma2 semaphore(%run_scoped3A_559 : memref<!tpu.dma_semaphore, #tpu.memory_space<semaphore_mem>>) src(%dma_wait3A_591 : memref<16x5x100xi32, #tpu.memory_space<hbm>>) dst(%dma_wait3A_588 : memref<16x5x100xi32, #tpu.memory_space<vmem>>)
            tpu.yield
          }) : () -> ()
        } else {
        }
        %add3A_396 = arith.constant 1 : i32
        %add3A_397 = arith.addi %add3A_229, %add3A_396 : i32
        %jit3A_398 = arith.constant 16 : i32
        %div3A_399 = arith.divsi %add3A_397, %jit3A_398 : i32
        %sign3A_400 = arith.constant 0 : i32
        %sign3A_401 = arith.cmpi sgt, %add3A_397, %sign3A_400 : i32
        %sign3A_402 = arith.extui %sign3A_401 : i1 to i32
        %sign3A_403 = arith.constant 0 : i32
        %sign3A_404 = arith.cmpi slt, %add3A_397, %sign3A_403 : i32
        %sign3A_405 = arith.extui %sign3A_404 : i1 to i32
        %sign3A_406 = arith.subi %sign3A_402, %sign3A_405 : i32
        %sign3A_407 = arith.constant 0 : i32
        %sign3A_408 = arith.cmpi sgt, %jit3A_398, %sign3A_407 : i32
        %sign3A_409 = arith.extui %sign3A_408 : i1 to i32
        %sign3A_410 = arith.constant 0 : i32
        %sign3A_411 = arith.cmpi slt, %jit3A_398, %sign3A_410 : i32
        %sign3A_412 = arith.extui %sign3A_411 : i1 to i32
        %sign3A_413 = arith.subi %sign3A_409, %sign3A_412 : i32
        %ne3A_414 = arith.cmpi ne, %sign3A_406, %sign3A_413 : i32
        %rem3A_415 = arith.remsi %add3A_397, %jit3A_398 : i32
        %ne3A_416 = arith.constant 0 : i32
        %ne3A_417 = arith.cmpi ne, %rem3A_415, %ne3A_416 : i32
        %and3A_418 = arith.andi %ne3A_414, %ne3A_417 : i1
        %sub3A_419 = arith.constant 1 : i32
        %sub3A_420 = arith.subi %div3A_399, %sub3A_419 : i32
        %select_n3A_421 = arith.select %and3A_418, %sub3A_420, %div3A_399 : i32
        %jit3A_422 = arith.constant 2 : i32
        %eq3A_423 = arith.constant 0 : i32
        %eq3A_424 = arith.cmpi eq, %jit3A_422, %eq3A_423 : i32
        %jit3A_425 = arith.constant 1 : i32
        %select_n3A_426 = arith.select %eq3A_424, %jit3A_425, %jit3A_422 : i32
        %rem3A_427 = arith.remsi %select_n3A_421, %select_n3A_426 : i32
        %ne3A_428 = arith.constant 0 : i32
        %ne3A_429 = arith.cmpi ne, %rem3A_427, %ne3A_428 : i32
        %lt3A_430 = arith.constant 0 : i32
        %lt3A_431 = arith.cmpi slt, %rem3A_427, %lt3A_430 : i32
        %lt3A_432 = arith.constant 0 : i32
        %lt3A_433 = arith.cmpi slt, %select_n3A_426, %lt3A_432 : i32
        %ne3A_434 = arith.xori %lt3A_431, %lt3A_433 : i1
        %and3A_435 = arith.andi %ne3A_434, %ne3A_429 : i1
        %add3A_436 = arith.addi %rem3A_427, %select_n3A_426 : i32
        %select_n3A_437 = arith.select %and3A_435, %add3A_436, %rem3A_427 : i32
        %jit3A_438 = arith.constant 16 : i32
        %eq3A_439 = arith.constant 0 : i32
        %eq3A_440 = arith.cmpi eq, %jit3A_438, %eq3A_439 : i32
        %jit3A_441 = arith.constant 1 : i32
        %select_n3A_442 = arith.select %eq3A_440, %jit3A_441, %jit3A_438 : i32
        %rem3A_443 = arith.remsi %add3A_397, %select_n3A_442 : i32
        %ne3A_444 = arith.constant 0 : i32
        %ne3A_445 = arith.cmpi ne, %rem3A_443, %ne3A_444 : i32
        %lt3A_446 = arith.constant 0 : i32
        %lt3A_447 = arith.cmpi slt, %rem3A_443, %lt3A_446 : i32
        %lt3A_448 = arith.constant 0 : i32
        %lt3A_449 = arith.cmpi slt, %select_n3A_442, %lt3A_448 : i32
        %ne3A_450 = arith.xori %lt3A_447, %lt3A_449 : i1
        %and3A_451 = arith.andi %ne3A_450, %ne3A_445 : i1
        %add3A_452 = arith.addi %rem3A_443, %select_n3A_442 : i32
        %select_n3A_453 = arith.select %and3A_451, %add3A_452, %rem3A_443 : i32
        %dma_start3A_454 = arith.constant 0 : i32
        %dma_start3A_455 = arith.constant 0 : i32
        %dma_start3A_456 = arith.constant 0 : i32
        %dma_start3A_457 = arith.constant 0 : i32
        %dma_start3A_458 = tpu.memref_slice %arg6[%dma_start3A_455, %dma_start3A_456, %dma_start3A_457] : memref<2x500x64xf32, #tpu.memory_space<vmem>> -> memref<1x100x64xf32, #tpu.memory_space<vmem>>
        %dma_start3A_459 = tpu.memref_squeeze %dma_start3A_458 : memref<1x100x64xf32, #tpu.memory_space<vmem>> -> memref<100x64xf32, #tpu.memory_space<vmem>>
        %dma_start3A_460 = arith.constant 0 : i32
        %dma_start3A_461 = tpu.memref_slice %arg5[%select_n3A_437, %select_n3A_453, %dma_start3A_454, %dma_start3A_460] : memref<2x16x5x100xi32, #tpu.memory_space<vmem>> -> memref<1x1x1x100xi32, #tpu.memory_space<vmem>>
        %dma_start3A_462 = tpu.memref_squeeze %dma_start3A_461 : memref<1x1x1x100xi32, #tpu.memory_space<vmem>> -> memref<100xi32, #tpu.memory_space<vmem>>
        %dma_start3A_463 = arith.constant 0 : i32
        %dma_start3A_464 = arith.constant 0 : i32
        %dma_start3A_465 = tpu.memref_slice %arg3[%dma_start3A_463, %dma_start3A_464] : memref<1000000x64xf32, #tpu.memory_space<hbm>> -> memref<1000000x64xf32, #tpu.memory_space<hbm>>
        tpu.enqueue_indirect_dma source(%dma_start3A_465 : memref<1000000x64xf32, #tpu.memory_space<hbm>>) target(%dma_start3A_459 : memref<100x64xf32, #tpu.memory_space<vmem>>) offsets(%dma_start3A_462 : memref<100xi32, #tpu.memory_space<vmem>>) semaphore(%arg8 : memref<!tpu.dma_semaphore, #tpu.memory_space<semaphore_mem>>)
        %dma_start3A_466 = arith.constant 1 : i32
        %dma_start3A_467 = arith.constant 0 : i32
        %dma_start3A_468 = arith.constant 100 : i32
        %dma_start3A_469 = arith.constant 0 : i32
        %dma_start3A_470 = tpu.memref_slice %arg6[%dma_start3A_467, %dma_start3A_468, %dma_start3A_469] : memref<2x500x64xf32, #tpu.memory_space<vmem>> -> memref<1x100x64xf32, #tpu.memory_space<vmem>>
        %dma_start3A_471 = tpu.memref_squeeze %dma_start3A_470 : memref<1x100x64xf32, #tpu.memory_space<vmem>> -> memref<100x64xf32, #tpu.memory_space<vmem>>
        %dma_start3A_472 = arith.constant 0 : i32
        %dma_start3A_473 = tpu.memref_slice %arg5[%select_n3A_437, %select_n3A_453, %dma_start3A_466, %dma_start3A_472] : memref<2x16x5x100xi32, #tpu.memory_space<vmem>> -> memref<1x1x1x100xi32, #tpu.memory_space<vmem>>
        %dma_start3A_474 = tpu.memref_squeeze %dma_start3A_473 : memref<1x1x1x100xi32, #tpu.memory_space<vmem>> -> memref<100xi32, #tpu.memory_space<vmem>>
        %dma_start3A_475 = arith.constant 0 : i32
        %dma_start3A_476 = arith.constant 0 : i32
        %dma_start3A_477 = tpu.memref_slice %arg3[%dma_start3A_475, %dma_start3A_476] : memref<1000000x64xf32, #tpu.memory_space<hbm>> -> memref<1000000x64xf32, #tpu.memory_space<hbm>>
        tpu.enqueue_indirect_dma source(%dma_start3A_477 : memref<1000000x64xf32, #tpu.memory_space<hbm>>) target(%dma_start3A_471 : memref<100x64xf32, #tpu.memory_space<vmem>>) offsets(%dma_start3A_474 : memref<100xi32, #tpu.memory_space<vmem>>) semaphore(%arg8 : memref<!tpu.dma_semaphore, #tpu.memory_space<semaphore_mem>>)
        %dma_start3A_478 = arith.constant 2 : i32
        %dma_start3A_479 = arith.constant 0 : i32
        %dma_start3A_480 = arith.constant 200 : i32
        %dma_start3A_481 = arith.constant 0 : i32
        %dma_start3A_482 = tpu.memref_slice %arg6[%dma_start3A_479, %dma_start3A_480, %dma_start3A_481] : memref<2x500x64xf32, #tpu.memory_space<vmem>> -> memref<1x100x64xf32, #tpu.memory_space<vmem>>
        %dma_start3A_483 = tpu.memref_squeeze %dma_start3A_482 : memref<1x100x64xf32, #tpu.memory_space<vmem>> -> memref<100x64xf32, #tpu.memory_space<vmem>>
        %dma_start3A_484 = arith.constant 0 : i32
        %dma_start3A_485 = tpu.memref_slice %arg5[%select_n3A_437, %select_n3A_453, %dma_start3A_478, %dma_start3A_484] : memref<2x16x5x100xi32, #tpu.memory_space<vmem>> -> memref<1x1x1x100xi32, #tpu.memory_space<vmem>>
        %dma_start3A_486 = tpu.memref_squeeze %dma_start3A_485 : memref<1x1x1x100xi32, #tpu.memory_space<vmem>> -> memref<100xi32, #tpu.memory_space<vmem>>
        %dma_start3A_487 = arith.constant 0 : i32
        %dma_start3A_488 = arith.constant 0 : i32
        %dma_start3A_489 = tpu.memref_slice %arg3[%dma_start3A_487, %dma_start3A_488] : memref<1000000x64xf32, #tpu.memory_space<hbm>> -> memref<1000000x64xf32, #tpu.memory_space<hbm>>
        tpu.enqueue_indirect_dma source(%dma_start3A_489 : memref<1000000x64xf32, #tpu.memory_space<hbm>>) target(%dma_start3A_483 : memref<100x64xf32, #tpu.memory_space<vmem>>) offsets(%dma_start3A_486 : memref<100xi32, #tpu.memory_space<vmem>>) semaphore(%arg8 : memref<!tpu.dma_semaphore, #tpu.memory_space<semaphore_mem>>)
        %dma_start3A_490 = arith.constant 3 : i32
        %dma_start3A_491 = arith.constant 0 : i32
        %dma_start3A_492 = arith.constant 300 : i32
        %dma_start3A_493 = arith.constant 0 : i32
        %dma_start3A_494 = tpu.memref_slice %arg6[%dma_start3A_491, %dma_start3A_492, %dma_start3A_493] : memref<2x500x64xf32, #tpu.memory_space<vmem>> -> memref<1x100x64xf32, #tpu.memory_space<vmem>>
        %dma_start3A_495 = tpu.memref_squeeze %dma_start3A_494 : memref<1x100x64xf32, #tpu.memory_space<vmem>> -> memref<100x64xf32, #tpu.memory_space<vmem>>
        %dma_start3A_496 = arith.constant 0 : i32
        %dma_start3A_497 = tpu.memref_slice %arg5[%select_n3A_437, %select_n3A_453, %dma_start3A_490, %dma_start3A_496] : memref<2x16x5x100xi32, #tpu.memory_space<vmem>> -> memref<1x1x1x100xi32, #tpu.memory_space<vmem>>
        %dma_start3A_498 = tpu.memref_squeeze %dma_start3A_497 : memref<1x1x1x100xi32, #tpu.memory_space<vmem>> -> memref<100xi32, #tpu.memory_space<vmem>>
        %dma_start3A_499 = arith.constant 0 : i32
        %dma_start3A_500 = arith.constant 0 : i32
        %dma_start3A_501 = tpu.memref_slice %arg3[%dma_start3A_499, %dma_start3A_500] : memref<1000000x64xf32, #tpu.memory_space<hbm>> -> memref<1000000x64xf32, #tpu.memory_space<hbm>>
        tpu.enqueue_indirect_dma source(%dma_start3A_501 : memref<1000000x64xf32, #tpu.memory_space<hbm>>) target(%dma_start3A_495 : memref<100x64xf32, #tpu.memory_space<vmem>>) offsets(%dma_start3A_498 : memref<100xi32, #tpu.memory_space<vmem>>) semaphore(%arg8 : memref<!tpu.dma_semaphore, #tpu.memory_space<semaphore_mem>>)
        %dma_start3A_502 = arith.constant 4 : i32
        %dma_start3A_503 = arith.constant 0 : i32
        %dma_start3A_504 = arith.constant 400 : i32
        %dma_start3A_505 = arith.constant 0 : i32
        %dma_start3A_506 = tpu.memref_slice %arg6[%dma_start3A_503, %dma_start3A_504, %dma_start3A_505] : memref<2x500x64xf32, #tpu.memory_space<vmem>> -> memref<1x100x64xf32, #tpu.memory_space<vmem>>
        %dma_start3A_507 = tpu.memref_squeeze %dma_start3A_506 : memref<1x100x64xf32, #tpu.memory_space<vmem>> -> memref<100x64xf32, #tpu.memory_space<vmem>>
        %dma_start3A_508 = arith.constant 0 : i32
        %dma_start3A_509 = tpu.memref_slice %arg5[%select_n3A_437, %select_n3A_453, %dma_start3A_502, %dma_start3A_508] : memref<2x16x5x100xi32, #tpu.memory_space<vmem>> -> memref<1x1x1x100xi32, #tpu.memory_space<vmem>>
        %dma_start3A_510 = tpu.memref_squeeze %dma_start3A_509 : memref<1x1x1x100xi32, #tpu.memory_space<vmem>> -> memref<100xi32, #tpu.memory_space<vmem>>
        %dma_start3A_511 = arith.constant 0 : i32
        %dma_start3A_512 = arith.constant 0 : i32
        %dma_start3A_513 = tpu.memref_slice %arg3[%dma_start3A_511, %dma_start3A_512] : memref<1000000x64xf32, #tpu.memory_space<hbm>> -> memref<1000000x64xf32, #tpu.memory_space<hbm>>
        tpu.enqueue_indirect_dma source(%dma_start3A_513 : memref<1000000x64xf32, #tpu.memory_space<hbm>>) target(%dma_start3A_507 : memref<100x64xf32, #tpu.memory_space<vmem>>) offsets(%dma_start3A_510 : memref<100xi32, #tpu.memory_space<vmem>>) semaphore(%arg8 : memref<!tpu.dma_semaphore, #tpu.memory_space<semaphore_mem>>)
      } else {
      }
      %ge3A_353 = arith.constant 1 : i32
      %ge3A_354 = arith.cmpi sge, %add3A_229, %ge3A_353 : i32
      %convert_element_type3A_355 = arith.extui %ge3A_354 : i1 to i32
      %cond3A_356 = arith.constant 0 : i32
      %cond3A_357 = arith.cmpi ne, %convert_element_type3A_355, %cond3A_356 : i32
      scf.if %cond3A_357 {
        %add3A_373 = arith.addi %mul3A_2, %add3A_229 : i32
        %sub3A_374 = arith.constant 1 : i32
        %sub3A_375 = arith.subi %add3A_373, %sub3A_374 : i32
        %dma_wait3A_376 = arith.constant 0 : i32
        %dma_wait3A_377 = arith.constant 0 : i32
        %dma_wait3A_378 = tpu.memref_slice %arg4[%sub3A_375, %dma_wait3A_376, %dma_wait3A_377] : memref<4096x45x16xf32, #tpu.memory_space<hbm>> -> memref<1x45x16xf32, #tpu.memory_space<hbm>>
        %dma_wait3A_379 = tpu.memref_squeeze %dma_wait3A_378 : memref<1x45x16xf32, #tpu.memory_space<hbm>> -> memref<45x16xf32, #tpu.memory_space<hbm>>
        %dma_wait3A_380 = arith.constant 0 : i32
        %dma_wait3A_381 = arith.constant 0 : i32
        %dma_wait3A_382 = tpu.memref_slice %arg4[%sub3A_375, %dma_wait3A_380, %dma_wait3A_381] : memref<4096x45x16xf32, #tpu.memory_space<hbm>> -> memref<1x45x16xf32, #tpu.memory_space<hbm>>
        %dma_wait3A_383 = tpu.memref_squeeze %dma_wait3A_382 : memref<1x45x16xf32, #tpu.memory_space<hbm>> -> memref<45x16xf32, #tpu.memory_space<hbm>>
        tpu.wait_dma2 semaphore(%arg10 : memref<!tpu.dma_semaphore, #tpu.memory_space<semaphore_mem>>) src(%arg7 : memref<45x16xf32, #tpu.memory_space<vmem>>) dst(%dma_wait3A_383 : memref<45x16xf32, #tpu.memory_space<hbm>>)
      } else {
      }
      %scan3A_358 = arith.constant 0 : i32
      %scan3A_359 = arith.constant 0 : i32
      %scan3A_360 = arith.constant 45 : i32
      %scan3A_361 = arith.addi %scan3A_359, %scan3A_360 : i32
      %scan3A_362 = arith.constant 1 : i32
      scf.for %scan3A_373 = %scan3A_359 to %scan3A_361 step %scan3A_362  : i32 {
        %get3A = arith.constant 1 : i32
        %get3A_374 = arith.index_cast %get3A : i32 to index
        %get3A_375 = arith.index_cast %scan3A_373 : i32 to index
        %get3A_376 = arith.constant 0 : index
        %get3A_377 = tpu.vector_load %arg6[%get3A_374, %get3A_375, %get3A_376] {strides = array<i32>} : memref<2x500x64xf32, #tpu.memory_space<vmem>>, vector<16xf32>,
        %get3A_378 = arith.constant 1 : i32
        %get3A_379 = arith.index_cast %get3A_378 : i32 to index
        %get3A_380 = arith.index_cast %scan3A_373 : i32 to index
        %get3A_381 = arith.constant 16 : index
        %get3A_382 = tpu.vector_load %arg6[%get3A_379, %get3A_380, %get3A_381] {strides = array<i32>} : memref<2x500x64xf32, #tpu.memory_space<vmem>>, vector<16xf32>,
        %get3A_383 = arith.constant 1 : i32
        %get3A_384 = arith.index_cast %get3A_383 : i32 to index
        %get3A_385 = arith.index_cast %scan3A_373 : i32 to index
        %get3A_386 = arith.constant 32 : index
        %get3A_387 = tpu.vector_load %arg6[%get3A_384, %get3A_385, %get3A_386] {strides = array<i32>} : memref<2x500x64xf32, #tpu.memory_space<vmem>>, vector<16xf32>,
        %get3A_388 = arith.constant 1 : i32
        %get3A_389 = arith.index_cast %get3A_388 : i32 to index
        %get3A_390 = arith.index_cast %scan3A_373 : i32 to index
        %get3A_391 = arith.constant 48 : index
        %get3A_392 = tpu.vector_load %arg6[%get3A_389, %get3A_390, %get3A_391] {strides = array<i32>} : memref<2x500x64xf32, #tpu.memory_space<vmem>>, vector<16xf32>,
        %broadcast_in_dim3A = arith.constant 0.000000e+00 : f32
        %broadcast_in_dim3A_393 = vector.broadcast %broadcast_in_dim3A : f32 to vector<16xf32>
        %add3A_394 = arith.constant 1 : i32
        %add3A_395 = arith.addi %scan3A_373, %add3A_394 : i32
        %add3A_396 = arith.constant 0 : i32
        %add3A_397 = arith.addi %add3A_395, %add3A_396 : i32
        %get3A_398 = arith.constant 1 : i32
        %get3A_399 = arith.index_cast %get3A_398 : i32 to index
        %get3A_400 = arith.index_cast %add3A_397 : i32 to index
        %get3A_401 = arith.constant 0 : index
        %get3A_402 = tpu.vector_load %arg6[%get3A_399, %get3A_400, %get3A_401] {strides = array<i32>} : memref<2x500x64xf32, #tpu.memory_space<vmem>>, vector<16xf32>,
        %mul3A_403 = arith.mulf %get3A_377, %get3A_402 : vector<16xf32>
        %get3A_404 = arith.constant 1 : i32
        %get3A_405 = arith.index_cast %get3A_404 : i32 to index
        %get3A_406 = arith.index_cast %add3A_397 : i32 to index
        %get3A_407 = arith.constant 16 : index
        %get3A_408 = tpu.vector_load %arg6[%get3A_405, %get3A_406, %get3A_407] {strides = array<i32>} : memref<2x500x64xf32, #tpu.memory_space<vmem>>, vector<16xf32>,
        %mul3A_409 = arith.mulf %get3A_382, %get3A_408 : vector<16xf32>
        %add3A_410 = arith.addf %mul3A_403, %mul3A_409 : vector<16xf32>
        %get3A_411 = arith.constant 1 : i32
        %get3A_412 = arith.index_cast %get3A_411 : i32 to index
        %get3A_413 = arith.index_cast %add3A_397 : i32 to index
        %get3A_414 = arith.constant 32 : index
        %get3A_415 = tpu.vector_load %arg6[%get3A_412, %get3A_413, %get3A_414] {strides = array<i32>} : memref<2x500x64xf32, #tpu.memory_space<vmem>>, vector<16xf32>,
        %mul3A_416 = arith.mulf %get3A_387, %get3A_415 : vector<16xf32>
        %add3A_417 = arith.addf %add3A_410, %mul3A_416 : vector<16xf32>
        %get3A_418 = arith.constant 1 : i32
        %get3A_419 = arith.index_cast %get3A_418 : i32 to index
        %get3A_420 = arith.index_cast %add3A_397 : i32 to index
        %get3A_421 = arith.constant 48 : index
        %get3A_422 = tpu.vector_load %arg6[%get3A_419, %get3A_420, %get3A_421] {strides = array<i32>} : memref<2x500x64xf32, #tpu.memory_space<vmem>>, vector<16xf32>,
        %mul3A_423 = arith.mulf %get3A_392, %get3A_422 : vector<16xf32>
        %add3A_424 = arith.addf %add3A_417, %mul3A_423 : vector<16xf32>
        %reduce_sum3A = arith.constant true
        %reduce_sum3A_425 = vector.broadcast %reduce_sum3A : i1 to vector<16xi1>
        %reduce_sum3A_426 = tpu.scan <sum>, %add3A_424 masked %reduce_sum3A_425 : vector<16xf32>, vector<16xi1> -> vector<16xf32>
        %reduce_sum3A_427 = vector.extract %reduce_sum3A_426[15] : f32 from vector<16xf32>
        %eq3A_428 = arith.constant 0 : i32
        %eq3A_429 = vector.broadcast %eq3A_428 : i32 to vector<16xi32>
        %eq3A_430 = arith.cmpi eq, %iota3A, %eq3A_429 : vector<16xi32>
        %broadcast_in_dim3A_431 = vector.broadcast %reduce_sum3A_427 : f32 to vector<16xf32>
        %select_n3A_432 = arith.select %eq3A_430, %broadcast_in_dim3A_431, %broadcast_in_dim3A_393 : vector<16xi1>, vector<16xf32>
        %add3A_433 = arith.constant 1 : i32
        %add3A_434 = arith.addi %scan3A_373, %add3A_433 : i32
        %add3A_435 = arith.constant 1 : i32
        %add3A_436 = arith.addi %add3A_434, %add3A_435 : i32
        %get3A_437 = arith.constant 1 : i32
        %get3A_438 = arith.index_cast %get3A_437 : i32 to index
        %get3A_439 = arith.index_cast %add3A_436 : i32 to index
        %get3A_440 = arith.constant 0 : index
        %get3A_441 = tpu.vector_load %arg6[%get3A_438, %get3A_439, %get3A_440] {strides = array<i32>} : memref<2x500x64xf32, #tpu.memory_space<vmem>>, vector<16xf32>,
        %mul3A_442 = arith.mulf %get3A_377, %get3A_441 : vector<16xf32>
        %get3A_443 = arith.constant 1 : i32
        %get3A_444 = arith.index_cast %get3A_443 : i32 to index
        %get3A_445 = arith.index_cast %add3A_436 : i32 to index
        %get3A_446 = arith.constant 16 : index
        %get3A_447 = tpu.vector_load %arg6[%get3A_444, %get3A_445, %get3A_446] {strides = array<i32>} : memref<2x500x64xf32, #tpu.memory_space<vmem>>, vector<16xf32>,
        %mul3A_448 = arith.mulf %get3A_382, %get3A_447 : vector<16xf32>
        %add3A_449 = arith.addf %mul3A_442, %mul3A_448 : vector<16xf32>
        %get3A_450 = arith.constant 1 : i32
        %get3A_451 = arith.index_cast %get3A_450 : i32 to index
        %get3A_452 = arith.index_cast %add3A_436 : i32 to index
        %get3A_453 = arith.constant 32 : index
        %get3A_454 = tpu.vector_load %arg6[%get3A_451, %get3A_452, %get3A_453] {strides = array<i32>} : memref<2x500x64xf32, #tpu.memory_space<vmem>>, vector<16xf32>,
        %mul3A_455 = arith.mulf %get3A_387, %get3A_454 : vector<16xf32>
        %add3A_456 = arith.addf %add3A_449, %mul3A_455 : vector<16xf32>
        %get3A_457 = arith.constant 1 : i32
        %get3A_458 = arith.index_cast %get3A_457 : i32 to index
        %get3A_459 = arith.index_cast %add3A_436 : i32 to index
        %get3A_460 = arith.constant 48 : index
        %get3A_461 = tpu.vector_load %arg6[%get3A_458, %get3A_459, %get3A_460] {strides = array<i32>} : memref<2x500x64xf32, #tpu.memory_space<vmem>>, vector<16xf32>,
        %mul3A_462 = arith.mulf %get3A_392, %get3A_461 : vector<16xf32>
        %add3A_463 = arith.addf %add3A_456, %mul3A_462 : vector<16xf32>
        %reduce_sum3A_464 = arith.constant true
        %reduce_sum3A_465 = vector.broadcast %reduce_sum3A_464 : i1 to vector<16xi1>
        %reduce_sum3A_466 = tpu.scan <sum>, %add3A_463 masked %reduce_sum3A_465 : vector<16xf32>, vector<16xi1> -> vector<16xf32>
        %reduce_sum3A_467 = vector.extract %reduce_sum3A_466[15] : f32 from vector<16xf32>
        %eq3A_468 = arith.constant 1 : i32
        %eq3A_469 = vector.broadcast %eq3A_468 : i32 to vector<16xi32>
        %eq3A_470 = arith.cmpi eq, %iota3A, %eq3A_469 : vector<16xi32>
        %broadcast_in_dim3A_471 = vector.broadcast %reduce_sum3A_467 : f32 to vector<16xf32>
        %select_n3A_472 = arith.select %eq3A_470, %broadcast_in_dim3A_471, %select_n3A_432 : vector<16xi1>, vector<16xf32>
        %add3A_473 = arith.constant 1 : i32
        %add3A_474 = arith.addi %scan3A_373, %add3A_473 : i32
        %add3A_475 = arith.constant 2 : i32
        %add3A_476 = arith.addi %add3A_474, %add3A_475 : i32
        %get3A_477 = arith.constant 1 : i32
        %get3A_478 = arith.index_cast %get3A_477 : i32 to index
        %get3A_479 = arith.index_cast %add3A_476 : i32 to index
        %get3A_480 = arith.constant 0 : index
        %get3A_481 = tpu.vector_load %arg6[%get3A_478, %get3A_479, %get3A_480] {strides = array<i32>} : memref<2x500x64xf32, #tpu.memory_space<vmem>>, vector<16xf32>,
        %mul3A_482 = arith.mulf %get3A_377, %get3A_481 : vector<16xf32>
        %get3A_483 = arith.constant 1 : i32
        %get3A_484 = arith.index_cast %get3A_483 : i32 to index
        %get3A_485 = arith.index_cast %add3A_476 : i32 to index
        %get3A_486 = arith.constant 16 : index
        %get3A_487 = tpu.vector_load %arg6[%get3A_484, %get3A_485, %get3A_486] {strides = array<i32>} : memref<2x500x64xf32, #tpu.memory_space<vmem>>, vector<16xf32>,
        %mul3A_488 = arith.mulf %get3A_382, %get3A_487 : vector<16xf32>
        %add3A_489 = arith.addf %mul3A_482, %mul3A_488 : vector<16xf32>
        %get3A_490 = arith.constant 1 : i32
        %get3A_491 = arith.index_cast %get3A_490 : i32 to index
        %get3A_492 = arith.index_cast %add3A_476 : i32 to index
        %get3A_493 = arith.constant 32 : index
        %get3A_494 = tpu.vector_load %arg6[%get3A_491, %get3A_492, %get3A_493] {strides = array<i32>} : memref<2x500x64xf32, #tpu.memory_space<vmem>>, vector<16xf32>,
        %mul3A_495 = arith.mulf %get3A_387, %get3A_494 : vector<16xf32>
        %add3A_496 = arith.addf %add3A_489, %mul3A_495 : vector<16xf32>
        %get3A_497 = arith.constant 1 : i32
        %get3A_498 = arith.index_cast %get3A_497 : i32 to index
        %get3A_499 = arith.index_cast %add3A_476 : i32 to index
        %get3A_500 = arith.constant 48 : index
        %get3A_501 = tpu.vector_load %arg6[%get3A_498, %get3A_499, %get3A_500] {strides = array<i32>} : memref<2x500x64xf32, #tpu.memory_space<vmem>>, vector<16xf32>,
        %mul3A_502 = arith.mulf %get3A_392, %get3A_501 : vector<16xf32>
        %add3A_503 = arith.addf %add3A_496, %mul3A_502 : vector<16xf32>
        %reduce_sum3A_504 = arith.constant true
        %reduce_sum3A_505 = vector.broadcast %reduce_sum3A_504 : i1 to vector<16xi1>
        %reduce_sum3A_506 = tpu.scan <sum>, %add3A_503 masked %reduce_sum3A_505 : vector<16xf32>, vector<16xi1> -> vector<16xf32>
        %reduce_sum3A_507 = vector.extract %reduce_sum3A_506[15] : f32 from vector<16xf32>
        %eq3A_508 = arith.constant 2 : i32
        %eq3A_509 = vector.broadcast %eq3A_508 : i32 to vector<16xi32>
        %eq3A_510 = arith.cmpi eq, %iota3A, %eq3A_509 : vector<16xi32>
        %broadcast_in_dim3A_511 = vector.broadcast %reduce_sum3A_507 : f32 to vector<16xf32>
        %select_n3A_512 = arith.select %eq3A_510, %broadcast_in_dim3A_511, %select_n3A_472 : vector<16xi1>, vector<16xf32>
        %add3A_513 = arith.constant 1 : i32
        %add3A_514 = arith.addi %scan3A_373, %add3A_513 : i32
        %add3A_515 = arith.constant 3 : i32
        %add3A_516 = arith.addi %add3A_514, %add3A_515 : i32
        %get3A_517 = arith.constant 1 : i32
        %get3A_518 = arith.index_cast %get3A_517 : i32 to index
        %get3A_519 = arith.index_cast %add3A_516 : i32 to index
        %get3A_520 = arith.constant 0 : index
        %get3A_521 = tpu.vector_load %arg6[%get3A_518, %get3A_519, %get3A_520] {strides = array<i32>} : memref<2x500x64xf32, #tpu.memory_space<vmem>>, vector<16xf32>,
        %mul3A_522 = arith.mulf %get3A_377, %get3A_521 : vector<16xf32>
        %get3A_523 = arith.constant 1 : i32
        %get3A_524 = arith.index_cast %get3A_523 : i32 to index
        %get3A_525 = arith.index_cast %add3A_516 : i32 to index
        %get3A_526 = arith.constant 16 : index
        %get3A_527 = tpu.vector_load %arg6[%get3A_524, %get3A_525, %get3A_526] {strides = array<i32>} : memref<2x500x64xf32, #tpu.memory_space<vmem>>, vector<16xf32>,
        %mul3A_528 = arith.mulf %get3A_382, %get3A_527 : vector<16xf32>
        %add3A_529 = arith.addf %mul3A_522, %mul3A_528 : vector<16xf32>
        %get3A_530 = arith.constant 1 : i32
        %get3A_531 = arith.index_cast %get3A_530 : i32 to index
        %get3A_532 = arith.index_cast %add3A_516 : i32 to index
        %get3A_533 = arith.constant 32 : index
        %get3A_534 = tpu.vector_load %arg6[%get3A_531, %get3A_532, %get3A_533] {strides = array<i32>} : memref<2x500x64xf32, #tpu.memory_space<vmem>>, vector<16xf32>,
        %mul3A_535 = arith.mulf %get3A_387, %get3A_534 : vector<16xf32>
        %add3A_536 = arith.addf %add3A_529, %mul3A_535 : vector<16xf32>
        %get3A_537 = arith.constant 1 : i32
        %get3A_538 = arith.index_cast %get3A_537 : i32 to index
        %get3A_539 = arith.index_cast %add3A_516 : i32 to index
        %get3A_540 = arith.constant 48 : index
        %get3A_541 = tpu.vector_load %arg6[%get3A_538, %get3A_539, %get3A_540] {strides = array<i32>} : memref<2x500x64xf32, #tpu.memory_space<vmem>>, vector<16xf32>,
        %mul3A_542 = arith.mulf %get3A_392, %get3A_541 : vector<16xf32>
        %add3A_543 = arith.addf %add3A_536, %mul3A_542 : vector<16xf32>
        %reduce_sum3A_544 = arith.constant true
        %reduce_sum3A_545 = vector.broadcast %reduce_sum3A_544 : i1 to vector<16xi1>
        %reduce_sum3A_546 = tpu.scan <sum>, %add3A_543 masked %reduce_sum3A_545 : vector<16xf32>, vector<16xi1> -> vector<16xf32>
        %reduce_sum3A_547 = vector.extract %reduce_sum3A_546[15] : f32 from vector<16xf32>
        %eq3A_548 = arith.constant 3 : i32
        %eq3A_549 = vector.broadcast %eq3A_548 : i32 to vector<16xi32>
        %eq3A_550 = arith.cmpi eq, %iota3A, %eq3A_549 : vector<16xi32>
        %broadcast_in_dim3A_551 = vector.broadcast %reduce_sum3A_547 : f32 to vector<16xf32>
        %select_n3A_552 = arith.select %eq3A_550, %broadcast_in_dim3A_551, %select_n3A_512 : vector<16xi1>, vector<16xf32>
        %add3A_553 = arith.constant 1 : i32
        %add3A_554 = arith.addi %scan3A_373, %add3A_553 : i32
        %add3A_555 = arith.constant 4 : i32
        %add3A_556 = arith.addi %add3A_554, %add3A_555 : i32
        %get3A_557 = arith.constant 1 : i32
        %get3A_558 = arith.index_cast %get3A_557 : i32 to index
        %get3A_559 = arith.index_cast %add3A_556 : i32 to index
        %get3A_560 = arith.constant 0 : index
        %get3A_561 = tpu.vector_load %arg6[%get3A_558, %get3A_559, %get3A_560] {strides = array<i32>} : memref<2x500x64xf32, #tpu.memory_space<vmem>>, vector<16xf32>,
        %mul3A_562 = arith.mulf %get3A_377, %get3A_561 : vector<16xf32>
        %get3A_563 = arith.constant 1 : i32
        %get3A_564 = arith.index_cast %get3A_563 : i32 to index
        %get3A_565 = arith.index_cast %add3A_556 : i32 to index
        %get3A_566 = arith.constant 16 : index
        %get3A_567 = tpu.vector_load %arg6[%get3A_564, %get3A_565, %get3A_566] {strides = array<i32>} : memref<2x500x64xf32, #tpu.memory_space<vmem>>, vector<16xf32>,
        %mul3A_568 = arith.mulf %get3A_382, %get3A_567 : vector<16xf32>
        %add3A_569 = arith.addf %mul3A_562, %mul3A_568 : vector<16xf32>
        %get3A_570 = arith.constant 1 : i32
        %get3A_571 = arith.index_cast %get3A_570 : i32 to index
        %get3A_572 = arith.index_cast %add3A_556 : i32 to index
        %get3A_573 = arith.constant 32 : index
        %get3A_574 = tpu.vector_load %arg6[%get3A_571, %get3A_572, %get3A_573] {strides = array<i32>} : memref<2x500x64xf32, #tpu.memory_space<vmem>>, vector<16xf32>,
        %mul3A_575 = arith.mulf %get3A_387, %get3A_574 : vector<16xf32>
        %add3A_576 = arith.addf %add3A_569, %mul3A_575 : vector<16xf32>
        %get3A_577 = arith.constant 1 : i32
        %get3A_578 = arith.index_cast %get3A_577 : i32 to index
        %get3A_579 = arith.index_cast %add3A_556 : i32 to index
        %get3A_580 = arith.constant 48 : index
        %get3A_581 = tpu.vector_load %arg6[%get3A_578, %get3A_579, %get3A_580] {strides = array<i32>} : memref<2x500x64xf32, #tpu.memory_space<vmem>>, vector<16xf32>,
        %mul3A_582 = arith.mulf %get3A_392, %get3A_581 : vector<16xf32>
        %add3A_583 = arith.addf %add3A_576, %mul3A_582 : vector<16xf32>
        %reduce_sum3A_584 = arith.constant true
        %reduce_sum3A_585 = vector.broadcast %reduce_sum3A_584 : i1 to vector<16xi1>
        %reduce_sum3A_586 = tpu.scan <sum>, %add3A_583 masked %reduce_sum3A_585 : vector<16xf32>, vector<16xi1> -> vector<16xf32>
        %reduce_sum3A_587 = vector.extract %reduce_sum3A_586[15] : f32 from vector<16xf32>
        %eq3A_588 = arith.constant 4 : i32
        %eq3A_589 = vector.broadcast %eq3A_588 : i32 to vector<16xi32>
        %eq3A_590 = arith.cmpi eq, %iota3A, %eq3A_589 : vector<16xi32>
        %broadcast_in_dim3A_591 = vector.broadcast %reduce_sum3A_587 : f32 to vector<16xf32>
        %select_n3A_592 = arith.select %eq3A_590, %broadcast_in_dim3A_591, %select_n3A_552 : vector<16xi1>, vector<16xf32>
        %mul3A_593 = arith.constant 10 : i32
        %mul3A_594 = arith.muli %scan3A_373, %mul3A_593 : i32
        %add3A_595 = arith.constant 50 : i32
        %add3A_596 = arith.addi %add3A_595, %mul3A_594 : i32
        %add3A_597 = arith.constant 0 : i32
        %add3A_598 = arith.addi %add3A_596, %add3A_597 : i32
        %get3A_599 = arith.constant 1 : i32
        %get3A_600 = arith.index_cast %get3A_599 : i32 to index
        %get3A_601 = arith.index_cast %add3A_598 : i32 to index
        %get3A_602 = arith.constant 0 : index
        %get3A_603 = tpu.vector_load %arg6[%get3A_600, %get3A_601, %get3A_602] {strides = array<i32>} : memref<2x500x64xf32, #tpu.memory_space<vmem>>, vector<16xf32>,
        %mul3A_604 = arith.mulf %get3A_377, %get3A_603 : vector<16xf32>
        %get3A_605 = arith.constant 1 : i32
        %get3A_606 = arith.index_cast %get3A_605 : i32 to index
        %get3A_607 = arith.index_cast %add3A_598 : i32 to index
        %get3A_608 = arith.constant 16 : index
        %get3A_609 = tpu.vector_load %arg6[%get3A_606, %get3A_607, %get3A_608] {strides = array<i32>} : memref<2x500x64xf32, #tpu.memory_space<vmem>>, vector<16xf32>,
        %mul3A_610 = arith.mulf %get3A_382, %get3A_609 : vector<16xf32>
        %add3A_611 = arith.addf %mul3A_604, %mul3A_610 : vector<16xf32>
        %get3A_612 = arith.constant 1 : i32
        %get3A_613 = arith.index_cast %get3A_612 : i32 to index
        %get3A_614 = arith.index_cast %add3A_598 : i32 to index
        %get3A_615 = arith.constant 32 : index
        %get3A_616 = tpu.vector_load %arg6[%get3A_613, %get3A_614, %get3A_615] {strides = array<i32>} : memref<2x500x64xf32, #tpu.memory_space<vmem>>, vector<16xf32>,
        %mul3A_617 = arith.mulf %get3A_387, %get3A_616 : vector<16xf32>
        %add3A_618 = arith.addf %add3A_611, %mul3A_617 : vector<16xf32>
        %get3A_619 = arith.constant 1 : i32
        %get3A_620 = arith.index_cast %get3A_619 : i32 to index
        %get3A_621 = arith.index_cast %add3A_598 : i32 to index
        %get3A_622 = arith.constant 48 : index
        %get3A_623 = tpu.vector_load %arg6[%get3A_620, %get3A_621, %get3A_622] {strides = array<i32>} : memref<2x500x64xf32, #tpu.memory_space<vmem>>, vector<16xf32>,
        %mul3A_624 = arith.mulf %get3A_392, %get3A_623 : vector<16xf32>
        %add3A_625 = arith.addf %add3A_618, %mul3A_624 : vector<16xf32>
        %reduce_sum3A_626 = arith.constant true
        %reduce_sum3A_627 = vector.broadcast %reduce_sum3A_626 : i1 to vector<16xi1>
        %reduce_sum3A_628 = tpu.scan <sum>, %add3A_625 masked %reduce_sum3A_627 : vector<16xf32>, vector<16xi1> -> vector<16xf32>
        %reduce_sum3A_629 = vector.extract %reduce_sum3A_628[15] : f32 from vector<16xf32>
        %eq3A_630 = arith.constant 5 : i32
        %eq3A_631 = vector.broadcast %eq3A_630 : i32 to vector<16xi32>
        %eq3A_632 = arith.cmpi eq, %iota3A, %eq3A_631 : vector<16xi32>
        %broadcast_in_dim3A_633 = vector.broadcast %reduce_sum3A_629 : f32 to vector<16xf32>
        %select_n3A_634 = arith.select %eq3A_632, %broadcast_in_dim3A_633, %select_n3A_592 : vector<16xi1>, vector<16xf32>
        %mul3A_635 = arith.constant 10 : i32
        %mul3A_636 = arith.muli %scan3A_373, %mul3A_635 : i32
        %add3A_637 = arith.constant 50 : i32
        %add3A_638 = arith.addi %add3A_637, %mul3A_636 : i32
        %add3A_639 = arith.constant 1 : i32
        %add3A_640 = arith.addi %add3A_638, %add3A_639 : i32
        %get3A_641 = arith.constant 1 : i32
        %get3A_642 = arith.index_cast %get3A_641 : i32 to index
        %get3A_643 = arith.index_cast %add3A_640 : i32 to index
        %get3A_644 = arith.constant 0 : index
        %get3A_645 = tpu.vector_load %arg6[%get3A_642, %get3A_643, %get3A_644] {strides = array<i32>} : memref<2x500x64xf32, #tpu.memory_space<vmem>>, vector<16xf32>,
        %mul3A_646 = arith.mulf %get3A_377, %get3A_645 : vector<16xf32>
        %get3A_647 = arith.constant 1 : i32
        %get3A_648 = arith.index_cast %get3A_647 : i32 to index
        %get3A_649 = arith.index_cast %add3A_640 : i32 to index
        %get3A_650 = arith.constant 16 : index
        %get3A_651 = tpu.vector_load %arg6[%get3A_648, %get3A_649, %get3A_650] {strides = array<i32>} : memref<2x500x64xf32, #tpu.memory_space<vmem>>, vector<16xf32>,
        %mul3A_652 = arith.mulf %get3A_382, %get3A_651 : vector<16xf32>
        %add3A_653 = arith.addf %mul3A_646, %mul3A_652 : vector<16xf32>
        %get3A_654 = arith.constant 1 : i32
        %get3A_655 = arith.index_cast %get3A_654 : i32 to index
        %get3A_656 = arith.index_cast %add3A_640 : i32 to index
        %get3A_657 = arith.constant 32 : index
        %get3A_658 = tpu.vector_load %arg6[%get3A_655, %get3A_656, %get3A_657] {strides = array<i32>} : memref<2x500x64xf32, #tpu.memory_space<vmem>>, vector<16xf32>,
        %mul3A_659 = arith.mulf %get3A_387, %get3A_658 : vector<16xf32>
        %add3A_660 = arith.addf %add3A_653, %mul3A_659 : vector<16xf32>
        %get3A_661 = arith.constant 1 : i32
        %get3A_662 = arith.index_cast %get3A_661 : i32 to index
        %get3A_663 = arith.index_cast %add3A_640 : i32 to index
        %get3A_664 = arith.constant 48 : index
        %get3A_665 = tpu.vector_load %arg6[%get3A_662, %get3A_663, %get3A_664] {strides = array<i32>} : memref<2x500x64xf32, #tpu.memory_space<vmem>>, vector<16xf32>,
        %mul3A_666 = arith.mulf %get3A_392, %get3A_665 : vector<16xf32>
        %add3A_667 = arith.addf %add3A_660, %mul3A_666 : vector<16xf32>
        %reduce_sum3A_668 = arith.constant true
        %reduce_sum3A_669 = vector.broadcast %reduce_sum3A_668 : i1 to vector<16xi1>
        %reduce_sum3A_670 = tpu.scan <sum>, %add3A_667 masked %reduce_sum3A_669 : vector<16xf32>, vector<16xi1> -> vector<16xf32>
        %reduce_sum3A_671 = vector.extract %reduce_sum3A_670[15] : f32 from vector<16xf32>
        %eq3A_672 = arith.constant 6 : i32
        %eq3A_673 = vector.broadcast %eq3A_672 : i32 to vector<16xi32>
        %eq3A_674 = arith.cmpi eq, %iota3A, %eq3A_673 : vector<16xi32>
        %broadcast_in_dim3A_675 = vector.broadcast %reduce_sum3A_671 : f32 to vector<16xf32>
        %select_n3A_676 = arith.select %eq3A_674, %broadcast_in_dim3A_675, %select_n3A_634 : vector<16xi1>, vector<16xf32>
        %mul3A_677 = arith.constant 10 : i32
        %mul3A_678 = arith.muli %scan3A_373, %mul3A_677 : i32
        %add3A_679 = arith.constant 50 : i32
        %add3A_680 = arith.addi %add3A_679, %mul3A_678 : i32
        %add3A_681 = arith.constant 2 : i32
        %add3A_682 = arith.addi %add3A_680, %add3A_681 : i32
        %get3A_683 = arith.constant 1 : i32
        %get3A_684 = arith.index_cast %get3A_683 : i32 to index
        %get3A_685 = arith.index_cast %add3A_682 : i32 to index
        %get3A_686 = arith.constant 0 : index
        %get3A_687 = tpu.vector_load %arg6[%get3A_684, %get3A_685, %get3A_686] {strides = array<i32>} : memref<2x500x64xf32, #tpu.memory_space<vmem>>, vector<16xf32>,
        %mul3A_688 = arith.mulf %get3A_377, %get3A_687 : vector<16xf32>
        %get3A_689 = arith.constant 1 : i32
        %get3A_690 = arith.index_cast %get3A_689 : i32 to index
        %get3A_691 = arith.index_cast %add3A_682 : i32 to index
        %get3A_692 = arith.constant 16 : index
        %get3A_693 = tpu.vector_load %arg6[%get3A_690, %get3A_691, %get3A_692] {strides = array<i32>} : memref<2x500x64xf32, #tpu.memory_space<vmem>>, vector<16xf32>,
        %mul3A_694 = arith.mulf %get3A_382, %get3A_693 : vector<16xf32>
        %add3A_695 = arith.addf %mul3A_688, %mul3A_694 : vector<16xf32>
        %get3A_696 = arith.constant 1 : i32
        %get3A_697 = arith.index_cast %get3A_696 : i32 to index
        %get3A_698 = arith.index_cast %add3A_682 : i32 to index
        %get3A_699 = arith.constant 32 : index
        %get3A_700 = tpu.vector_load %arg6[%get3A_697, %get3A_698, %get3A_699] {strides = array<i32>} : memref<2x500x64xf32, #tpu.memory_space<vmem>>, vector<16xf32>,
        %mul3A_701 = arith.mulf %get3A_387, %get3A_700 : vector<16xf32>
        %add3A_702 = arith.addf %add3A_695, %mul3A_701 : vector<16xf32>
        %get3A_703 = arith.constant 1 : i32
        %get3A_704 = arith.index_cast %get3A_703 : i32 to index
        %get3A_705 = arith.index_cast %add3A_682 : i32 to index
        %get3A_706 = arith.constant 48 : index
        %get3A_707 = tpu.vector_load %arg6[%get3A_704, %get3A_705, %get3A_706] {strides = array<i32>} : memref<2x500x64xf32, #tpu.memory_space<vmem>>, vector<16xf32>,
        %mul3A_708 = arith.mulf %get3A_392, %get3A_707 : vector<16xf32>
        %add3A_709 = arith.addf %add3A_702, %mul3A_708 : vector<16xf32>
        %reduce_sum3A_710 = arith.constant true
        %reduce_sum3A_711 = vector.broadcast %reduce_sum3A_710 : i1 to vector<16xi1>
        %reduce_sum3A_712 = tpu.scan <sum>, %add3A_709 masked %reduce_sum3A_711 : vector<16xf32>, vector<16xi1> -> vector<16xf32>
        %reduce_sum3A_713 = vector.extract %reduce_sum3A_712[15] : f32 from vector<16xf32>
        %eq3A_714 = arith.constant 7 : i32
        %eq3A_715 = vector.broadcast %eq3A_714 : i32 to vector<16xi32>
        %eq3A_716 = arith.cmpi eq, %iota3A, %eq3A_715 : vector<16xi32>
        %broadcast_in_dim3A_717 = vector.broadcast %reduce_sum3A_713 : f32 to vector<16xf32>
        %select_n3A_718 = arith.select %eq3A_716, %broadcast_in_dim3A_717, %select_n3A_676 : vector<16xi1>, vector<16xf32>
        %mul3A_719 = arith.constant 10 : i32
        %mul3A_720 = arith.muli %scan3A_373, %mul3A_719 : i32
        %add3A_721 = arith.constant 50 : i32
        %add3A_722 = arith.addi %add3A_721, %mul3A_720 : i32
        %add3A_723 = arith.constant 3 : i32
        %add3A_724 = arith.addi %add3A_722, %add3A_723 : i32
        %get3A_725 = arith.constant 1 : i32
        %get3A_726 = arith.index_cast %get3A_725 : i32 to index
        %get3A_727 = arith.index_cast %add3A_724 : i32 to index
        %get3A_728 = arith.constant 0 : index
        %get3A_729 = tpu.vector_load %arg6[%get3A_726, %get3A_727, %get3A_728] {strides = array<i32>} : memref<2x500x64xf32, #tpu.memory_space<vmem>>, vector<16xf32>,
        %mul3A_730 = arith.mulf %get3A_377, %get3A_729 : vector<16xf32>
        %get3A_731 = arith.constant 1 : i32
        %get3A_732 = arith.index_cast %get3A_731 : i32 to index
        %get3A_733 = arith.index_cast %add3A_724 : i32 to index
        %get3A_734 = arith.constant 16 : index
        %get3A_735 = tpu.vector_load %arg6[%get3A_732, %get3A_733, %get3A_734] {strides = array<i32>} : memref<2x500x64xf32, #tpu.memory_space<vmem>>, vector<16xf32>,
        %mul3A_736 = arith.mulf %get3A_382, %get3A_735 : vector<16xf32>
        %add3A_737 = arith.addf %mul3A_730, %mul3A_736 : vector<16xf32>
        %get3A_738 = arith.constant 1 : i32
        %get3A_739 = arith.index_cast %get3A_738 : i32 to index
        %get3A_740 = arith.index_cast %add3A_724 : i32 to index
        %get3A_741 = arith.constant 32 : index
        %get3A_742 = tpu.vector_load %arg6[%get3A_739, %get3A_740, %get3A_741] {strides = array<i32>} : memref<2x500x64xf32, #tpu.memory_space<vmem>>, vector<16xf32>,
        %mul3A_743 = arith.mulf %get3A_387, %get3A_742 : vector<16xf32>
        %add3A_744 = arith.addf %add3A_737, %mul3A_743 : vector<16xf32>
        %get3A_745 = arith.constant 1 : i32
        %get3A_746 = arith.index_cast %get3A_745 : i32 to index
        %get3A_747 = arith.index_cast %add3A_724 : i32 to index
        %get3A_748 = arith.constant 48 : index
        %get3A_749 = tpu.vector_load %arg6[%get3A_746, %get3A_747, %get3A_748] {strides = array<i32>} : memref<2x500x64xf32, #tpu.memory_space<vmem>>, vector<16xf32>,
        %mul3A_750 = arith.mulf %get3A_392, %get3A_749 : vector<16xf32>
        %add3A_751 = arith.addf %add3A_744, %mul3A_750 : vector<16xf32>
        %reduce_sum3A_752 = arith.constant true
        %reduce_sum3A_753 = vector.broadcast %reduce_sum3A_752 : i1 to vector<16xi1>
        %reduce_sum3A_754 = tpu.scan <sum>, %add3A_751 masked %reduce_sum3A_753 : vector<16xf32>, vector<16xi1> -> vector<16xf32>
        %reduce_sum3A_755 = vector.extract %reduce_sum3A_754[15] : f32 from vector<16xf32>
        %eq3A_756 = arith.constant 8 : i32
        %eq3A_757 = vector.broadcast %eq3A_756 : i32 to vector<16xi32>
        %eq3A_758 = arith.cmpi eq, %iota3A, %eq3A_757 : vector<16xi32>
        %broadcast_in_dim3A_759 = vector.broadcast %reduce_sum3A_755 : f32 to vector<16xf32>
        %select_n3A_760 = arith.select %eq3A_758, %broadcast_in_dim3A_759, %select_n3A_718 : vector<16xi1>, vector<16xf32>
        %mul3A_761 = arith.constant 10 : i32
        %mul3A_762 = arith.muli %scan3A_373, %mul3A_761 : i32
        %add3A_763 = arith.constant 50 : i32
        %add3A_764 = arith.addi %add3A_763, %mul3A_762 : i32
        %add3A_765 = arith.constant 4 : i32
        %add3A_766 = arith.addi %add3A_764, %add3A_765 : i32
        %get3A_767 = arith.constant 1 : i32
        %get3A_768 = arith.index_cast %get3A_767 : i32 to index
        %get3A_769 = arith.index_cast %add3A_766 : i32 to index
        %get3A_770 = arith.constant 0 : index
        %get3A_771 = tpu.vector_load %arg6[%get3A_768, %get3A_769, %get3A_770] {strides = array<i32>} : memref<2x500x64xf32, #tpu.memory_space<vmem>>, vector<16xf32>,
        %mul3A_772 = arith.mulf %get3A_377, %get3A_771 : vector<16xf32>
        %get3A_773 = arith.constant 1 : i32
        %get3A_774 = arith.index_cast %get3A_773 : i32 to index
        %get3A_775 = arith.index_cast %add3A_766 : i32 to index
        %get3A_776 = arith.constant 16 : index
        %get3A_777 = tpu.vector_load %arg6[%get3A_774, %get3A_775, %get3A_776] {strides = array<i32>} : memref<2x500x64xf32, #tpu.memory_space<vmem>>, vector<16xf32>,
        %mul3A_778 = arith.mulf %get3A_382, %get3A_777 : vector<16xf32>
        %add3A_779 = arith.addf %mul3A_772, %mul3A_778 : vector<16xf32>
        %get3A_780 = arith.constant 1 : i32
        %get3A_781 = arith.index_cast %get3A_780 : i32 to index
        %get3A_782 = arith.index_cast %add3A_766 : i32 to index
        %get3A_783 = arith.constant 32 : index
        %get3A_784 = tpu.vector_load %arg6[%get3A_781, %get3A_782, %get3A_783] {strides = array<i32>} : memref<2x500x64xf32, #tpu.memory_space<vmem>>, vector<16xf32>,
        %mul3A_785 = arith.mulf %get3A_387, %get3A_784 : vector<16xf32>
        %add3A_786 = arith.addf %add3A_779, %mul3A_785 : vector<16xf32>
        %get3A_787 = arith.constant 1 : i32
        %get3A_788 = arith.index_cast %get3A_787 : i32 to index
        %get3A_789 = arith.index_cast %add3A_766 : i32 to index
        %get3A_790 = arith.constant 48 : index
        %get3A_791 = tpu.vector_load %arg6[%get3A_788, %get3A_789, %get3A_790] {strides = array<i32>} : memref<2x500x64xf32, #tpu.memory_space<vmem>>, vector<16xf32>,
        %mul3A_792 = arith.mulf %get3A_392, %get3A_791 : vector<16xf32>
        %add3A_793 = arith.addf %add3A_786, %mul3A_792 : vector<16xf32>
        %reduce_sum3A_794 = arith.constant true
        %reduce_sum3A_795 = vector.broadcast %reduce_sum3A_794 : i1 to vector<16xi1>
        %reduce_sum3A_796 = tpu.scan <sum>, %add3A_793 masked %reduce_sum3A_795 : vector<16xf32>, vector<16xi1> -> vector<16xf32>
        %reduce_sum3A_797 = vector.extract %reduce_sum3A_796[15] : f32 from vector<16xf32>
        %eq3A_798 = arith.constant 9 : i32
        %eq3A_799 = vector.broadcast %eq3A_798 : i32 to vector<16xi32>
        %eq3A_800 = arith.cmpi eq, %iota3A, %eq3A_799 : vector<16xi32>
        %broadcast_in_dim3A_801 = vector.broadcast %reduce_sum3A_797 : f32 to vector<16xf32>
        %select_n3A_802 = arith.select %eq3A_800, %broadcast_in_dim3A_801, %select_n3A_760 : vector<16xi1>, vector<16xf32>
        %mul3A_803 = arith.constant 10 : i32
        %mul3A_804 = arith.muli %scan3A_373, %mul3A_803 : i32
        %add3A_805 = arith.constant 50 : i32
        %add3A_806 = arith.addi %add3A_805, %mul3A_804 : i32
        %add3A_807 = arith.constant 5 : i32
        %add3A_808 = arith.addi %add3A_806, %add3A_807 : i32
        %get3A_809 = arith.constant 1 : i32
        %get3A_810 = arith.index_cast %get3A_809 : i32 to index
        %get3A_811 = arith.index_cast %add3A_808 : i32 to index
        %get3A_812 = arith.constant 0 : index
        %get3A_813 = tpu.vector_load %arg6[%get3A_810, %get3A_811, %get3A_812] {strides = array<i32>} : memref<2x500x64xf32, #tpu.memory_space<vmem>>, vector<16xf32>,
        %mul3A_814 = arith.mulf %get3A_377, %get3A_813 : vector<16xf32>
        %get3A_815 = arith.constant 1 : i32
        %get3A_816 = arith.index_cast %get3A_815 : i32 to index
        %get3A_817 = arith.index_cast %add3A_808 : i32 to index
        %get3A_818 = arith.constant 16 : index
        %get3A_819 = tpu.vector_load %arg6[%get3A_816, %get3A_817, %get3A_818] {strides = array<i32>} : memref<2x500x64xf32, #tpu.memory_space<vmem>>, vector<16xf32>,
        %mul3A_820 = arith.mulf %get3A_382, %get3A_819 : vector<16xf32>
        %add3A_821 = arith.addf %mul3A_814, %mul3A_820 : vector<16xf32>
        %get3A_822 = arith.constant 1 : i32
        %get3A_823 = arith.index_cast %get3A_822 : i32 to index
        %get3A_824 = arith.index_cast %add3A_808 : i32 to index
        %get3A_825 = arith.constant 32 : index
        %get3A_826 = tpu.vector_load %arg6[%get3A_823, %get3A_824, %get3A_825] {strides = array<i32>} : memref<2x500x64xf32, #tpu.memory_space<vmem>>, vector<16xf32>,
        %mul3A_827 = arith.mulf %get3A_387, %get3A_826 : vector<16xf32>
        %add3A_828 = arith.addf %add3A_821, %mul3A_827 : vector<16xf32>
        %get3A_829 = arith.constant 1 : i32
        %get3A_830 = arith.index_cast %get3A_829 : i32 to index
        %get3A_831 = arith.index_cast %add3A_808 : i32 to index
        %get3A_832 = arith.constant 48 : index
        %get3A_833 = tpu.vector_load %arg6[%get3A_830, %get3A_831, %get3A_832] {strides = array<i32>} : memref<2x500x64xf32, #tpu.memory_space<vmem>>, vector<16xf32>,
        %mul3A_834 = arith.mulf %get3A_392, %get3A_833 : vector<16xf32>
        %add3A_835 = arith.addf %add3A_828, %mul3A_834 : vector<16xf32>
        %reduce_sum3A_836 = arith.constant true
        %reduce_sum3A_837 = vector.broadcast %reduce_sum3A_836 : i1 to vector<16xi1>
        %reduce_sum3A_838 = tpu.scan <sum>, %add3A_835 masked %reduce_sum3A_837 : vector<16xf32>, vector<16xi1> -> vector<16xf32>
        %reduce_sum3A_839 = vector.extract %reduce_sum3A_838[15] : f32 from vector<16xf32>
        %eq3A_840 = arith.constant 10 : i32
        %eq3A_841 = vector.broadcast %eq3A_840 : i32 to vector<16xi32>
        %eq3A_842 = arith.cmpi eq, %iota3A, %eq3A_841 : vector<16xi32>
        %broadcast_in_dim3A_843 = vector.broadcast %reduce_sum3A_839 : f32 to vector<16xf32>
        %select_n3A_844 = arith.select %eq3A_842, %broadcast_in_dim3A_843, %select_n3A_802 : vector<16xi1>, vector<16xf32>
        %mul3A_845 = arith.constant 10 : i32
        %mul3A_846 = arith.muli %scan3A_373, %mul3A_845 : i32
        %add3A_847 = arith.constant 50 : i32
        %add3A_848 = arith.addi %add3A_847, %mul3A_846 : i32
        %add3A_849 = arith.constant 6 : i32
        %add3A_850 = arith.addi %add3A_848, %add3A_849 : i32
        %get3A_851 = arith.constant 1 : i32
        %get3A_852 = arith.index_cast %get3A_851 : i32 to index
        %get3A_853 = arith.index_cast %add3A_850 : i32 to index
        %get3A_854 = arith.constant 0 : index
        %get3A_855 = tpu.vector_load %arg6[%get3A_852, %get3A_853, %get3A_854] {strides = array<i32>} : memref<2x500x64xf32, #tpu.memory_space<vmem>>, vector<16xf32>,
        %mul3A_856 = arith.mulf %get3A_377, %get3A_855 : vector<16xf32>
        %get3A_857 = arith.constant 1 : i32
        %get3A_858 = arith.index_cast %get3A_857 : i32 to index
        %get3A_859 = arith.index_cast %add3A_850 : i32 to index
        %get3A_860 = arith.constant 16 : index
        %get3A_861 = tpu.vector_load %arg6[%get3A_858, %get3A_859, %get3A_860] {strides = array<i32>} : memref<2x500x64xf32, #tpu.memory_space<vmem>>, vector<16xf32>,
        %mul3A_862 = arith.mulf %get3A_382, %get3A_861 : vector<16xf32>
        %add3A_863 = arith.addf %mul3A_856, %mul3A_862 : vector<16xf32>
        %get3A_864 = arith.constant 1 : i32
        %get3A_865 = arith.index_cast %get3A_864 : i32 to index
        %get3A_866 = arith.index_cast %add3A_850 : i32 to index
        %get3A_867 = arith.constant 32 : index
        %get3A_868 = tpu.vector_load %arg6[%get3A_865, %get3A_866, %get3A_867] {strides = array<i32>} : memref<2x500x64xf32, #tpu.memory_space<vmem>>, vector<16xf32>,
        %mul3A_869 = arith.mulf %get3A_387, %get3A_868 : vector<16xf32>
        %add3A_870 = arith.addf %add3A_863, %mul3A_869 : vector<16xf32>
        %get3A_871 = arith.constant 1 : i32
        %get3A_872 = arith.index_cast %get3A_871 : i32 to index
        %get3A_873 = arith.index_cast %add3A_850 : i32 to index
        %get3A_874 = arith.constant 48 : index
        %get3A_875 = tpu.vector_load %arg6[%get3A_872, %get3A_873, %get3A_874] {strides = array<i32>} : memref<2x500x64xf32, #tpu.memory_space<vmem>>, vector<16xf32>,
        %mul3A_876 = arith.mulf %get3A_392, %get3A_875 : vector<16xf32>
        %add3A_877 = arith.addf %add3A_870, %mul3A_876 : vector<16xf32>
        %reduce_sum3A_878 = arith.constant true
        %reduce_sum3A_879 = vector.broadcast %reduce_sum3A_878 : i1 to vector<16xi1>
        %reduce_sum3A_880 = tpu.scan <sum>, %add3A_877 masked %reduce_sum3A_879 : vector<16xf32>, vector<16xi1> -> vector<16xf32>
        %reduce_sum3A_881 = vector.extract %reduce_sum3A_880[15] : f32 from vector<16xf32>
        %eq3A_882 = arith.constant 11 : i32
        %eq3A_883 = vector.broadcast %eq3A_882 : i32 to vector<16xi32>
        %eq3A_884 = arith.cmpi eq, %iota3A, %eq3A_883 : vector<16xi32>
        %broadcast_in_dim3A_885 = vector.broadcast %reduce_sum3A_881 : f32 to vector<16xf32>
        %select_n3A_886 = arith.select %eq3A_884, %broadcast_in_dim3A_885, %select_n3A_844 : vector<16xi1>, vector<16xf32>
        %mul3A_887 = arith.constant 10 : i32
        %mul3A_888 = arith.muli %scan3A_373, %mul3A_887 : i32
        %add3A_889 = arith.constant 50 : i32
        %add3A_890 = arith.addi %add3A_889, %mul3A_888 : i32
        %add3A_891 = arith.constant 7 : i32
        %add3A_892 = arith.addi %add3A_890, %add3A_891 : i32
        %get3A_893 = arith.constant 1 : i32
        %get3A_894 = arith.index_cast %get3A_893 : i32 to index
        %get3A_895 = arith.index_cast %add3A_892 : i32 to index
        %get3A_896 = arith.constant 0 : index
        %get3A_897 = tpu.vector_load %arg6[%get3A_894, %get3A_895, %get3A_896] {strides = array<i32>} : memref<2x500x64xf32, #tpu.memory_space<vmem>>, vector<16xf32>,
        %mul3A_898 = arith.mulf %get3A_377, %get3A_897 : vector<16xf32>
        %get3A_899 = arith.constant 1 : i32
        %get3A_900 = arith.index_cast %get3A_899 : i32 to index
        %get3A_901 = arith.index_cast %add3A_892 : i32 to index
        %get3A_902 = arith.constant 16 : index
        %get3A_903 = tpu.vector_load %arg6[%get3A_900, %get3A_901, %get3A_902] {strides = array<i32>} : memref<2x500x64xf32, #tpu.memory_space<vmem>>, vector<16xf32>,
        %mul3A_904 = arith.mulf %get3A_382, %get3A_903 : vector<16xf32>
        %add3A_905 = arith.addf %mul3A_898, %mul3A_904 : vector<16xf32>
        %get3A_906 = arith.constant 1 : i32
        %get3A_907 = arith.index_cast %get3A_906 : i32 to index
        %get3A_908 = arith.index_cast %add3A_892 : i32 to index
        %get3A_909 = arith.constant 32 : index
        %get3A_910 = tpu.vector_load %arg6[%get3A_907, %get3A_908, %get3A_909] {strides = array<i32>} : memref<2x500x64xf32, #tpu.memory_space<vmem>>, vector<16xf32>,
        %mul3A_911 = arith.mulf %get3A_387, %get3A_910 : vector<16xf32>
        %add3A_912 = arith.addf %add3A_905, %mul3A_911 : vector<16xf32>
        %get3A_913 = arith.constant 1 : i32
        %get3A_914 = arith.index_cast %get3A_913 : i32 to index
        %get3A_915 = arith.index_cast %add3A_892 : i32 to index
        %get3A_916 = arith.constant 48 : index
        %get3A_917 = tpu.vector_load %arg6[%get3A_914, %get3A_915, %get3A_916] {strides = array<i32>} : memref<2x500x64xf32, #tpu.memory_space<vmem>>, vector<16xf32>,
        %mul3A_918 = arith.mulf %get3A_392, %get3A_917 : vector<16xf32>
        %add3A_919 = arith.addf %add3A_912, %mul3A_918 : vector<16xf32>
        %reduce_sum3A_920 = arith.constant true
        %reduce_sum3A_921 = vector.broadcast %reduce_sum3A_920 : i1 to vector<16xi1>
        %reduce_sum3A_922 = tpu.scan <sum>, %add3A_919 masked %reduce_sum3A_921 : vector<16xf32>, vector<16xi1> -> vector<16xf32>
        %reduce_sum3A_923 = vector.extract %reduce_sum3A_922[15] : f32 from vector<16xf32>
        %eq3A_924 = arith.constant 12 : i32
        %eq3A_925 = vector.broadcast %eq3A_924 : i32 to vector<16xi32>
        %eq3A_926 = arith.cmpi eq, %iota3A, %eq3A_925 : vector<16xi32>
        %broadcast_in_dim3A_927 = vector.broadcast %reduce_sum3A_923 : f32 to vector<16xf32>
        %select_n3A_928 = arith.select %eq3A_926, %broadcast_in_dim3A_927, %select_n3A_886 : vector<16xi1>, vector<16xf32>
        %mul3A_929 = arith.constant 10 : i32
        %mul3A_930 = arith.muli %scan3A_373, %mul3A_929 : i32
        %add3A_931 = arith.constant 50 : i32
        %add3A_932 = arith.addi %add3A_931, %mul3A_930 : i32
        %add3A_933 = arith.constant 8 : i32
        %add3A_934 = arith.addi %add3A_932, %add3A_933 : i32
        %get3A_935 = arith.constant 1 : i32
        %get3A_936 = arith.index_cast %get3A_935 : i32 to index
        %get3A_937 = arith.index_cast %add3A_934 : i32 to index
        %get3A_938 = arith.constant 0 : index
        %get3A_939 = tpu.vector_load %arg6[%get3A_936, %get3A_937, %get3A_938] {strides = array<i32>} : memref<2x500x64xf32, #tpu.memory_space<vmem>>, vector<16xf32>,
        %mul3A_940 = arith.mulf %get3A_377, %get3A_939 : vector<16xf32>
        %get3A_941 = arith.constant 1 : i32
        %get3A_942 = arith.index_cast %get3A_941 : i32 to index
        %get3A_943 = arith.index_cast %add3A_934 : i32 to index
        %get3A_944 = arith.constant 16 : index
        %get3A_945 = tpu.vector_load %arg6[%get3A_942, %get3A_943, %get3A_944] {strides = array<i32>} : memref<2x500x64xf32, #tpu.memory_space<vmem>>, vector<16xf32>,
        %mul3A_946 = arith.mulf %get3A_382, %get3A_945 : vector<16xf32>
        %add3A_947 = arith.addf %mul3A_940, %mul3A_946 : vector<16xf32>
        %get3A_948 = arith.constant 1 : i32
        %get3A_949 = arith.index_cast %get3A_948 : i32 to index
        %get3A_950 = arith.index_cast %add3A_934 : i32 to index
        %get3A_951 = arith.constant 32 : index
        %get3A_952 = tpu.vector_load %arg6[%get3A_949, %get3A_950, %get3A_951] {strides = array<i32>} : memref<2x500x64xf32, #tpu.memory_space<vmem>>, vector<16xf32>,
        %mul3A_953 = arith.mulf %get3A_387, %get3A_952 : vector<16xf32>
        %add3A_954 = arith.addf %add3A_947, %mul3A_953 : vector<16xf32>
        %get3A_955 = arith.constant 1 : i32
        %get3A_956 = arith.index_cast %get3A_955 : i32 to index
        %get3A_957 = arith.index_cast %add3A_934 : i32 to index
        %get3A_958 = arith.constant 48 : index
        %get3A_959 = tpu.vector_load %arg6[%get3A_956, %get3A_957, %get3A_958] {strides = array<i32>} : memref<2x500x64xf32, #tpu.memory_space<vmem>>, vector<16xf32>,
        %mul3A_960 = arith.mulf %get3A_392, %get3A_959 : vector<16xf32>
        %add3A_961 = arith.addf %add3A_954, %mul3A_960 : vector<16xf32>
        %reduce_sum3A_962 = arith.constant true
        %reduce_sum3A_963 = vector.broadcast %reduce_sum3A_962 : i1 to vector<16xi1>
        %reduce_sum3A_964 = tpu.scan <sum>, %add3A_961 masked %reduce_sum3A_963 : vector<16xf32>, vector<16xi1> -> vector<16xf32>
        %reduce_sum3A_965 = vector.extract %reduce_sum3A_964[15] : f32 from vector<16xf32>
        %eq3A_966 = arith.constant 13 : i32
        %eq3A_967 = vector.broadcast %eq3A_966 : i32 to vector<16xi32>
        %eq3A_968 = arith.cmpi eq, %iota3A, %eq3A_967 : vector<16xi32>
        %broadcast_in_dim3A_969 = vector.broadcast %reduce_sum3A_965 : f32 to vector<16xf32>
        %select_n3A_970 = arith.select %eq3A_968, %broadcast_in_dim3A_969, %select_n3A_928 : vector<16xi1>, vector<16xf32>
        %mul3A_971 = arith.constant 10 : i32
        %mul3A_972 = arith.muli %scan3A_373, %mul3A_971 : i32
        %add3A_973 = arith.constant 50 : i32
        %add3A_974 = arith.addi %add3A_973, %mul3A_972 : i32
        %add3A_975 = arith.constant 9 : i32
        %add3A_976 = arith.addi %add3A_974, %add3A_975 : i32
        %get3A_977 = arith.constant 1 : i32
        %get3A_978 = arith.index_cast %get3A_977 : i32 to index
        %get3A_979 = arith.index_cast %add3A_976 : i32 to index
        %get3A_980 = arith.constant 0 : index
        %get3A_981 = tpu.vector_load %arg6[%get3A_978, %get3A_979, %get3A_980] {strides = array<i32>} : memref<2x500x64xf32, #tpu.memory_space<vmem>>, vector<16xf32>,
        %mul3A_982 = arith.mulf %get3A_377, %get3A_981 : vector<16xf32>
        %get3A_983 = arith.constant 1 : i32
        %get3A_984 = arith.index_cast %get3A_983 : i32 to index
        %get3A_985 = arith.index_cast %add3A_976 : i32 to index
        %get3A_986 = arith.constant 16 : index
        %get3A_987 = tpu.vector_load %arg6[%get3A_984, %get3A_985, %get3A_986] {strides = array<i32>} : memref<2x500x64xf32, #tpu.memory_space<vmem>>, vector<16xf32>,
        %mul3A_988 = arith.mulf %get3A_382, %get3A_987 : vector<16xf32>
        %add3A_989 = arith.addf %mul3A_982, %mul3A_988 : vector<16xf32>
        %get3A_990 = arith.constant 1 : i32
        %get3A_991 = arith.index_cast %get3A_990 : i32 to index
        %get3A_992 = arith.index_cast %add3A_976 : i32 to index
        %get3A_993 = arith.constant 32 : index
        %get3A_994 = tpu.vector_load %arg6[%get3A_991, %get3A_992, %get3A_993] {strides = array<i32>} : memref<2x500x64xf32, #tpu.memory_space<vmem>>, vector<16xf32>,
        %mul3A_995 = arith.mulf %get3A_387, %get3A_994 : vector<16xf32>
        %add3A_996 = arith.addf %add3A_989, %mul3A_995 : vector<16xf32>
        %get3A_997 = arith.constant 1 : i32
        %get3A_998 = arith.index_cast %get3A_997 : i32 to index
        %get3A_999 = arith.index_cast %add3A_976 : i32 to index
        %get3A_1000 = arith.constant 48 : index
        %get3A_1001 = tpu.vector_load %arg6[%get3A_998, %get3A_999, %get3A_1000] {strides = array<i32>} : memref<2x500x64xf32, #tpu.memory_space<vmem>>, vector<16xf32>,
        %mul3A_1002 = arith.mulf %get3A_392, %get3A_1001 : vector<16xf32>
        %add3A_1003 = arith.addf %add3A_996, %mul3A_1002 : vector<16xf32>
        %reduce_sum3A_1004 = arith.constant true
        %reduce_sum3A_1005 = vector.broadcast %reduce_sum3A_1004 : i1 to vector<16xi1>
        %reduce_sum3A_1006 = tpu.scan <sum>, %add3A_1003 masked %reduce_sum3A_1005 : vector<16xf32>, vector<16xi1> -> vector<16xf32>
        %reduce_sum3A_1007 = vector.extract %reduce_sum3A_1006[15] : f32 from vector<16xf32>
        %eq3A_1008 = arith.constant 14 : i32
        %eq3A_1009 = vector.broadcast %eq3A_1008 : i32 to vector<16xi32>
        %eq3A_1010 = arith.cmpi eq, %iota3A, %eq3A_1009 : vector<16xi32>
        %broadcast_in_dim3A_1011 = vector.broadcast %reduce_sum3A_1007 : f32 to vector<16xf32>
        %select_n3A_1012 = arith.select %eq3A_1010, %broadcast_in_dim3A_1011, %select_n3A_970 : vector<16xi1>, vector<16xf32>
        %swap3A = arith.index_cast %scan3A_373 : i32 to index
        %swap3A_1013 = arith.constant 0 : index
        %swap3A_1014 = tpu.vector_load %arg7[%swap3A, %swap3A_1013] {strides = array<i32>} : memref<45x16xf32, #tpu.memory_space<vmem>>, vector<16xf32>,
        tpu.vector_store %arg7[%swap3A, %swap3A_1013], %select_n3A_1012 {strides = array<i32>} : memref<45x16xf32, #tpu.memory_space<vmem>>, vector<16xf32>,
      }
      %scan3A_363 = arith.constant 45 : i32
      %add3A_364 = arith.addi %mul3A_2, %add3A_229 : i32
      %dma_start3A_365 = arith.constant 0 : i32
      %dma_start3A_366 = arith.constant 0 : i32
      %dma_start3A_367 = tpu.memref_slice %arg4[%add3A_364, %dma_start3A_365, %dma_start3A_366] : memref<4096x45x16xf32, #tpu.memory_space<hbm>> -> memref<1x45x16xf32, #tpu.memory_space<hbm>>
      %dma_start3A_368 = tpu.memref_squeeze %dma_start3A_367 : memref<1x45x16xf32, #tpu.memory_space<hbm>> -> memref<45x16xf32, #tpu.memory_space<hbm>>
      %dma_start3A_369 = arith.constant 0 : i32
      %dma_start3A_370 = arith.constant 0 : i32
      %dma_start3A_371 = tpu.memref_slice %arg4[%add3A_364, %dma_start3A_369, %dma_start3A_370] : memref<4096x45x16xf32, #tpu.memory_space<hbm>> -> memref<1x45x16xf32, #tpu.memory_space<hbm>>
      %dma_start3A_372 = tpu.memref_squeeze %dma_start3A_371 : memref<1x45x16xf32, #tpu.memory_space<hbm>> -> memref<45x16xf32, #tpu.memory_space<hbm>>
      tpu.enqueue_dma source(%arg7 : memref<45x16xf32, #tpu.memory_space<vmem>>) target(%dma_start3A_372 : memref<45x16xf32, #tpu.memory_space<hbm>>) target_semaphore(%arg10 : memref<!tpu.dma_semaphore, #tpu.memory_space<semaphore_mem>>)
    }
    %scan3A_77 = arith.constant 64 : i32
    %add3A_78 = arith.constant 128 : i32
    %add3A_79 = arith.addi %mul3A_2, %add3A_78 : i32
    %sub3A = arith.constant 1 : i32
    %sub3A_80 = arith.subi %add3A_79, %sub3A : i32
    %dma_wait3A = arith.constant 0 : i32
    %dma_wait3A_81 = arith.constant 0 : i32
    %dma_wait3A_82 = tpu.memref_slice %arg4[%sub3A_80, %dma_wait3A, %dma_wait3A_81] : memref<4096x45x16xf32, #tpu.memory_space<hbm>> -> memref<1x45x16xf32, #tpu.memory_space<hbm>>
    %dma_wait3A_83 = tpu.memref_squeeze %dma_wait3A_82 : memref<1x45x16xf32, #tpu.memory_space<hbm>> -> memref<45x16xf32, #tpu.memory_space<hbm>>
    %dma_wait3A_84 = arith.constant 0 : i32
    %dma_wait3A_85 = arith.constant 0 : i32
    %dma_wait3A_86 = tpu.memref_slice %arg4[%sub3A_80, %dma_wait3A_84, %dma_wait3A_85] : memref<4096x45x16xf32, #tpu.memory_space<hbm>> -> memref<1x45x16xf32, #tpu.memory_space<hbm>>
    %dma_wait3A_87 = tpu.memref_squeeze %dma_wait3A_86 : memref<1x45x16xf32, #tpu.memory_space<hbm>> -> memref<45x16xf32, #tpu.memory_space<hbm>>
    tpu.wait_dma2 semaphore(%arg10 : memref<!tpu.dma_semaphore, #tpu.memory_space<semaphore_mem>>) src(%arg7 : memref<45x16xf32, #tpu.memory_space<vmem>>) dst(%dma_wait3A_87 : memref<45x16xf32, #tpu.memory_space<hbm>>)
    return
  }
}

</mosaic_0001>

<sc_bundles>
// kernel: _sc_call.3.cloned.1.call-start
scs
__scs_entry_jumppad:
0x0: {  	(pc) =	sbr.rel $0x88, $3  }
0x1: {  	(tag) =	ssettag $0x0;
	lr =	simm.s32 $0x1  }
0x2: {  	[smem:$0x3F9F] =	sst lr;
	_ =	strace $0xD0000000  }
0x3: {  	_ = 	snop  }
0x4: {  	_ = 	snop  }
0x5: {  	_ = 	snop  }
0x6: {  	_ = 	snop  }
0x7: {  	_ = 	snop  }
__scs_overlays_trampoline_lowered:
0x8: {  	[smem:$0x3FAE] =	sst s0  }
0x9: {  	[smem:$0x3FAF] =	sst s1  }
0xa: {  	[smem:$0x3FB0] =	sst s2  }
0xb: {  	[smem:$0x3FB1] =	sst s3  }
0xc: {  	[smem:$0x3FB2] =	sst s4  }
0xd: {  	[smem:$0x3FB3] =	sst s5  }
0xe: {  	[smem:$0x3FB4] =	sst s6  }
0xf: {  	[smem:$0x3FB5] =	sst s7  }
0x10: {  	[smem:$0x3FB6] =	sst s8  }
0x11: {  	[smem:$0x3FB7] =	sst s9;
	s0 =	simm.s32 @!p0 $0x0  }
0x12: {  	s1 =	sld [smem:$0x3F9D];
	s0 =	simm.s32 @p0 $0x1  }
0x13: {  	[smem:$0x3FB8] =	sst s0;
	s0 =	simm.s32 @!p1 $0x0  }
0x14: {  	s2 =	sld [smem:$0x3F9C];
	s0 =	simm.s32 @p1 $0x1  }
0x15: {  	[smem:$0x3FB9] =	sst s0;
	s0 =	simm.s32 @!p2 $0x0  }
0x16: {  	s3 =	sld [smem:$0x3FDB];
	s0 =	simm.s32 @p2 $0x1  }
0x17: {  	s4 =	simm.s32 $0x1BF5;
	[smem:$0x3FBB] =	sst s0  }
0x18: {  	s0 =	sld [smem:$0x3F9E];
	_ =	swait.ge [sflag:s4], $0x0  }
0x19: {  	s7 =	sld [smem:$0x3F9F]  }
0x1a: {  	s8 =	sadd.s32 $0xFFFFE003, lr  }
0x1b: {  	s9 =	sadd.s32 $0xFFFFFEF7, lr;
	s5 =	simm.s32 $0xFFFFFFFF;
	p2 =	slt.u32 s8, $0xFFFFF086  }
0x1c: {  	p1 =	slt.u32 s9, $0xF7A;
	s5 =	simm.s32 @!p2 $0x0  }
0x1d: {  	s5 =	simm.s32 @p1 $0x1;
	p0 =	seq.s32 s7, s2  }
0x1e: {  	s7 =	smul.u32 @!p0 $0xF7A, s2;
	p2 =	seq.s32 @!p0 s5, $0x0  }
0x1f: {  	s9 =	smul.u32 $0xF7A, s1;
	s8 =	simm.s32 @!p0 $0x1BF5;
	p2 =	por !p2, p0  }
0x20: {  	[sflag:s8] =	ssyncset.s32 @!p0 $0xFFFFF086;
	s6 =	sadd.s32 @!p0 s3, s7;
	s7 =	simm.s32 @!p0 $0x108  }
0x21: {  	s3 =	sadd.s32 s3, s9;
	s6 =	sadd.s32 @!p0 $0x88, s6;
	s7 =	simm.s32 @p2 $0x1082  }
0x22: {  	[simem:s7], [sflag:s8] =	dma.local @!p0 [hbm:s6], $0xF7A  }
0x23: {  	s9 =	sor.u32 $0xD0000000, s2;
	s6 =	simm.s32 $0x108;
	_ =	swait.ge @!p0 [sflag:s8], $0x0  }
0x24: {  	s3 =	sadd.s32 $0x88, s3;
	s6 =	simm.s32 @!p1 $0x1082;
	[sflag:s4] =	ssyncset.s32 $0xFFFFF086  }
0x25: {  	[simem:s6], [sflag:s4] =	dma.local [hbm:s3], $0xF7A  }
0x26: {  	[smem:$0x3F9F] =	sst s1;
	(tag) =	ssettag s2;
	_ =	strace s9  }
0x27: {  	s1 =	sld [smem:$0x3FAF]  }
0x28: {  	s2 =	sld [smem:$0x3FB0]  }
0x29: {  	s4 =	sld [smem:$0x3FB2]  }
0x2a: {  	p0 =	seq.s32 s5, $0x0;
	s5 =	sld [smem:$0x3FB3]  }
0x2b: {  	s6 =	sld [smem:$0x3FB4]  }
0x2c: {  	s7 =	sld [smem:$0x3FB5]  }
0x2d: {  	s3 =	simm.s32 $0x108;
	s8 =	sld [smem:$0x3FB6]  }
0x2e: {  	s3 =	simm.s32 @!p0 $0x1082;
	s9 =	sld [smem:$0x3FB7]  }
0x2f: {  	lr =	sadd.s32 s0, s3;
	s0 =	sld [smem:$0x3FAE]  }
0x30: {  	s3 =	sld [smem:$0x3FB1]  }
0x31: {  	[smem:$0x3FBA] =	sst s10  }
0x32: {  	s10 =	sld [smem:$0x3FB8];
	_ =	sdelay $0x3  }
0x33: {  	p0 =	seq.s32 s10, $0x1;
	s10 =	sld [smem:$0x3FBA];
	_ =	sdelay $0x3  }
0x34: {  	[smem:$0x3FBA] =	sst s10  }
0x35: {  	s10 =	sld [smem:$0x3FB9];
	_ =	sdelay $0x3  }
0x36: {  	p1 =	seq.s32 s10, $0x1;
	s10 =	sld [smem:$0x3FBA];
	_ =	sdelay $0x3  }
0x37: {  	[smem:$0x3FBA] =	sst s10  }
0x38: {  	s10 =	sld [smem:$0x3FBB]  }
0x39: {  	_ = 	snop;
	(pc) =	sbr.ind lr, $3  }
0x3a: {  	_ = 	snop  }
0x3b: {  	_ = 	snop  }
0x3c: {  	p2 =	seq.s32 s10, $0x1;
	s10 =	sld [smem:$0x3FBA]  }
0x3d: {  	_ =	shalt  }
0x3e: {  	_ =	shalt  }
0x3f: {  	_ =	shalt  }
0x40: {  	_ =	shalt  }
0x41: {  	_ =	shalt  }
0x42: {  	_ =	shalt  }
0x43: {  	_ =	shalt  }
0x44: {  	_ =	shalt  }
0x45: {  	_ =	shalt  }
0x46: {  	_ =	shalt  }
0x47: {  	_ =	shalt  }
0x48: {  	_ =	shalt  }
0x49: {  	_ =	shalt  }
0x4a: {  	_ =	shalt  }
0x4b: {  	_ =	shalt  }
0x4c: {  	_ =	shalt  }
0x4d: {  	_ =	shalt  }
0x4e: {  	_ =	shalt  }
0x4f: {  	_ =	shalt  }
0x50: {  	_ =	shalt  }
0x51: {  	_ =	shalt  }
0x52: {  	_ =	shalt  }
0x53: {  	_ =	shalt  }
0x54: {  	_ =	shalt  }
0x55: {  	_ =	shalt  }
0x56: {  	_ =	shalt  }
0x57: {  	_ =	shalt  }
0x58: {  	_ =	shalt  }
0x59: {  	_ =	shalt  }
0x5a: {  	_ =	shalt  }
0x5b: {  	_ =	shalt  }
0x5c: {  	_ =	shalt  }
0x5d: {  	_ =	shalt  }
0x5e: {  	_ =	shalt  }
0x5f: {  	_ =	shalt  }
0x60: {  	_ =	shalt  }
0x61: {  	_ =	shalt  }
0x62: {  	_ =	shalt  }
0x63: {  	_ =	shalt  }
0x64: {  	_ =	shalt  }
0x65: {  	_ =	shalt  }
0x66: {  	_ =	shalt  }
0x67: {  	_ =	shalt  }
0x68: {  	_ =	shalt  }
0x69: {  	_ =	shalt  }
0x6a: {  	_ =	shalt  }
0x6b: {  	_ =	shalt  }
0x6c: {  	_ =	shalt  }
0x6d: {  	_ =	shalt  }
0x6e: {  	_ =	shalt  }
0x6f: {  	_ =	shalt  }
0x70: {  	_ =	shalt  }
0x71: {  	_ =	shalt  }
0x72: {  	_ =	shalt  }
0x73: {  	_ =	shalt  }
0x74: {  	_ =	shalt  }
0x75: {  	_ =	shalt  }
0x76: {  	_ =	shalt  }
0x77: {  	_ =	shalt  }
0x78: {  	_ =	shalt  }
0x79: {  	_ =	shalt  }
0x7a: {  	_ =	shalt  }
0x7b: {  	_ =	shalt  }
0x7c: {  	_ =	shalt  }
0x7d: {  	_ =	shalt  }
0x7e: {  	_ =	shalt  }
0x7f: {  	_ =	shalt  }
0x80: {  	_ =	shalt  }
0x81: {  	_ =	shalt  }
0x82: {  	_ =	shalt  }
0x83: {  	_ =	shalt  }
0x84: {  	_ =	shalt  }
0x85: {  	_ =	shalt  }
0x86: {  	_ =	shalt  }
0x87: {  	_ =	shalt  }
.Lfunc_end0:
.L_simem_size_0:
called_computation_lowered:
.L_overlay_start_0:
0x88: {  	s2 =	sld [smem:$0x3FD9]  }
0x89: {  	s3 =	sld [smem:$0x3FFE];
	_ =	sdelay $0x1  }
0x8a: {  	s1 =	srdreg.scid  }
0x8b: {  	s0 =	sand.u32 $0x1, s1  }
0x8c: {  	s17 =	sshll.u32 s0, $0xA;
	s2 =	sadd.s32 s3, s2  }
0x8d: {  	s2 =	sadd.s32 s2, s17  }
0x8e: {  	[smem:$0x3FC6] =	sst s2  }
0x8f: {  	_ = 	snop  }
0x90: {  	s2 =	sld [smem:$0x3FD0];
	(tm) =	ssettm $0x1  }
0x91: {  	s18 =	sld [smem:$0x3FFB];
	_ =	sdelay $0x3  }
0x92: {  	_ =	strace s18  }
0x93: {  	s3 =	sld [smem:$0x3FFC];
	_ =	sdelay $0x3  }
0x94: {  	_ =	strace s3  }
0x95: {  	s3 =	sld [smem:$0x3FFD];
	_ =	sdelay $0x3  }
0x96: {  	_ =	strace s3  }
0x97: {  	_ =	strace $0x8FFFFFFF  }
0x98: {  	s19 =	sld [smem:$0x3FDB];
	_ =	sdelay $0x1  }
0x99: {  	s4 =	simm.s32 $_scs_section_size  }
0x9a: {  	s5 =	simm.s32 $_size__tile_overlayer_lowered;
	s6 =	simm.s32 $_tile_overlayer_lowered  }
0x9b: {  	s22 =	simm.s32 $0x1BFF;
	s21 =	sshll.u32 s6, $0x1;
	s3 =	sadd.s32 s4, s19  }
0x9c: {  	s7 =	simm.s32 $0x0;
	s20 =	sshll.u32 s5, $0x1;
	s5 =	sadd.s32 s21, s3  }
0x9d: {  	[timem:s7], [sflag:s22] =	dma.local [hbm:s5], s20  }
0x9e: {  	_ =	swait.ge [sflag:s22], s20  }
0x9f: {  	s4 =	ssub.s32 $0x0, s20;
	[sflag:s22] =	ssyncset.done $0x0  }
0xa0: {  	[sflag:s22] =	ssyncadd.s32 s4;
	_ =	sdelay $0x1  }
0xa1: {  	s23 =	simm.s32 $0x1B8B  }
0xa2: {  	_ =	swait.ge [sflag:s23], $0x1  }
0xa3: {  	[sflag:s23] =	ssyncset.done $0x0  }
0xa4: {  	s25 =	simm.s32 $0x1B8E;
	s24 =	sld [smem:$0x3FFE];
	[sflag:s23] =	ssyncadd.s32 $0xFFFFFFFF  }
0xa5: {  	s26 =	simm.s32 $execute0_lowered;
	[smem:$0x3FD2] =	sst s25  }
0xa6: {  	s5 =	sshll.u32 s26, $0x1;
	_ =	strace $0x80000046;
	[dreg:$0x1] =	wrdreg $0xFFFFFFFF  }
0xa7: {  	s28 =	simm.s32 $_size_execute0_lowered;
	s3 =	sadd.s32 s3, s5;
	[dreg:$0x0] =	wrdreg $0x0  }
0xa8: {  	s5 =	sshll.u32 s28, $0x1;
	[dreg:$0x2] =	wrdreg s3  }
0xa9: {  	[dreg:$0x3] =	wrdreg s5  }
0xaa: {  	[dreg:$0x4] =	wrdreg $0xC0  }
0xab: {  	_ =	task [dreg:s7], $0x5FFFF  }
0xac: {  	[dreg:$0x1] =	wrdreg $0xFFFFFFFF  }
0xad: {  	[dreg:$0x0] =	wrdreg $0x60  }
0xae: {  	[dreg:$0x2] =	wrdreg s24  }
0xaf: {  	[dreg:$0x3] =	wrdreg s2  }
0xb0: {  	[dreg:$0x4] =	wrdreg $0x9  }
0xb1: {  	_ =	task.clear_ibuf [dreg:s7], $0x5FFFF;
	_ =	strace $0x90000046  }
0xb2: {  	s29 =	simm.s32 $0x9;
	_ =	strace $0x80000048  }
0xb3: {  	_ =	swait.ge [sflag:s29], $0x1  }
0xb4: {  	[sflag:s29] =	ssyncadd.s32 $0xFFFFFFFF  }
0xb5: {  	_ =	strace $0x90000048  }
0xb6: {  	_ =	sfence  }
0xb7: {  	s30 =	sld [smem:$0x0];
	_ =	sdelay $0x2  }
0xb8: {  	s31 =	sshll.u32 s1, $0xD;
	s1 =	sshrl.u32 s1, $0x2  }
0xb9: {  	s3 =	sand.u32 $0x4000, s31;
	s1 =	sadd.s32 s1, s30  }
0xba: {  	s0 =	sor.u32 s3, s0;
	s1 =	sshll.u32 s1, $0x11  }
0xbb: {  	s0 =	sor.u32 s1, s0  }
0xbc: {  	s0 =	sadd.s32 $0x8F2B, s0  }
0xbd: {  	[sflag:s0] =	ssyncadd.remote.s32 $0x1  }
0xbe: {  	_ =	sfence.sel $0xFFFF  }
0xbf: {  	[dreg:$0x0] =	wrdreg $0xFFFFFFFF;
	(pc) =	sbr.abs _section_cstart, $3  }
0xc0: {  	[dreg:$0x1] =	wrdreg $0xFFFFFFFF  }
0xc1: {  	_ =	task.clear_ibuf [dreg:s7], $0x2FFFF;
	_ =	strace $0x9FFFFFFF  }
0xc2: {  	(tm) =	ssettm $0x7FFFFFFF  }
0xc3: {  	_ =	shalt  }
tec
execute0_lowered:
.L_overlay_start_1:
0x0: {  	(tag) =	ssettag $0x1  }
0x1: {  	s0 =	rddreg [dreg:$0x0];
	s1 =	srdreg.scid  }
0x2: {  	s2 =	rddreg [dreg:$0x1];
	s3 =	stileid.u32;
	s9 =	simm.s32 $0x4  }
0x3: {  	s10 =	simm.s32 $0x64;
	s16 =	simm.s32 $0x138;
	s17 =	simm.s32 $0x8C00  }
0x4: {  	s18 =	simm.s32 $0x1A0;
	s19 =	simm.s32 $0xA500;
	s20 =	simm.s32 $0x1  }
0x5: {  	s21 =	simm.s32 $0xBE00;
	s22 =	simm.s32 $0xD700;
	s23 =	simm.s32 $0xF000  }
0x6: {  	s24 =	simm.s32 $0x10900;
	s25 =	simm.s32 $0x12200;
	s26 =	simm.s32 $0x13B00  }
0x7: {  	s28 =	simm.s32 $0x2;
	s29 =	simm.s32 $0x3;
	s1 =	sand.u32 $0x1, s1  }
0x8: {  	v0 =	vlaneseq.u32;
	vm0 =	vcmask $0x704;
	vm1 =	vcmask $0x73C;
	s30 =	simm.s32 $0x0;
	s4 =	sshll.u32 s3, $0x8;
	s5 =	sshll.u32 s1, $0x7  }
0x9: {  	vm2 =	vcmask $0xB3C;
	vm3 =	vcmask $0xF3C;
	vm4 =	vcmask $0x133C;
	s3 =	simm.s32 $0x0;
	s1 =	ssub.s32 $0x2, s1;
	s4 =	sor.u32 s5, s4  }
0xa: {  	vm5 =	vcmask $0x173C;
	vm6 =	vcmask $0x1B3C;
	vm7 =	vcmask $0x1F3C;
	[smem:$0x7FF] =	sst s3;
	s6 =	sshrl.u32 s1, $0x1;
	s7 =	smul.u32 $0x41, s4  }
0xb: {  	vm8 =	vcmask $0x233C;
	vm9 =	vcmask $0x273C;
	vm10 =	vcmask $0x2B3C;
	_ =	strace $0x80000047;
	s5 =	sadd.s32 $0x600, s0;
	s1 =	ssub.s32 s1, s6  }
0xc: {  	vm11 =	vcmask $0x2F3C;
	vm12 =	vcmask $0x333C;
	vm13 =	vcmask $0x373C;
	s6 =	sadd.s32 $0xF42A00, s0;
	s8 =	smax.u32 s1, $0x1;
	s7 =	sadd.s32 s5, s7  }
.LBB2_1:
0xd: {  	[tilespmem:s3], [sflag:$0x4] =	stream.linear.gather [hbm4b:s7+s3], $0x2080, $0x38;
	[tilespmem:$0x13DD0] =	vst v63  }
0xe: {  	_ =	swait.ge [sflag:s9], $0x2080  }
0xf: {  	[sflag:s9] =	ssyncset.done $0x0  }
0x10: {  	s0 =	simm.s32 $0x4100;
	[sflag:s9] =	ssyncadd.s32 $0xFFFFDF80  }
0x11: {  	[tilespmem:s0], [sflag:$0x1] =	stream.indirect.gather [hbm4b:s6+s10], $0x40, s3, s10, $0xb8;
	[tilespmem:$0x13DD0] =	vst v63  }
0x12: {  	s13 =	simm.s32 $0x68;
	s1 =	simm.s32 $0x5A00  }
0x13: {  	[tilespmem:s1], [sflag:$0x1] =	stream.indirect.gather [hbm4b:s6+s10], $0x40, s13, s10, $0xb8;
	[tilespmem:$0x13DD0] =	vst v63  }
0x14: {  	s14 =	simm.s32 $0xD0;
	s15 =	simm.s32 $0x7300  }
0x15: {  	[tilespmem:s15], [sflag:$0x1] =	stream.indirect.gather [hbm4b:s6+s10], $0x40, s14, s10, $0xb8;
	[tilespmem:$0x13DD0] =	vst v63  }
0x16: {  	_ = 	snop  }
0x17: {  	[tilespmem:s17], [sflag:$0x1] =	stream.indirect.gather [hbm4b:s6+s10], $0x40, s16, s10, $0xb8;
	[tilespmem:$0x13DD0] =	vst v63  }
0x18: {  	s31 =	simm.s32 $0x0  }
0x19: {  	[tilespmem:s19], [sflag:$0x1] =	stream.indirect.gather [hbm4b:s6+s10], $0x40, s18, s10, $0xb8;
	[tilespmem:$0x13DD0] =	vst v63  }
.LBB2_2:
0x1a: {  	_ =	swait.ge [sflag:s20], $0x1900  }
0x1b: {  	[sflag:s20] =	ssyncset.done $0x0  }
0x1c: {  	[sflag:s20] =	ssyncadd.s32 $0xFFFFE700  }
0x1d: {  	_ =	swait.ge [sflag:s20], $0x1900  }
0x1e: {  	[sflag:s20] =	ssyncset.done $0x0  }
0x1f: {  	[sflag:s20] =	ssyncadd.s32 $0xFFFFE700  }
0x20: {  	_ =	swait.ge [sflag:s20], $0x1900  }
0x21: {  	[sflag:s20] =	ssyncset.done $0x0  }
0x22: {  	[sflag:s20] =	ssyncadd.s32 $0xFFFFE700  }
0x23: {  	s0 =	sshllo.u32 s31, $0x1;
	_ =	swait.ge [sflag:s20], $0x1900  }
0x24: {  	s1 =	sand.u32 $0xF, s0;
	[sflag:s20] =	ssyncset.done $0x0  }
0x25: {  	s11 =	sshll.u32 s31, $0x1C;
	s1 =	smul.u32 $0x820, s1;
	[sflag:s20] =	ssyncadd.s32 $0xFFFFE700  }
0x26: {  	s11 =	sshra.s32 s11, $0x1F;
	_ =	swait.ge [sflag:s20], $0x1900  }
0x27: {  	s11 =	sand.u32 $0x2080, s11;
	s1 =	sshrl.u32 s1, $0x2;
	[sflag:s20] =	ssyncset.done $0x0  }
0x28: {  	s1 =	sadd.s32 s1, s11;
	[sflag:s20] =	ssyncadd.s32 $0xFFFFE700  }
0x29: {  	[tilespmem:s21], [sflag:$0x2] =	stream.indirect.gather [hbm4b:s6+s10], $0x40, s1, s10, $0xb8;
	[tilespmem:$0x13DD0] =	vst v63  }
0x2a: {  	s11 =	sadd.s32 $0x68, s1  }
0x2b: {  	[tilespmem:s22], [sflag:$0x2] =	stream.indirect.gather [hbm4b:s6+s10], $0x40, s11, s10, $0xb8;
	[tilespmem:$0x13DD0] =	vst v63  }
0x2c: {  	s14 =	sadd.s32 $0xD0, s1  }
0x2d: {  	[tilespmem:s23], [sflag:$0x2] =	stream.indirect.gather [hbm4b:s6+s10], $0x40, s14, s10, $0xb8;
	[tilespmem:$0x13DD0] =	vst v63  }
0x2e: {  	s15 =	sadd.s32 $0x138, s1  }
0x2f: {  	[tilespmem:s24], [sflag:$0x2] =	stream.indirect.gather [hbm4b:s6+s10], $0x40, s15, s10, $0xb8;
	[tilespmem:$0x13DD0] =	vst v63  }
0x30: {  	p0 =	seq.s32 s31, $0x0;
	s1 =	sadd.s32 $0x1A0, s1  }
0x31: {  	[tilespmem:s25], [sflag:$0x2] =	stream.indirect.gather [hbm4b:s6+s10], $0x40, s1, s10, $0xb8;
	[tilespmem:$0x13DD0] =	vst v63  }
0x32: {  	s1 =	simm.s32 @!p0 $0x3  }
0x33: {  	_ =	swait.ge @!p0 [sflag:s1], $0x2D0  }
0x34: {  	[sflag:s1] =	ssyncset.done @!p0 $0x0  }
0x35: {  	[sflag:s1] =	ssyncadd.s32 @!p0 $0xFFFFFD30;
	s1 =	simm.s32 $0x4FF0  }
0x36: {  	v7 =	vld [tilespmem:s1+$0x0]  }
0x37: {  	v8 =	vld [tilespmem:s1+$0xFFFFFFC0]  }
0x38: {  	v9 =	vld [tilespmem:s1+$0xFFFFFFF0]  }
0x39: {  	v10 =	vld [tilespmem:s1+$0xFFFFFFB0]  }
0x3a: {  	v11 =	vld [tilespmem:s1+$0xFFFFFFD0]  }
0x3b: {  	v12 =	vld [tilespmem:s1+$0xFFFFFFE0]  }
0x3c: {  	v13 =	vld [tilespmem:s1+$0xFFFFFF40]  }
0x3d: {  	v14 =	vld [tilespmem:s1+$0xFFFFFF90]  }
0x3e: {  	v15 =	vld [tilespmem:s1+$0xFFFFFFA0]  }
0x3f: {  	v16 =	vld [tilespmem:s1+$0xFFFFFF00]  }
0x40: {  	v17 =	vld [tilespmem:s1+$0xFFFFFF30]  }
0x41: {  	v1 =	vld [tilespmem:s1+$0xFFFFFF50]  }
0x42: {  	v18 =	vld [tilespmem:s1+$0xFFFFFEF0]  }
0x43: {  	v19 =	vld [tilespmem:s1+$0xFFFFFF10]  }
0x44: {  	v20 =	vld [tilespmem:s1+$0xFFFFFF20]  }
0x45: {  	v21 =	vld [tilespmem:s1+$0xFFFFFE80]  }
0x46: {  	s13 =	simm.s32 $0x41C0;
	v22 =	vld [tilespmem:s1+$0xFFFFFED0]  }
0x47: {  	v4 =	vld [tilespmem:s13+$0xFFFFFF40]  }
0x48: {  	v5 =	vld [tilespmem:s13+$0xFFFFFF50]  }
0x49: {  	v23 =	vld [tilespmem:s1+$0xFFFFFEE0]  }
0x4a: {  	v3 =	vld [tilespmem:s13+$0xFFFFFF60]  }
0x4b: {  	v24 =	vld [tilespmem:s1+$0xFFFFFE40]  }
0x4c: {  	v2 =	vld [tilespmem:s13+$0xFFFFFF70]  }
0x4d: {  	v25 =	vld [tilespmem:s1+$0xFFFFFE70]  }
0x4e: {  	v6 =	vld [tilespmem:s1+$0xFFFFFE90];
	v11 =	vmul.f32 v11, v4;
	v12 =	vmul.f32 v12, v5  }
0x4f: {  	v26 =	vld [tilespmem:s1+$0xFFFFFE30];
	v9 =	vmul.f32 v9, v3  }
0x50: {  	v27 =	vld [tilespmem:s1+$0xFFFFFE50];
	v11 =	vadd.f32 v12, v11;
	v12 =	vmul.f32 v14, v4;
	v14 =	vmul.f32 v15, v5  }
0x51: {  	v28 =	vld [tilespmem:s1+$0xFFFFFE60];
	v19 =	vmul.f32 v19, v4;
	v20 =	vmul.f32 v20, v5  }
0x52: {  	v29 =	vld [tilespmem:s1+$0xFFFFFDC0];
	v10 =	vmul.f32 v10, v3;
	v9 =	vadd.f32 v9, v11;
	v11 =	vadd.f32 v14, v12  }
0x53: {  	v30 =	vld [tilespmem:s1+$0xFFFFFE20];
	v7 =	vmul.f32 v7, v2;
	v12 =	vadd.f32 v20, v19;
	v14 =	vmul.f32 v17, v3  }
0x54: {  	v31 =	vld [tilespmem:s13+$0xB0];
	v8 =	vmul.f32 v8, v2;
	v11 =	vadd.f32 v10, v11  }
0x55: {  	v15 =	vld [tilespmem:s1+$0xFFFFFE10];
	v7 =	vadd.f32 v7, v9;
	v9 =	vadd.f32 v14, v12;
	v12 =	vmul.f32 v13, v2  }
0x56: {  	v17 =	vld [tilespmem:s1+$0xFFFFFDB0];
	v13 =	vmul.f32 v22, v4;
	v14 =	vmul.f32 v23, v5  }
0x57: {  	v19 =	vld [tilespmem:s13+$0xA0];
	v8 =	vadd.f32 v8, v11;
	(xrf2) =	vadd.scan.msk.f32 $0xffff, v7  }
0x58: {  	v20 =	vld [tilespmem:s1+$0xFFFFFD90];
	v7 =	vmul.f32 v18, v3;
	v9 =	vadd.f32 v12, v9;
	v12 =	vadd.f32 v14, v13  }
0x59: {  	v10 =	vld [tilespmem:s1+$0xFFFFFDD0];
	v13 =	vmul.f32 v28, v5;
	(xrf2) =	vadd.scan.msk.f32 $0xffff, v8;
	v8 =	vmul.f32 v27, v4  }
0x5a: {  	v16 =	vmul.f32 v16, v2;
	v18 =	vld [tilespmem:s1+$0xFFFFFDA0];
	v7 =	vadd.f32 v7, v12  }
0x5b: {  	v22 =	vld [tilespmem:s13+$0x90];
	v8 =	vadd.f32 v13, v8;
	v13 =	vmul.f32 v25, v3  }
0x5c: {  	v23 =	vld [tilespmem:s13+$0x0];
	v14 =	vmul.f32 v15, v4;
	v15 =	vmul.f32 v30, v5;
	(xrf2) =	vadd.scan.msk.f32 $0xffff, v9;
	v7 =	vadd.f32 v16, v7  }
0x5d: {  	v9 =	vld [tilespmem:s13+$0x80];
	v16 =	vmul.f32 v20, v4;
	v20 =	vmul.f32 v21, v2;
	v8 =	vadd.f32 v13, v8  }
0x5e: {  	v11 =	vld [tilespmem:s13+$0x30];
	v14 =	vadd.f32 v15, v14;
	v15 =	vmul.f32 v26, v3;
	(xrf2) =	vadd.scan.msk.f32 $0xffff, v7  }
0x5f: {  	v63 =	vmul.f32 v19, v3;
	v19 =	vld [tilespmem:s13+$0xFFFFFF90];
	v18 =	vmul.f32 v18, v5;
	v8 =	vadd.f32 v20, v8  }
0x60: {  	v24 =	vmul.f32 v24, v2;
	v21 =	vld [tilespmem:s13+$0x10];
	v14 =	vadd.f32 v15, v14  }
0x61: {  	v17 =	vmul.f32 v17, v3;
	v15 =	vld [tilespmem:s13+$0xFFFFFFC0];
	v18 =	vadd.f32 v18, v16;
	v7, _, _ =	vpop (xrf2);
	(xrf2) =	vadd.scan.msk.f32 $0xffff, v8  }
0x62: {  	v13 =	vld [tilespmem:s13+$0x20];
	v24 =	vadd.f32 v24, v14;
	v9 =	vmul.f32 v9, v4;
	v20 =	vmul.f32 v22, v5  }
0x63: {  	v61 =	vmul.f32 v29, v2;
	v16 =	vld [tilespmem:s13+$0xFFFFFFD0];
	v18 =	vadd.f32 v17, v18  }
0x64: {  	v12 =	vld [tilespmem:s13+$0xFFFFFFF0];
	v62 =	vadd.f32 v20, v9;
	v8, _, _ =	vpop (xrf2);
	(xrf2) =	vadd.scan.msk.f32 $0xffff, v24  }
0x65: {  	v14 =	vld [tilespmem:s13+$0xFFFFFFE0];
	v22 =	vmul.f32 v21, v5;
	v20 =	vmul.f32 v23, v4;
	v18 =	vadd.f32 v61, v18  }
0x66: {  	s12 =	simm.s32 $0x0;
	s11 =	sshll.u32 s31, $0x1;
	s14 =	simm.s32 $0x40;
	v17 =	vld [tilespmem:s13+$0xFFFFFF80];
	v23 =	vmul.f32 v31, v2;
	v21 =	vadd.f32 v63, v62;
	v9, _, _ =	vpop (xrf2)  }
.LBB2_3:
0x67: {  	p0 =	sne.s32 s14, $0xB00;
	v20 =	vadd.f32 v22, v20;
	v13 =	vmul.f32 v13, v3;
	v22 =	vld [tilespmem:s13+$0x40];
	(xrf2) =	vadd.scan.msk.f32 $0xffff, v18  }
0x68: {  	v15 =	vmul.f32 v15, v4;
	v18 =	vld [tilespmem:s13+$0xFFFFFFA0];
	v16 =	vmul.f32 v16, v5;
	v21 =	vadd.f32 v23, v21;
	v23, _, _ =	vpop (xrf2)  }
0x69: {  	v11 =	vmul.f32 v11, v2;
	v13 =	vadd.f32 v13, v20;
	v20 =	vld [tilespmem:s13+$0x50]  }
0x6a: {  	v14 =	vmul.f32 v14, v3;
	v24 =	vld [tilespmem:s13+$0xFFFFFFB0];
	v15 =	vadd.f32 v16, v15;
	(xrf2) =	vadd.scan.msk.f32 $0xffff, v21  }
0x6b: {  	v16 =	vmul.f32 v17, v4;
	v17 =	vmul.f32 v19, v5;
	v11 =	vadd.f32 v11, v13;
	v13 =	vld [tilespmem:s13+$0x60];
	v19, _, _ =	vpop (xrf2)  }
0x6c: {  	v12 =	vmul.f32 v12, v2;
	v14 =	vadd.f32 v14, v15;
	v15 =	vld [tilespmem:s1+$0xFFFFFDE0]  }
0x6d: {  	v16 =	vadd.f32 v17, v16;
	v17 =	vmul.f32 v18, v3;
	v18 =	vld [tilespmem:s13+$0x70];
	(xrf2) =	vadd.scan.msk.f32 $0xffff, v11  }
0x6e: {  	v11 =	vadd.f32 v12, v14;
	v12 =	vmul.f32 v22, v4;
	v14 =	vmul.f32 v20, v5;
	v20 =	vld [tilespmem:s1+$0xFFFFFDF0];
	v21, _, _ =	vpop (xrf2)  }
0x6f: {  	v16 =	vadd.f32 v17, v16;
	v24 =	vmul.f32 v24, v2;
	v22 =	vld [tilespmem:s1+$0xFFFFFEA0]  }
0x70: {  	v12 =	vadd.f32 v14, v12;
	v13 =	vmul.f32 v13, v3;
	v14 =	vld [tilespmem:s1+$0xFFFFFE00];
	(xrf2) =	vadd.scan.msk.f32 $0xffff, v11  }
0x71: {  	v10 =	vmul.f32 v10, v4;
	v11 =	vadd.f32 v24, v16;
	v15 =	vmul.f32 v15, v5;
	v16 =	vld [tilespmem:s1+$0xFFFFFEB0];
	v17, _, _ =	vpop (xrf2)  }
0x72: {  	v12 =	vadd.f32 v13, v12;
	v13 =	vmul.f32 v18, v2;
	v18 =	vld [tilespmem:s1+$0xFFFFFF60]  }
0x73: {  	v10 =	vadd.f32 v15, v10;
	v15 =	vmul.f32 v20, v3;
	v20 =	vld [tilespmem:s1+$0xFFFFFEC0];
	(xrf2) =	vadd.scan.msk.f32 $0xffff, v11  }
0x74: {  	v6 =	vmul.f32 v6, v4;
	v11 =	vadd.f32 v13, v12;
	v12 =	vmul.f32 v22, v5;
	v13 =	vld [tilespmem:s1+$0xFFFFFF70];
	v22, _, _ =	vpop (xrf2)  }
0x75: {  	v10 =	vadd.f32 v15, v10;
	v14 =	vmul.f32 v14, v2  }
0x76: {  	v6 =	vadd.f32 v12, v6;
	v12 =	vmul.f32 v16, v3;
	v15 =	vld [tilespmem:s1+$0xFFFFFF80];
	(xrf2) =	vadd.scan.msk.f32 $0xffff, v11  }
0x77: {  	v1 =	vmul.f32 v1, v4;
	v10 =	vadd.f32 v14, v10;
	v4 =	vmul.f32 v18, v5;
	v5, _, _ =	vpop (xrf2)  }
0x78: {  	v12 =	vadd.f32 v12, v6;
	v11 =	vmul.f32 v20, v2  }
0x79: {  	v1 =	vadd.f32 v4, v1;
	v3 =	vmul.f32 v13, v3;
	(xrf2) =	vadd.scan.msk.f32 $0xffff, v10  }
0x7a: {  	v4 =	vadd.f32 v11, v12;
	v6, _, _ =	vpop (xrf2)  }
0x7b: {  	v1 =	vadd.f32 v3, v1;
	v3 =	vmul.f32 v15, v2  }
0x7c: {  	(xrf2) =	vadd.scan.msk.f32 $0xffff, v4  }
0x7d: {  	v1 =	vadd.f32 v3, v1;
	v2, _, _ =	vpop (xrf2)  }
0x7e: {  	v2 =	vbroadcast v2, $0xF  }
0x7f: {  	vm14 =	veq.s32 v0, $0xF;
	v3 =	vbroadcast v6, $0xF;
	(xrf2) =	vadd.scan.msk.f32 $0xffff, v1  }
0x80: {  	v1 =	vsel vm14, $0x0, v2;
	v2 =	vbroadcast v5, $0xF;
	v4, _, _ =	vpop (xrf2)  }
0x81: {  	v1 =	vsel vm0, v3, v1;
	v3 =	vbroadcast v4, $0xF  }
0x82: {  	v1 =	vsel vm1, v1, v2;
	v2 =	vbroadcast v22, $0xF  }
0x83: {  	v1 =	vsel vm2, v1, v3;
	v3 =	vbroadcast v17, $0xF;
	v4, _, _ =	vpop (xrf2)  }
0x84: {  	v1 =	vsel vm3, v1, v2;
	v2 =	vbroadcast v4, $0xF  }
0x85: {  	v1 =	vsel vm4, v1, v3;
	v3 =	vbroadcast v21, $0xF  }
0x86: {  	v1 =	vsel vm5, v1, v2;
	v2 =	vbroadcast v19, $0xF;
	v4, _, _ =	vpop (xrf2)  }
0x87: {  	v1 =	vsel vm6, v1, v3;
	v3 =	vbroadcast v4, $0xF  }
0x88: {  	v1 =	vsel vm7, v1, v2;
	v2 =	vbroadcast v23, $0xF  }
0x89: {  	v1 =	vsel vm8, v1, v3;
	v3 =	vbroadcast v9, $0xF;
	v4, _, _ =	vpop (xrf2)  }
0x8a: {  	v1 =	vsel vm9, v1, v2;
	v2 =	vbroadcast v4, $0xF  }
0x8b: {  	v1 =	vsel vm10, v1, v3;
	v3 =	vbroadcast v8, $0xF  }
0x8c: {  	v1 =	vsel vm11, v1, v2;
	v2 =	vbroadcast v7, $0xF  }
0x8d: {  	v1 =	vsel vm12, v1, v3  }
0x8e: {  	s15 =	sshra.s32 s12, $0x2;
	s12 =	smov.u32 s14;
	v1 =	vsel vm13, v1, v2  }
0x8f: {  	s1 =	sadd.s32 $0x280, s1;
	[tilespmem:s15+$0x13B00] =	vst v1  }
0x90: {  	v7 =	vld [tilespmem:s1+$0x0]  }
0x91: {  	v8 =	vld [tilespmem:s1+$0xFFFFFFC0]  }
0x92: {  	v9 =	vld [tilespmem:s1+$0xFFFFFFF0]  }
0x93: {  	v10 =	vld [tilespmem:s1+$0xFFFFFFB0]  }
0x94: {  	v6 =	vld [tilespmem:s1+$0xFFFFFFD0]  }
0x95: {  	v11 =	vld [tilespmem:s1+$0xFFFFFFE0]  }
0x96: {  	v12 =	vld [tilespmem:s1+$0xFFFFFF40]  }
0x97: {  	v13 =	vld [tilespmem:s1+$0xFFFFFF90]  }
0x98: {  	v14 =	vld [tilespmem:s1+$0xFFFFFFA0]  }
0x99: {  	v15 =	vld [tilespmem:s1+$0xFFFFFF00]  }
0x9a: {  	v16 =	vld [tilespmem:s1+$0xFFFFFF30]  }
0x9b: {  	v1 =	vld [tilespmem:s1+$0xFFFFFF50]  }
0x9c: {  	v17 =	vld [tilespmem:s1+$0xFFFFFEF0]  }
0x9d: {  	v18 =	vld [tilespmem:s1+$0xFFFFFF10]  }
0x9e: {  	v19 =	vld [tilespmem:s1+$0xFFFFFF20]  }
0x9f: {  	v20 =	vld [tilespmem:s1+$0xFFFFFE80]  }
0xa0: {  	s13 =	sadd.s32 $0x40, s13;
	v21 =	vld [tilespmem:s1+$0xFFFFFED0]  }
0xa1: {  	v4 =	vld [tilespmem:s13+$0xFFFFFF40]  }
0xa2: {  	v5 =	vld [tilespmem:s13+$0xFFFFFF50]  }
0xa3: {  	v22 =	vld [tilespmem:s1+$0xFFFFFEE0]  }
0xa4: {  	v3 =	vld [tilespmem:s13+$0xFFFFFF60]  }
0xa5: {  	v23 =	vld [tilespmem:s1+$0xFFFFFE40]  }
0xa6: {  	v2 =	vld [tilespmem:s13+$0xFFFFFF70]  }
0xa7: {  	v25 =	vmul.f32 v6, v4;
	v24 =	vld [tilespmem:s1+$0xFFFFFE70];
	v11 =	vmul.f32 v11, v5  }
0xa8: {  	v6 =	vld [tilespmem:s1+$0xFFFFFE90]  }
0xa9: {  	v26 =	vld [tilespmem:s1+$0xFFFFFE30];
	v11 =	vadd.f32 v11, v25;
	v9 =	vmul.f32 v9, v3  }
0xaa: {  	v13 =	vmul.f32 v13, v4;
	v14 =	vmul.f32 v14, v5;
	v25 =	vld [tilespmem:s1+$0xFFFFFE50]  }
0xab: {  	v27 =	vld [tilespmem:s1+$0xFFFFFE60];
	v9 =	vadd.f32 v9, v11;
	v7 =	vmul.f32 v7, v2  }
0xac: {  	v10 =	vmul.f32 v10, v3;
	v11 =	vadd.f32 v14, v13;
	v28 =	vld [tilespmem:s1+$0xFFFFFDC0]  }
0xad: {  	v14 =	vmul.f32 v18, v4;
	v18 =	vmul.f32 v19, v5;
	v13 =	vld [tilespmem:s1+$0xFFFFFE10];
	v7 =	vadd.f32 v7, v9  }
0xae: {  	v8 =	vmul.f32 v8, v2;
	v10 =	vadd.f32 v10, v11;
	v9 =	vld [tilespmem:s1+$0xFFFFFE20]  }
0xaf: {  	v11 =	vadd.f32 v18, v14;
	v14 =	vmul.f32 v16, v3;
	v29 =	vld [tilespmem:s13+$0xB0];
	(xrf2) =	vadd.scan.msk.f32 $0xffff, v7  }
0xb0: {  	v18 =	vmul.f32 v22, v5;
	v7 =	vmul.f32 v21, v4;
	v8 =	vadd.f32 v8, v10;
	v16 =	vld [tilespmem:s1+$0xFFFFFDB0]  }
0xb1: {  	v12 =	vmul.f32 v12, v2;
	v11 =	vadd.f32 v14, v11;
	v10 =	vld [tilespmem:s1+$0xFFFFFDD0]  }
0xb2: {  	v14 =	vmul.f32 v17, v3;
	v7 =	vadd.f32 v18, v7;
	v19 =	vld [tilespmem:s13+$0xA0];
	(xrf2) =	vadd.scan.msk.f32 $0xffff, v8  }
0xb3: {  	v17 =	vmul.f32 v25, v4;
	v18 =	vmul.f32 v27, v5;
	v12 =	vadd.f32 v12, v11;
	v8 =	vld [tilespmem:s1+$0xFFFFFD90]  }
0xb4: {  	v7 =	vadd.f32 v14, v7;
	v14 =	vmul.f32 v15, v2;
	v21 =	vld [tilespmem:s1+$0xFFFFFDA0]  }
0xb5: {  	v15 =	vadd.f32 v18, v17;
	v17 =	vmul.f32 v24, v3;
	v11 =	vld [tilespmem:s13+$0x30];
	(xrf2) =	vadd.scan.msk.f32 $0xffff, v12  }
0xb6: {  	v13 =	vmul.f32 v13, v4;
	v9 =	vmul.f32 v9, v5;
	v22 =	vadd.f32 v14, v7;
	v18 =	vld [tilespmem:s13+$0x80]  }
0xb7: {  	v15 =	vadd.f32 v17, v15;
	v17 =	vmul.f32 v20, v2;
	v14 =	vld [tilespmem:s13+$0x90]  }
0xb8: {  	v9 =	vadd.f32 v9, v13;
	v13 =	vmul.f32 v26, v3;
	v12 =	vld [tilespmem:s13+$0xFFFFFFF0];
	(xrf2) =	vadd.scan.msk.f32 $0xffff, v22  }
0xb9: {  	v15 =	vadd.f32 v17, v15;
	v25 =	vmul.f32 v8, v4;
	v20 =	vld [tilespmem:s13+$0x0];
	v21 =	vmul.f32 v21, v5;
	v7, _, _ =	vpop (xrf2)  }
0xba: {  	v9 =	vadd.f32 v13, v9;
	v17 =	vmul.f32 v23, v2;
	v22 =	vld [tilespmem:s13+$0x10]  }
0xbb: {  	v23 =	vmul.f32 v16, v3;
	v13 =	vld [tilespmem:s13+$0x20];
	v21 =	vadd.f32 v21, v25;
	(xrf2) =	vadd.scan.msk.f32 $0xffff, v15  }
.Ltmp0:
0xbc: {  	v26 =	vadd.f32 v17, v9;
	v18 =	vmul.f32 v18, v4;
	v15 =	vld [tilespmem:s13+$0xFFFFFFC0];
	v24 =	vmul.f32 v14, v5;
	v8, _, _ =	vpop (xrf2);
	(pc) =	sbr.rel @p0 .LBB2_3-.Ltmp0, $4  }
0xbd: {  	v16 =	vld [tilespmem:s13+$0xFFFFFFD0];
	v21 =	vadd.f32 v23, v21;
	v23 =	vmul.f32 v28, v2  }
0xbe: {  	v25 =	vmul.f32 v19, v3;
	v14 =	vld [tilespmem:s13+$0xFFFFFFE0];
	v24 =	vadd.f32 v24, v18;
	(xrf2) =	vadd.scan.msk.f32 $0xffff, v26  }
0xbf: {  	v20 =	vmul.f32 v20, v4;
	v17 =	vld [tilespmem:s13+$0xFFFFFF80];
	v22 =	vmul.f32 v22, v5;
	v18 =	vadd.f32 v23, v21;
	v9, _, _ =	vpop (xrf2)  }
0xc0: {  	s14 =	sadd.s32 $0x40, s14;
	v23 =	vmul.f32 v29, v2;
	v19 =	vld [tilespmem:s13+$0xFFFFFF90];
	v21 =	vadd.f32 v25, v24  }
0xc1: {  	v24 =	vld [tilespmem:s13+$0x40]  }
0xc2: {  	v25 =	vld [tilespmem:s13+$0xFFFFFFA0]  }
0xc3: {  	v20 =	vadd.f32 v22, v20;
	v13 =	vmul.f32 v13, v3;
	v22 =	vld [tilespmem:s13+$0x50]  }
0xc4: {  	v15 =	vmul.f32 v15, v4;
	v16 =	vmul.f32 v16, v5;
	v21 =	vadd.f32 v23, v21;
	v23 =	vld [tilespmem:s13+$0xFFFFFFB0]  }
0xc5: {  	v13 =	vadd.f32 v13, v20;
	v20 =	vld [tilespmem:s13+$0x60];
	v17 =	vmul.f32 v17, v4;
	v19 =	vmul.f32 v19, v5  }
0xc6: {  	v11 =	vmul.f32 v11, v2;
	v14 =	vmul.f32 v14, v3;
	v15 =	vadd.f32 v16, v15;
	v16 =	vld [tilespmem:s1+$0xFFFFFDE0]  }
0xc7: {  	v12 =	vmul.f32 v12, v2;
	v41 =	vld [tilespmem:s13+$0x70];
	v17 =	vadd.f32 v19, v17;
	v19 =	vmul.f32 v25, v3  }
0xc8: {  	v14 =	vadd.f32 v14, v15;
	v15 =	vmul.f32 v24, v4;
	v22 =	vmul.f32 v22, v5  }
0xc9: {  	(xrf2) =	vadd.scan.msk.f32 $0xffff, v18;
	v18 =	vld [tilespmem:s1+$0xFFFFFEA0];
	v11 =	vadd.f32 v11, v13;
	v13 =	vadd.f32 v19, v17;
	v17 =	vmul.f32 v23, v2  }
0xca: {  	v42 =	vld [tilespmem:s1+$0xFFFFFDF0];
	(xrf2) =	vadd.scan.msk.f32 $0xffff, v21;
	v12 =	vadd.f32 v12, v14;
	v14 =	vadd.f32 v22, v15;
	v15 =	vmul.f32 v20, v3  }
0xcb: {  	(xrf2) =	vadd.scan.msk.f32 $0xffff, v11;
	v11 =	vadd.f32 v17, v13;
	v13 =	vmul.f32 v16, v5;
	v16 =	vld [tilespmem:s1+$0xFFFFFEB0]  }
0xcc: {  	v19 =	vld [tilespmem:s1+$0xFFFFFE00];
	(xrf2) =	vadd.scan.msk.f32 $0xffff, v12;
	v12 =	vadd.f32 v15, v14;
	v14 =	vmul.f32 v41, v2  }
0xcd: {  	v10 =	vmul.f32 v10, v4;
	v15 =	vld [tilespmem:s1+$0xFFFFFF60]  }
0xce: {  	v6 =	vmul.f32 v6, v4;
	v17 =	vld [tilespmem:s1+$0xFFFFFEC0];
	(xrf2) =	vadd.scan.msk.f32 $0xffff, v11;
	v11 =	vadd.f32 v14, v12;
	v12 =	vmul.f32 v18, v5  }
0xcf: {  	v10 =	vadd.f32 v13, v10;
	v13 =	vmul.f32 v42, v3;
	v14 =	vld [tilespmem:s1+$0xFFFFFF70]  }
0xd0: {  	v6 =	vadd.f32 v12, v6;
	v12 =	vmul.f32 v16, v3;
	v16 =	vld [tilespmem:s1+$0xFFFFFF80]  }
0xd1: {  	v10 =	vadd.f32 v13, v10;
	v13 =	vmul.f32 v19, v2  }
0xd2: {  	v1 =	vmul.f32 v1, v4;
	v18, _, _ =	vpop (xrf2);
	(xrf2) =	vadd.scan.msk.f32 $0xffff, v11;
	v4 =	vmul.f32 v15, v5  }
0xd3: {  	v11, _, _ =	vpop (xrf2);
	v10 =	vadd.f32 v13, v10  }
0xd4: {  	v5, _, _ =	vpop (xrf2);
	v6 =	vadd.f32 v12, v6;
	v12 =	vmul.f32 v17, v2;
	v3 =	vmul.f32 v14, v3  }
0xd5: {  	v1 =	vadd.f32 v4, v1;
	v13, _, _ =	vpop (xrf2);
	(xrf2) =	vadd.scan.msk.f32 $0xffff, v10;
	v2 =	vmul.f32 v16, v2  }
0xd6: {  	v4, _, _ =	vpop (xrf2);
	v6 =	vadd.f32 v12, v6  }
0xd7: {  	v1 =	vadd.f32 v3, v1;
	v10, _, _ =	vpop (xrf2)  }
0xd8: {  	v3, _, _ =	vpop (xrf2);
	(xrf2) =	vadd.scan.msk.f32 $0xffff, v6  }
0xd9: {  	v1 =	vadd.f32 v2, v1;
	v2, _, _ =	vpop (xrf2)  }
0xda: {  	v2 =	vbroadcast v2, $0xF  }
0xdb: {  	v3 =	vbroadcast v3, $0xF;
	(xrf2) =	vadd.scan.msk.f32 $0xffff, v1  }
0xdc: {  	v6, _, _ =	vpop (xrf2);
	v1 =	vsel vm14, $0x0, v2;
	v2 =	vbroadcast v10, $0xF  }
0xdd: {  	v1 =	vsel vm0, v3, v1;
	v3 =	vbroadcast v6, $0xF  }
0xde: {  	v1 =	vsel vm1, v1, v2;
	v2 =	vbroadcast v4, $0xF  }
0xdf: {  	v4, _, _ =	vpop (xrf2);
	v1 =	vsel vm2, v1, v3;
	v3 =	vbroadcast v13, $0xF  }
0xe0: {  	v1 =	vsel vm3, v1, v2;
	v2 =	vbroadcast v4, $0xF  }
0xe1: {  	v1 =	vsel vm4, v1, v3;
	v3 =	vbroadcast v5, $0xF  }
0xe2: {  	v4, _, _ =	vpop (xrf2);
	v1 =	vsel vm5, v1, v2;
	v2 =	vbroadcast v11, $0xF  }
0xe3: {  	v1 =	vsel vm6, v1, v3;
	v3 =	vbroadcast v4, $0xF  }
0xe4: {  	v1 =	vsel vm7, v1, v2;
	v2 =	vbroadcast v18, $0xF  }
0xe5: {  	v4, _, _ =	vpop (xrf2);
	v1 =	vsel vm8, v1, v3;
	v3 =	vbroadcast v9, $0xF  }
0xe6: {  	v1 =	vsel vm9, v1, v2;
	v2 =	vbroadcast v4, $0xF  }
0xe7: {  	v1 =	vsel vm10, v1, v3;
	v3 =	vbroadcast v8, $0xF  }
0xe8: {  	s14 =	sadd.s32 s4, s11;
	v1 =	vsel vm11, v1, v2;
	v2 =	vbroadcast v7, $0xF  }
0xe9: {  	s1 =	smul.u32 $0x5A, s14;
	v1 =	vsel vm12, v1, v3  }
0xea: {  	s12 =	sshra.s32 s12, $0x2;
	v1 =	vsel vm13, v1, v2  }
0xeb: {  	s1 =	sadd.s32 s2, s1;
	[tilespmem:s12+$0x13B00] =	vst v1  }
0xec: {  	[hbm4b:s1+s3] =	stream.linear.scatter [tilespmem:s26], [sflag:$0x3], $0x2D0, $0x38;
	[tilespmem:$0x13DD0] =	vst v63  }
0xed: {  	_ =	swait.ge [sflag:s28], $0x1900  }
0xee: {  	[sflag:s28] =	ssyncset.done $0x0  }
0xef: {  	[sflag:s28] =	ssyncadd.s32 $0xFFFFE700  }
0xf0: {  	_ =	swait.ge [sflag:s28], $0x1900  }
0xf1: {  	[sflag:s28] =	ssyncset.done $0x0  }
0xf2: {  	[sflag:s28] =	ssyncadd.s32 $0xFFFFE700  }
0xf3: {  	_ =	swait.ge [sflag:s28], $0x1900  }
0xf4: {  	p0 =	seq.s32 s31, $0x3F;
	s1 =	sadd.s32 $0x2, s11;
	[sflag:s28] =	ssyncset.done $0x0  }
0xf5: {  	s11 =	sand.u32 @!p0 $0xE, s1;
	[sflag:s28] =	ssyncadd.s32 $0xFFFFE700  }
0xf6: {  	p2 =	seq.s32 @!p0 s11, $0x0;
	_ =	swait.ge [sflag:s28], $0x1900  }
0xf7: {  	p1 =	por !p2, p0;
	[sflag:s28] =	ssyncset.done $0x0  }
0xf8: {  	p2 =	por p2, p0;
	s12 =	sadd.s32 @!p1 s4, s1;
	[sflag:s28] =	ssyncadd.s32 $0xFFFFE700  }
0xf9: {  	s13 =	sshll.u32 @!p1 s1, $0x1B;
	s12 =	smul.u32 @!p1 $0x41, s12;
	_ =	swait.ge [sflag:s28], $0x1900  }
0xfa: {  	s14 =	simm.s32 @!p1 $0x0;
	s13 =	sshra.s32 @!p1 s13, $0x1F;
	[sflag:s28] =	ssyncset.done $0x0  }
0xfb: {  	s13 =	sand.u32 @!p1 $0x2080, s13;
	s12 =	sadd.s32 @!p1 s5, s12;
	[sflag:s28] =	ssyncadd.s32 $0xFFFFE700  }
0xfc: {  	[tilespmem:s13], [sflag:$0x4] =	stream.linear.gather @!p1 [hbm4b:s12+s14], $0x2080, $0x38;
	[tilespmem:$0x13DD0] =	vst v63  }
0xfd: {  	s12 =	sand.u32 @!p1 $0x10, s1;
	s1 =	sand.u32 @!p2 $0x10, s1  }
0xfe: {  	s13 =	simm.s32 @!p1 $0x4;
	s12 =	smov.u32 @p1 s1  }
0xff: {  	_ =	swait.ge @!p1 [sflag:s13], $0x2080;
	s1 =	smul.u32 @!p0 $0x820, s11;
	p2 =	seq.s32 @!p0 s12, $0x0  }
0x100: {  	s11 =	simm.s32 @!p0 $0x0;
	[sflag:s13] =	ssyncset.done @!p1 $0x0;
	p2 =	por !p2, p0  }
0x101: {  	s12 =	simm.s32 @!p0 $0x4100;
	s1 =	sshrl.u32 @!p0 s1, $0x2;
	s11 =	simm.s32 @p2 $0x2080  }
0x102: {  	[sflag:s13] =	ssyncadd.s32 @!p1 $0xFFFFDF80;
	s1 =	sadd.s32 @!p0 s1, s11;
	s11 =	simm.s32 @!p0 $0x64  }
0x103: {  	[tilespmem:s12], [sflag:$0x1] =	stream.indirect.gather @!p0 [hbm4b:s6+s11], $0x40, s1, s11, $0xb8;
	[tilespmem:$0x13DD0] =	vst v63  }
0x104: {  	s13 =	simm.s32 @!p0 $0x5A00;
	s12 =	sadd.s32 @!p0 $0x68, s1  }
0x105: {  	[tilespmem:s13], [sflag:$0x1] =	stream.indirect.gather @!p0 [hbm4b:s6+s11], $0x40, s12, s11, $0xb8;
	[tilespmem:$0x13DD0] =	vst v63  }
0x106: {  	s12 =	sadd.s32 @!p0 $0xD0, s1;
	s13 =	simm.s32 @!p0 $0x7300  }
0x107: {  	[tilespmem:s13], [sflag:$0x1] =	stream.indirect.gather @!p0 [hbm4b:s6+s11], $0x40, s12, s11, $0xb8;
	[tilespmem:$0x13DD0] =	vst v63  }
0x108: {  	s12 =	sadd.s32 @!p0 $0x138, s1;
	s13 =	simm.s32 @!p0 $0x8C00  }
0x109: {  	[tilespmem:s13], [sflag:$0x1] =	stream.indirect.gather @!p0 [hbm4b:s6+s11], $0x40, s12, s11, $0xb8;
	[tilespmem:$0x13DD0] =	vst v63  }
0x10a: {  	s1 =	sadd.s32 @!p0 $0x1A0, s1;
	s12 =	simm.s32 @!p0 $0xA500  }
0x10b: {  	[tilespmem:s12], [sflag:$0x1] =	stream.indirect.gather @!p0 [hbm4b:s6+s11], $0x40, s1, s11, $0xb8;
	[tilespmem:$0x13DD0] =	vst v63  }
0x10c: {  	_ =	swait.ge [sflag:s29], $0x2D0  }
0x10d: {  	[sflag:s29] =	ssyncset.done $0x0  }
0x10e: {  	s15 =	simm.s32 $0x0;
	[sflag:s29] =	ssyncadd.s32 $0xFFFFFD30  }
0x10f: {  	v7 =	vld [tilespmem:s15+$0xCCF0]  }
0x110: {  	v8 =	vld [tilespmem:s15+$0xCCB0]  }
0x111: {  	v9 =	vld [tilespmem:s15+$0xCCE0]  }
0x112: {  	v10 =	vld [tilespmem:s15+$0xCCA0]  }
0x113: {  	v11 =	vld [tilespmem:s15+$0xCCC0]  }
0x114: {  	v12 =	vld [tilespmem:s15+$0xCCD0]  }
0x115: {  	v13 =	vld [tilespmem:s15+$0xCC30]  }
0x116: {  	v14 =	vld [tilespmem:s15+$0xCC80]  }
0x117: {  	v15 =	vld [tilespmem:s15+$0xCC90]  }
0x118: {  	v16 =	vld [tilespmem:s15+$0xCBF0]  }
0x119: {  	v17 =	vld [tilespmem:s15+$0xCC20]  }
0x11a: {  	v2 =	vld [tilespmem:s15+$0xCC40]  }
0x11b: {  	v18 =	vld [tilespmem:s15+$0xCBE0]  }
0x11c: {  	v19 =	vld [tilespmem:s15+$0xCC00]  }
0x11d: {  	v20 =	vld [tilespmem:s15+$0xCC10]  }
0x11e: {  	v21 =	vld [tilespmem:s15+$0xCB70]  }
0x11f: {  	v22 =	vld [tilespmem:s15+$0xCBC0]  }
0x120: {  	v4 =	vld [tilespmem:s15+$0xBE00]  }
0x121: {  	v5 =	vld [tilespmem:s15+$0xBE10]  }
0x122: {  	v23 =	vld [tilespmem:s15+$0xCBD0]  }
0x123: {  	v3 =	vld [tilespmem:s15+$0xBE20]  }
0x124: {  	v43 =	vld [tilespmem:s15+$0xCB30]  }
0x125: {  	v1 =	vld [tilespmem:s15+$0xBE30]  }
0x126: {  	v44 =	vld [tilespmem:s15+$0xCB60]  }
0x127: {  	v6 =	vld [tilespmem:s15+$0xCB80]  }
0x128: {  	v26 =	vld [tilespmem:s15+$0xCB20]  }
0x129: {  	v27 =	vld [tilespmem:s15+$0xCB40]  }
0x12a: {  	v28 =	vld [tilespmem:s15+$0xCB50]  }
0x12b: {  	v29 =	vld [tilespmem:s15+$0xCAB0]  }
0x12c: {  	v30 =	vld [tilespmem:s15+$0xCB00];
	v11 =	vmul.f32 v11, v4  }
0x12d: {  	v31 =	vld [tilespmem:s15+$0xCB10];
	v12 =	vmul.f32 v12, v5;
	v14 =	vmul.f32 v14, v4  }
0x12e: {  	v32 =	vld [tilespmem:s15+$0xBF70];
	v15 =	vmul.f32 v15, v5;
	v9 =	vmul.f32 v9, v3  }
0x12f: {  	v33 =	vld [tilespmem:s15+$0xCAA0];
	v7 =	vmul.f32 v7, v1;
	v10 =	vmul.f32 v10, v3;
	v11 =	vadd.f32 v12, v11  }
0x130: {  	v45 =	vld [tilespmem:s15+$0xBF50];
	v8 =	vmul.f32 v8, v1;
	v13 =	vmul.f32 v13, v1  }
0x131: {  	v46 =	vld [tilespmem:s15+$0xBEC0];
	v18 =	vmul.f32 v18, v3;
	v14 =	vadd.f32 v15, v14;
	v9 =	vadd.f32 v9, v11  }
0x132: {  	v48 =	vld [tilespmem:s15+$0xBED0];
	v11 =	vmul.f32 v19, v4;
	v19 =	vmul.f32 v20, v5  }
0x133: {  	v16 =	vmul.f32 v16, v1;
	v20 =	vld [tilespmem:s15+$0xCA80];
	v10 =	vadd.f32 v10, v14;
	v7 =	vadd.f32 v7, v9  }
0x134: {  	v14 =	vld [tilespmem:s15+$0xCA90];
	v9 =	vadd.f32 v19, v11;
	v19 =	vmul.f32 v22, v4;
	v22 =	vmul.f32 v23, v5  }
0x135: {  	v49 =	vld [tilespmem:s15+$0xBEA0];
	v47 =	vmul.f32 v31, v5;
	v11 =	vmul.f32 v17, v3  }
0x136: {  	v50 =	vld [tilespmem:s15+$0xBE40];
	v24 =	vmul.f32 v43, v1;
	v8 =	vadd.f32 v8, v10;
	v19 =	vadd.f32 v22, v19  }
0x137: {  	v10 =	vld [tilespmem:s15+$0xBF40];
	v23 =	vmul.f32 v28, v5;
	v9 =	vadd.f32 v11, v9;
	v11 =	vmul.f32 v27, v4  }
0x138: {  	v53 =	vld [tilespmem:s15+$0xBF00];
	v20 =	vmul.f32 v20, v4;
	v18 =	vadd.f32 v18, v19;
	v19 =	vmul.f32 v30, v4  }
0x139: {  	v15 =	vld [tilespmem:s15+$0xBF60];
	v14 =	vmul.f32 v14, v5;
	v11 =	vadd.f32 v23, v11;
	v23 =	vmul.f32 v44, v3  }
0x13a: {  	v17 =	vld [tilespmem:s15+$0xBEF0];
	v16 =	vadd.f32 v16, v18;
	v18 =	vadd.f32 v47, v19;
	v19 =	vmul.f32 v26, v3  }
0x13b: {  	v9 =	vadd.f32 v13, v9;
	v13 =	vmul.f32 v21, v1;
	v21 =	vld [tilespmem:s15+$0xBEE0];
	v11 =	vadd.f32 v23, v11  }
0x13c: {  	v10 =	vmul.f32 v10, v4;
	v23 =	vld [tilespmem:s15+$0xBE80];
	v18 =	vadd.f32 v19, v18;
	v19 =	vmul.f32 v45, v5  }
0x13d: {  	(xrf2) =	vadd.scan.msk.f32 $0xffff, v7;
	v14 =	vadd.f32 v14, v20;
	v20 =	vmul.f32 v33, v3;
	v11 =	vadd.f32 v13, v11;
	v13 =	vld [tilespmem:s15+$0xBE90]  }
0x13e: {  	v51 =	vmul.f32 v29, v1;
	v15 =	vmul.f32 v15, v3;
	(xrf2) =	vadd.scan.msk.f32 $0xffff, v8;
	v10 =	vadd.f32 v19, v10;
	v19 =	vld [tilespmem:s15+$0xBE50]  }
0x13f: {  	v54 =	vld [tilespmem:s15+$0xBE60];
	v52 =	vmul.f32 v48, v5;
	(xrf2) =	vadd.scan.msk.f32 $0xffff, v9;
	v14 =	vadd.f32 v20, v14;
	v20 =	vmul.f32 v46, v4  }
0x140: {  	v22 =	vld [tilespmem:s15+$0xBEB0];
	(xrf2) =	vadd.scan.msk.f32 $0xffff, v16;
	v16 =	vmul.f32 v17, v1;
	v10 =	vadd.f32 v15, v10;
	v15 =	vmul.f32 v32, v1  }
0x141: {  	v7 =	vadd.f32 v51, v14;
	v14 =	vadd.f32 v52, v20;
	v20 =	vmul.f32 v21, v3;
	v21 =	vld [tilespmem:s15+$0xBF10]  }
0x142: {  	v8 =	vmul.f32 v23, v4;
	v13 =	vmul.f32 v13, v5;
	v10 =	vadd.f32 v15, v10;
	v15 =	vld [tilespmem:s15+$0xBE70]  }
0x143: {  	v9 =	vadd.f32 v20, v14;
	v14 =	vmul.f32 v50, v4;
	v20 =	vld [tilespmem:s15+$0xBF20];
	v19 =	vmul.f32 v19, v5  }
0x144: {  	v12 =	vld [tilespmem:s15+$0xCAC0];
	v18 =	vadd.f32 v24, v18;
	v8 =	vadd.f32 v13, v8;
	v13 =	vmul.f32 v49, v3  }
0x145: {  	(xrf2) =	vadd.scan.msk.f32 $0xffff, v11;
	v11 =	vmul.f32 v22, v1;
	v22 =	vld [tilespmem:s15+$0xBF30];
	v14 =	vadd.f32 v19, v14;
	v19 =	vmul.f32 v54, v3  }
0x146: {  	v17 =	vld [tilespmem:s15+$0xCAD0];
	(xrf2) =	vadd.scan.msk.f32 $0xffff, v18;
	v18 =	vmul.f32 v21, v5;
	v8 =	vadd.f32 v13, v8;
	v13 =	vmul.f32 v53, v4  }
0x147: {  	(xrf2) =	vadd.scan.msk.f32 $0xffff, v7;
	v7 =	vadd.f32 v16, v9;
	v9 =	vadd.f32 v19, v14;
	v14 =	vmul.f32 v15, v1;
	v15 =	vld [tilespmem:s15+$0xCB90]  }
0x148: {  	v21 =	vld [tilespmem:s15+$0xCAE0];
	(xrf2) =	vadd.scan.msk.f32 $0xffff, v10;
	v8 =	vadd.f32 v11, v8;
	v10 =	vadd.f32 v18, v13;
	v11 =	vmul.f32 v20, v3  }
0x149: {  	(xrf2) =	vadd.scan.msk.f32 $0xffff, v7;
	v13 =	vld [tilespmem:s15+$0xCAF0]  }
0x14a: {  	v7 =	vadd.f32 v14, v9;
	(xrf2) =	vadd.scan.msk.f32 $0xffff, v8;
	v8 =	vadd.f32 v11, v10;
	v10 =	vmul.f32 v22, v1;
	v11 =	vld [tilespmem:s15+$0xCC50]  }
0x14b: {  	v9 =	vmul.f32 v12, v4;
	v12 =	vmul.f32 v17, v5;
	v14 =	vld [tilespmem:s15+$0xCBA0]  }
0x14c: {  	v8 =	vadd.f32 v10, v8;
	v10 =	vmul.f32 v15, v5;
	v15 =	vld [tilespmem:s15+$0xCC60]  }
0x14d: {  	v16, _, _ =	vpop (xrf2);
	v17 =	vld [tilespmem:s15+$0xCBB0];
	v9 =	vadd.f32 v12, v9;
	v12 =	vmul.f32 v21, v3;
	(xrf2) =	vadd.scan.msk.f32 $0xffff, v7  }
0x14e: {  	v6 =	vmul.f32 v6, v4;
	v2 =	vmul.f32 v2, v4;
	v7, _, _ =	vpop (xrf2)  }
0x14f: {  	v9 =	vadd.f32 v12, v9;
	v12 =	vmul.f32 v13, v1;
	v18, _, _ =	vpop (xrf2);
	v4 =	vmul.f32 v11, v5  }
0x150: {  	(xrf2) =	vadd.scan.msk.f32 $0xffff, v8;
	v6 =	vadd.f32 v10, v6;
	v10 =	vmul.f32 v14, v3;
	v14 =	vld [tilespmem:s15+$0xCC70];
	v13, _, _ =	vpop (xrf2)  }
0x151: {  	v9 =	vadd.f32 v12, v9;
	v8, _, _ =	vpop (xrf2);
	v2 =	vadd.f32 v4, v2;
	v3 =	vmul.f32 v15, v3  }
0x152: {  	v6 =	vadd.f32 v10, v6;
	v10 =	vmul.f32 v17, v1;
	v5, _, _ =	vpop (xrf2)  }
0x153: {  	(xrf2) =	vadd.scan.msk.f32 $0xffff, v9;
	v11, _, _ =	vpop (xrf2);
	v2 =	vadd.f32 v3, v2  }
0x154: {  	v6 =	vadd.f32 v10, v6;
	v4, _, _ =	vpop (xrf2)  }
0x155: {  	v1 =	vmul.f32 v14, v1;
	v9, _, _ =	vpop (xrf2)  }
0x156: {  	(xrf2) =	vadd.scan.msk.f32 $0xffff, v6;
	v3, _, _ =	vpop (xrf2)  }
0x157: {  	v1 =	vadd.f32 v1, v2;
	v2, _, _ =	vpop (xrf2)  }
0x158: {  	v2 =	vbroadcast v2, $0xF  }
0x159: {  	v3 =	vbroadcast v3, $0xF;
	(xrf2) =	vadd.scan.msk.f32 $0xffff, v1  }
0x15a: {  	v6, _, _ =	vpop (xrf2);
	v1 =	vsel vm14, $0x0, v2;
	v2 =	vbroadcast v9, $0xF  }
0x15b: {  	v1 =	vsel vm0, v3, v1;
	v3 =	vbroadcast v6, $0xF  }
0x15c: {  	v1 =	vsel vm1, v1, v2;
	v2 =	vbroadcast v4, $0xF  }
0x15d: {  	v4, _, _ =	vpop (xrf2);
	v1 =	vsel vm2, v1, v3;
	v3 =	vbroadcast v11, $0xF  }
0x15e: {  	v1 =	vsel vm3, v1, v2;
	v2 =	vbroadcast v4, $0xF  }
0x15f: {  	v1 =	vsel vm4, v1, v3;
	v3 =	vbroadcast v5, $0xF  }
0x160: {  	v4, _, _ =	vpop (xrf2);
	v1 =	vsel vm5, v1, v2;
	v2 =	vbroadcast v8, $0xF  }
0x161: {  	v1 =	vsel vm6, v1, v3;
	v3 =	vbroadcast v4, $0xF  }
0x162: {  	v1 =	vsel vm7, v1, v2;
	v2 =	vbroadcast v13, $0xF  }
0x163: {  	v4, _, _ =	vpop (xrf2);
	v1 =	vsel vm8, v1, v3;
	v3 =	vbroadcast v18, $0xF  }
0x164: {  	v1 =	vsel vm9, v1, v2;
	v2 =	vbroadcast v4, $0xF  }
0x165: {  	v1 =	vsel vm10, v1, v3;
	v3 =	vbroadcast v7, $0xF  }
0x166: {  	v1 =	vsel vm11, v1, v2;
	v2 =	vbroadcast v16, $0xF  }
0x167: {  	v1 =	vsel vm12, v1, v3  }
0x168: {  	s1 =	simm.s32 $0x13B00;
	v1 =	vsel vm13, v1, v2  }
0x169: {  	s11 =	simm.s32 $0x280;
	[tilespmem:s1+$0x0] =	vst v1  }
0x16a: {  	v7 =	vld [tilespmem:s11+$0xCCF0]  }
0x16b: {  	v8 =	vld [tilespmem:s11+$0xCCB0]  }
0x16c: {  	v9 =	vld [tilespmem:s11+$0xCCE0]  }
0x16d: {  	v10 =	vld [tilespmem:s11+$0xCCA0]  }
0x16e: {  	v11 =	vld [tilespmem:s11+$0xCCC0]  }
0x16f: {  	v12 =	vld [tilespmem:s11+$0xCCD0]  }
0x170: {  	v13 =	vld [tilespmem:s11+$0xCC30]  }
0x171: {  	v14 =	vld [tilespmem:s11+$0xCC80]  }
0x172: {  	v15 =	vld [tilespmem:s11+$0xCC90]  }
0x173: {  	v16 =	vld [tilespmem:s11+$0xCBF0]  }
0x174: {  	v17 =	vld [tilespmem:s11+$0xCC20]  }
0x175: {  	v1 =	vld [tilespmem:s11+$0xCC40]  }
0x176: {  	v18 =	vld [tilespmem:s11+$0xCBE0]  }
0x177: {  	v19 =	vld [tilespmem:s11+$0xCC00]  }
0x178: {  	v20 =	vld [tilespmem:s11+$0xCC10]  }
0x179: {  	v21 =	vld [tilespmem:s11+$0xCB70]  }
0x17a: {  	s14 =	simm.s32 $0x40;
	v22 =	vld [tilespmem:s11+$0xCBC0]  }
0x17b: {  	v4 =	vld [tilespmem:s14+$0xBE00]  }
0x17c: {  	v5 =	vld [tilespmem:s14+$0xBE10]  }
0x17d: {  	v23 =	vld [tilespmem:s11+$0xCBD0]  }
0x17e: {  	v3 =	vld [tilespmem:s14+$0xBE20]  }
0x17f: {  	v55 =	vld [tilespmem:s11+$0xCB30]  }
0x180: {  	v2 =	vld [tilespmem:s14+$0xBE30]  }
0x181: {  	v56 =	vld [tilespmem:s11+$0xCB60]  }
0x182: {  	v6 =	vld [tilespmem:s11+$0xCB80];
	v11 =	vmul.f32 v11, v4;
	v12 =	vmul.f32 v12, v5  }
0x183: {  	v57 =	vld [tilespmem:s11+$0xCB20];
	v9 =	vmul.f32 v9, v3;
	v19 =	vmul.f32 v19, v4  }
0x184: {  	v58 =	vld [tilespmem:s11+$0xCB40];
	v11 =	vadd.f32 v12, v11;
	v12 =	vmul.f32 v14, v4;
	v14 =	vmul.f32 v15, v5  }
0x185: {  	v59 =	vld [tilespmem:s11+$0xCB50];
	v20 =	vmul.f32 v20, v5;
	v10 =	vmul.f32 v10, v3  }
0x186: {  	v60 =	vld [tilespmem:s11+$0xCAB0];
	v7 =	vmul.f32 v7, v2;
	v9 =	vadd.f32 v9, v11;
	v12 =	vadd.f32 v14, v12  }
0x187: {  	v61 =	vld [tilespmem:s14+$0xBEC0];
	v17 =	vmul.f32 v17, v3;
	v19 =	vadd.f32 v20, v19  }
0x188: {  	v8 =	vmul.f32 v8, v2;
	v15 =	vld [tilespmem:s11+$0xCB00];
	v12 =	vadd.f32 v10, v12;
	v7 =	vadd.f32 v7, v9  }
0x189: {  	v13 =	vmul.f32 v13, v2;
	v20 =	vld [tilespmem:s11+$0xCAA0];
	v9 =	vadd.f32 v17, v19  }
0x18a: {  	v14 =	vld [tilespmem:s11+$0xCB10];
	v8 =	vadd.f32 v8, v12;
	(xrf2) =	vadd.scan.msk.f32 $0xffff, v7;
	v7 =	vmul.f32 v22, v4;
	v12 =	vmul.f32 v23, v5  }
0x18b: {  	v11 =	vld [tilespmem:s14+$0xBF70]  }
0x18c: {  	v17 =	vld [tilespmem:s11+$0xCA80];
	v9 =	vadd.f32 v13, v9;
	v13 =	vmul.f32 v18, v3;
	v7 =	vadd.f32 v12, v7  }
0x18d: {  	v18 =	vmul.f32 v58, v4;
	v22 =	vmul.f32 v59, v5;
	(xrf2) =	vadd.scan.msk.f32 $0xffff, v8;
	v8 =	vld [tilespmem:s11+$0xCA90]  }
0x18e: {  	v16 =	vmul.f32 v16, v2;
	v10 =	vld [tilespmem:s11+$0xCAC0];
	v7 =	vadd.f32 v13, v7  }
0x18f: {  	v19 =	vld [tilespmem:s14+$0xBF60];
	v23 =	vmul.f32 v56, v3;
	v18 =	vadd.f32 v22, v18;
	(xrf2) =	vadd.scan.msk.f32 $0xffff, v9  }
0x190: {  	v15 =	vmul.f32 v15, v4;
	v14 =	vmul.f32 v14, v5;
	v9 =	vld [tilespmem:s14+$0xBF40];
	v7 =	vadd.f32 v16, v7  }
0x191: {  	v22 =	vld [tilespmem:s14+$0xBF50];
	v16 =	vmul.f32 v17, v4;
	v17 =	vadd.f32 v23, v18;
	v18 =	vmul.f32 v21, v2  }
0x192: {  	v12 =	vld [tilespmem:s14+$0xBEF0];
	v14 =	vadd.f32 v14, v15;
	v15 =	vmul.f32 v57, v3;
	v8 =	vmul.f32 v8, v5;
	(xrf2) =	vadd.scan.msk.f32 $0xffff, v7  }
0x193: {  	v13 =	vld [tilespmem:s14+$0xBEB0];
	v18 =	vadd.f32 v18, v17  }
0x194: {  	v24 =	vmul.f32 v55, v2;
	v23 =	vld [tilespmem:s14+$0xBED0];
	v21 =	vadd.f32 v15, v14;
	v8 =	vadd.f32 v8, v16  }
0x195: {  	v14 =	vld [tilespmem:s14+$0xBEE0];
	v9 =	vmul.f32 v9, v4;
	v16 =	vmul.f32 v20, v3;
	v7, _, _ =	vpop (xrf2);
	(xrf2) =	vadd.scan.msk.f32 $0xffff, v18  }
0x196: {  	v15 =	vld [tilespmem:s14+$0xBE80];
	v20 =	vmul.f32 v22, v5;
	v22 =	vadd.f32 v24, v21  }
0x197: {  	v63 =	vmul.f32 v60, v2;
	v17 =	vld [tilespmem:s14+$0xBE90];
	v62 =	vadd.f32 v16, v8  }
0x198: {  	v21 =	vmul.f32 v19, v3;
	v18 =	vld [tilespmem:s14+$0xBE40];
	v20 =	vadd.f32 v20, v9;
	v8, _, _ =	vpop (xrf2);
	(xrf2) =	vadd.scan.msk.f32 $0xffff, v22  }
0x199: {  	s13 =	simm.s32 $0x1400;
	s12 =	simm.s32 $0x100;
	v16 =	vld [tilespmem:s14+$0xBEA0];
	v23 =	vmul.f32 v23, v5;
	v22 =	vmul.f32 v61, v4;
	v19 =	vadd.f32 v63, v62;
	v9, _, _ =	vpop (xrf2)  }
.LBB2_5:
0x19a: {  	p0 =	sne.s32 s13, $0x1B800;
	v24 =	vld [tilespmem:s14+$0xBE50];
	v25 =	vadd.f32 v21, v20;
	v11 =	vmul.f32 v11, v2  }
0x19b: {  	v14 =	vmul.f32 v14, v3;
	v21 =	vadd.f32 v23, v22;
	v22 =	vld [tilespmem:s14+$0xBF00];
	(xrf2) =	vadd.scan.msk.f32 $0xffff, v19  }
0x19c: {  	v15 =	vmul.f32 v15, v4;
	v19 =	vld [tilespmem:s14+$0xBE60];
	v17 =	vmul.f32 v17, v5;
	v11 =	vadd.f32 v11, v25;
	v20, _, _ =	vpop (xrf2)  }
0x19d: {  	v12 =	vmul.f32 v12, v2;
	v14 =	vadd.f32 v14, v21;
	v21 =	vld [tilespmem:s14+$0xBF10]  }
0x19e: {  	v16 =	vmul.f32 v16, v3;
	v23 =	vld [tilespmem:s14+$0xBE70];
	v15 =	vadd.f32 v17, v15;
	(xrf2) =	vadd.scan.msk.f32 $0xffff, v11  }
0x19f: {  	v11 =	vmul.f32 v18, v4;
	v17 =	vmul.f32 v24, v5;
	v12 =	vadd.f32 v12, v14;
	v14 =	vld [tilespmem:s14+$0xBF20];
	v18, _, _ =	vpop (xrf2)  }
0x1a0: {  	v13 =	vmul.f32 v13, v2;
	v15 =	vadd.f32 v16, v15;
	v16 =	vld [tilespmem:s11+$0xCAD0]  }
0x1a1: {  	v11 =	vadd.f32 v17, v11;
	v17 =	vmul.f32 v19, v3;
	v19 =	vld [tilespmem:s14+$0xBF30];
	(xrf2) =	vadd.scan.msk.f32 $0xffff, v12  }
0x1a2: {  	v12 =	vadd.f32 v13, v15;
	v13 =	vmul.f32 v22, v4;
	v15 =	vmul.f32 v21, v5;
	v21 =	vld [tilespmem:s11+$0xCAE0];
	v22, _, _ =	vpop (xrf2)  }
0x1a3: {  	v11 =	vadd.f32 v17, v11;
	v24 =	vmul.f32 v23, v2;
	v23 =	vld [tilespmem:s11+$0xCB90]  }
0x1a4: {  	v13 =	vadd.f32 v15, v13;
	v14 =	vmul.f32 v14, v3;
	v15 =	vld [tilespmem:s11+$0xCAF0];
	(xrf2) =	vadd.scan.msk.f32 $0xffff, v12  }
0x1a5: {  	v10 =	vmul.f32 v10, v4;
	v11 =	vadd.f32 v24, v11;
	v12 =	vmul.f32 v16, v5;
	v16 =	vld [tilespmem:s11+$0xCBA0];
	v17, _, _ =	vpop (xrf2)  }
0x1a6: {  	v13 =	vadd.f32 v14, v13;
	v14 =	vmul.f32 v19, v2;
	v19 =	vld [tilespmem:s11+$0xCC50]  }
0x1a7: {  	v10 =	vadd.f32 v12, v10;
	v12 =	vmul.f32 v21, v3;
	v21 =	vld [tilespmem:s11+$0xCBB0];
	(xrf2) =	vadd.scan.msk.f32 $0xffff, v11  }
0x1a8: {  	v6 =	vmul.f32 v6, v4;
	v11 =	vadd.f32 v14, v13;
	v13 =	vmul.f32 v23, v5;
	v14 =	vld [tilespmem:s11+$0xCC60];
	v23, _, _ =	vpop (xrf2)  }
0x1a9: {  	v10 =	vadd.f32 v12, v10;
	v12 =	vmul.f32 v15, v2  }
0x1aa: {  	v6 =	vadd.f32 v13, v6;
	v13 =	vmul.f32 v16, v3;
	v15 =	vld [tilespmem:s11+$0xCC70];
	(xrf2) =	vadd.scan.msk.f32 $0xffff, v11  }
0x1ab: {  	v1 =	vmul.f32 v1, v4;
	v10 =	vadd.f32 v12, v10;
	v4 =	vmul.f32 v19, v5;
	v5, _, _ =	vpop (xrf2)  }
0x1ac: {  	v12 =	vadd.f32 v13, v6;
	v11 =	vmul.f32 v21, v2  }
0x1ad: {  	v1 =	vadd.f32 v4, v1;
	v3 =	vmul.f32 v14, v3;
	(xrf2) =	vadd.scan.msk.f32 $0xffff, v10  }
0x1ae: {  	v4 =	vadd.f32 v11, v12;
	v6, _, _ =	vpop (xrf2)  }
0x1af: {  	v1 =	vadd.f32 v3, v1;
	v3 =	vmul.f32 v15, v2  }
0x1b0: {  	(xrf2) =	vadd.scan.msk.f32 $0xffff, v4  }
0x1b1: {  	v1 =	vadd.f32 v3, v1;
	v2, _, _ =	vpop (xrf2)  }
0x1b2: {  	v2 =	vbroadcast v2, $0xF  }
0x1b3: {  	vm14 =	veq.s32 v0, $0xF;
	v3 =	vbroadcast v6, $0xF;
	(xrf2) =	vadd.scan.msk.f32 $0xffff, v1  }
0x1b4: {  	v1 =	vsel vm14, $0x0, v2;
	v2 =	vbroadcast v5, $0xF;
	v4, _, _ =	vpop (xrf2)  }
0x1b5: {  	v1 =	vsel vm0, v3, v1;
	v3 =	vbroadcast v4, $0xF  }
0x1b6: {  	v1 =	vsel vm1, v1, v2;
	v2 =	vbroadcast v23, $0xF  }
0x1b7: {  	v1 =	vsel vm2, v1, v3;
	v3 =	vbroadcast v17, $0xF;
	v4, _, _ =	vpop (xrf2)  }
0x1b8: {  	v1 =	vsel vm3, v1, v2;
	v2 =	vbroadcast v4, $0xF  }
0x1b9: {  	v1 =	vsel vm4, v1, v3;
	v3 =	vbroadcast v22, $0xF  }
0x1ba: {  	v1 =	vsel vm5, v1, v2;
	v2 =	vbroadcast v18, $0xF;
	v4, _, _ =	vpop (xrf2)  }
0x1bb: {  	v1 =	vsel vm6, v1, v3;
	v3 =	vbroadcast v4, $0xF  }
0x1bc: {  	v1 =	vsel vm7, v1, v2;
	v2 =	vbroadcast v20, $0xF  }
0x1bd: {  	v1 =	vsel vm8, v1, v3;
	v3 =	vbroadcast v9, $0xF;
	v4, _, _ =	vpop (xrf2)  }
0x1be: {  	v1 =	vsel vm9, v1, v2;
	v2 =	vbroadcast v4, $0xF  }
0x1bf: {  	v1 =	vsel vm10, v1, v3;
	v3 =	vbroadcast v8, $0xF  }
0x1c0: {  	v1 =	vsel vm11, v1, v2;
	v2 =	vbroadcast v7, $0xF  }
0x1c1: {  	v1 =	vsel vm12, v1, v3  }
0x1c2: {  	s1 =	sadd.s32 $0x10, s1;
	v1 =	vsel vm13, v1, v2  }
0x1c3: {  	s11 =	sshra.s32 s13, $0x2;
	[tilespmem:s1+$0x0] =	vst v1  }
0x1c4: {  	v7 =	vld [tilespmem:s11+$0xCCF0]  }
0x1c5: {  	v8 =	vld [tilespmem:s11+$0xCCB0]  }
0x1c6: {  	v9 =	vld [tilespmem:s11+$0xCCE0]  }
0x1c7: {  	v10 =	vld [tilespmem:s11+$0xCCA0]  }
0x1c8: {  	v6 =	vld [tilespmem:s11+$0xCCC0]  }
0x1c9: {  	v11 =	vld [tilespmem:s11+$0xCCD0]  }
0x1ca: {  	v12 =	vld [tilespmem:s11+$0xCC30]  }
0x1cb: {  	v13 =	vld [tilespmem:s11+$0xCC80]  }
0x1cc: {  	v14 =	vld [tilespmem:s11+$0xCC90]  }
0x1cd: {  	v15 =	vld [tilespmem:s11+$0xCBF0]  }
0x1ce: {  	v16 =	vld [tilespmem:s11+$0xCC20]  }
0x1cf: {  	v1 =	vld [tilespmem:s11+$0xCC40]  }
0x1d0: {  	v17 =	vld [tilespmem:s11+$0xCBE0]  }
0x1d1: {  	v18 =	vld [tilespmem:s11+$0xCC00]  }
0x1d2: {  	v19 =	vld [tilespmem:s11+$0xCC10]  }
0x1d3: {  	s12 =	sadd.s32 $0x100, s12;
	v20 =	vld [tilespmem:s11+$0xCB70]  }
0x1d4: {  	s14 =	sshra.s32 s12, $0x2;
	v21 =	vld [tilespmem:s11+$0xCBC0]  }
0x1d5: {  	v4 =	vld [tilespmem:s14+$0xBE00]  }
0x1d6: {  	v5 =	vld [tilespmem:s14+$0xBE10]  }
0x1d7: {  	v22 =	vld [tilespmem:s11+$0xCBD0]  }
0x1d8: {  	v3 =	vld [tilespmem:s14+$0xBE20]  }
0x1d9: {  	v23 =	vld [tilespmem:s11+$0xCB30]  }
0x1da: {  	v2 =	vld [tilespmem:s14+$0xBE30]  }
0x1db: {  	v25 =	vmul.f32 v6, v4;
	v24 =	vld [tilespmem:s11+$0xCB60];
	v11 =	vmul.f32 v11, v5  }
0x1dc: {  	v6 =	vld [tilespmem:s11+$0xCB80]  }
0x1dd: {  	v26 =	vld [tilespmem:s11+$0xCB20];
	v11 =	vadd.f32 v11, v25;
	v9 =	vmul.f32 v9, v3  }
0x1de: {  	v13 =	vmul.f32 v13, v4;
	v14 =	vmul.f32 v14, v5;
	v25 =	vld [tilespmem:s11+$0xCB40]  }
0x1df: {  	v27 =	vld [tilespmem:s11+$0xCB50];
	v9 =	vadd.f32 v9, v11;
	v7 =	vmul.f32 v7, v2  }
0x1e0: {  	v10 =	vmul.f32 v10, v3;
	v11 =	vadd.f32 v14, v13;
	v28 =	vld [tilespmem:s11+$0xCAB0]  }
0x1e1: {  	v14 =	vmul.f32 v18, v4;
	v18 =	vmul.f32 v19, v5;
	v13 =	vld [tilespmem:s11+$0xCB00];
	v7 =	vadd.f32 v7, v9  }
0x1e2: {  	v8 =	vmul.f32 v8, v2;
	v10 =	vadd.f32 v10, v11;
	v9 =	vld [tilespmem:s11+$0xCB10]  }
0x1e3: {  	v16 =	vmul.f32 v16, v3;
	v14 =	vadd.f32 v18, v14;
	v11 =	vld [tilespmem:s14+$0xBF70];
	(xrf2) =	vadd.scan.msk.f32 $0xffff, v7  }
0x1e4: {  	v19 =	vmul.f32 v22, v5;
	v7 =	vmul.f32 v21, v4;
	v8 =	vadd.f32 v8, v10;
	v18 =	vld [tilespmem:s11+$0xCAA0]  }
0x1e5: {  	v12 =	vmul.f32 v12, v2;
	v14 =	vadd.f32 v16, v14;
	v10 =	vld [tilespmem:s11+$0xCAC0]  }
0x1e6: {  	v16 =	vmul.f32 v17, v3;
	v7 =	vadd.f32 v19, v7;
	v21 =	vld [tilespmem:s14+$0xBF60];
	(xrf2) =	vadd.scan.msk.f32 $0xffff, v8  }
0x1e7: {  	v17 =	vmul.f32 v25, v4;
	v19 =	vmul.f32 v27, v5;
	v14 =	vadd.f32 v12, v14;
	v8 =	vld [tilespmem:s11+$0xCA80]  }
0x1e8: {  	v15 =	vmul.f32 v15, v2;
	v7 =	vadd.f32 v16, v7;
	v22 =	vld [tilespmem:s11+$0xCA90]  }
0x1e9: {  	v16 =	vadd.f32 v19, v17;
	v17 =	vmul.f32 v24, v3;
	v12 =	vld [tilespmem:s14+$0xBEF0];
	(xrf2) =	vadd.scan.msk.f32 $0xffff, v14  }
0x1ea: {  	v9 =	vmul.f32 v9, v5;
	v14 =	vmul.f32 v13, v4;
	v27 =	vadd.f32 v15, v7;
	v19 =	vld [tilespmem:s14+$0xBF40]  }
0x1eb: {  	v15 =	vadd.f32 v17, v16;
	v16 =	vmul.f32 v20, v2;
	v24 =	vld [tilespmem:s14+$0xBF50]  }
0x1ec: {  	v9 =	vadd.f32 v9, v14;
	v14 =	vmul.f32 v26, v3;
	v13 =	vld [tilespmem:s14+$0xBEB0];
	(xrf2) =	vadd.scan.msk.f32 $0xffff, v27  }
0x1ed: {  	v15 =	vadd.f32 v16, v15;
	v27 =	vmul.f32 v8, v4;
	v25 =	vld [tilespmem:s14+$0xBEC0];
	v17 =	vmul.f32 v22, v5;
	v7, _, _ =	vpop (xrf2)  }
0x1ee: {  	v16 =	vmul.f32 v23, v2;
	v9 =	vadd.f32 v14, v9;
	v26 =	vld [tilespmem:s14+$0xBED0]  }
.Ltmp1:
0x1ef: {  	v18 =	vmul.f32 v18, v3;
	v14 =	vld [tilespmem:s14+$0xBEE0];
	v20 =	vadd.f32 v17, v27;
	(xrf2) =	vadd.scan.msk.f32 $0xffff, v15;
	(pc) =	sbr.rel @p0 .LBB2_5-.Ltmp1, $4  }
0x1f0: {  	v19 =	vmul.f32 v19, v4;
	v29 =	vadd.f32 v16, v9;
	v15 =	vld [tilespmem:s14+$0xBE80];
	v22 =	vmul.f32 v24, v5;
	v8, _, _ =	vpop (xrf2)  }
0x1f1: {  	v27 =	vmul.f32 v28, v2;
	v17 =	vld [tilespmem:s14+$0xBE90];
	v24 =	vadd.f32 v18, v20  }
0x1f2: {  	v21 =	vmul.f32 v21, v3;
	v16 =	vld [tilespmem:s14+$0xBEA0];
	v20 =	vadd.f32 v22, v19;
	(xrf2) =	vadd.scan.msk.f32 $0xffff, v29  }
0x1f3: {  	s13 =	sadd.s32 $0xA00, s13;
	v22 =	vmul.f32 v25, v4;
	v18 =	vld [tilespmem:s14+$0xBE40];
	v23 =	vmul.f32 v26, v5;
	v19 =	vadd.f32 v27, v24;
	v9, _, _ =	vpop (xrf2)  }
0x1f4: {  	v24 =	vld [tilespmem:s14+$0xBE50]  }
0x1f5: {  	v25 =	vld [tilespmem:s14+$0xBF00]  }
0x1f6: {  	v59 =	vld [tilespmem:s14+$0xBE60]  }
0x1f7: {  	v11 =	vmul.f32 v11, v2;
	v14 =	vmul.f32 v14, v3;
	v60 =	vld [tilespmem:s14+$0xBF10]  }
0x1f8: {  	v61 =	vld [tilespmem:s14+$0xBE70];
	v12 =	vmul.f32 v12, v2;
	v13 =	vmul.f32 v13, v2  }
0x1f9: {  	v20 =	vadd.f32 v21, v20;
	v63 =	vld [tilespmem:s14+$0xBF20];
	v15 =	vmul.f32 v15, v4;
	v17 =	vmul.f32 v17, v5  }
0x1fa: {  	v28 =	vld [tilespmem:s11+$0xCAD0];
	v22 =	vadd.f32 v23, v22;
	v18 =	vmul.f32 v18, v4;
	v62 =	vmul.f32 v24, v5  }
0x1fb: {  	v29 =	vld [tilespmem:s14+$0xBF30];
	v11 =	vadd.f32 v11, v20;
	v16 =	vmul.f32 v16, v3;
	v15 =	vadd.f32 v17, v15  }
0x1fc: {  	v31 =	vld [tilespmem:s11+$0xCAE0];
	v14 =	vadd.f32 v14, v22;
	v21 =	vmul.f32 v59, v3;
	v18 =	vadd.f32 v62, v18  }
0x1fd: {  	v34 =	vld [tilespmem:s11+$0xCB90];
	v30 =	vmul.f32 v25, v4;
	v23 =	vmul.f32 v60, v5;
	v15 =	vadd.f32 v16, v15  }
0x1fe: {  	v38 =	vld [tilespmem:s11+$0xCAF0];
	(xrf2) =	vadd.scan.msk.f32 $0xffff, v19;
	v12 =	vadd.f32 v12, v14;
	v33 =	vmul.f32 v61, v2;
	v32 =	vadd.f32 v21, v18  }
0x1ff: {  	v41 =	vld [tilespmem:s11+$0xCBA0];
	(xrf2) =	vadd.scan.msk.f32 $0xffff, v11;
	v37 =	vmul.f32 v63, v3;
	v36 =	vadd.f32 v23, v30;
	v35 =	vadd.f32 v13, v15  }
0x200: {  	v10 =	vmul.f32 v10, v4;
	v44 =	vld [tilespmem:s11+$0xCC50];
	v40 =	vmul.f32 v28, v5;
	(xrf2) =	vadd.scan.msk.f32 $0xffff, v12;
	v39 =	vadd.f32 v33, v32  }
0x201: {  	v46 =	vld [tilespmem:s11+$0xCBB0];
	v43 =	vmul.f32 v29, v2;
	v42 =	vadd.f32 v37, v36;
	(xrf2) =	vadd.scan.msk.f32 $0xffff, v35  }
0x202: {  	v48 =	vld [tilespmem:s11+$0xCC60];
	v45 =	vmul.f32 v31, v3;
	v10 =	vadd.f32 v40, v10;
	(xrf2) =	vadd.scan.msk.f32 $0xffff, v39  }
0x203: {  	v6 =	vmul.f32 v6, v4;
	v52 =	vld [tilespmem:s11+$0xCC70];
	v47 =	vmul.f32 v34, v5;
	v11 =	vadd.f32 v43, v42  }
0x204: {  	v49 =	vmul.f32 v38, v2;
	v10 =	vadd.f32 v45, v10  }
0x205: {  	v50, _, _ =	vpop (xrf2);
	v51 =	vmul.f32 v41, v3;
	v6 =	vadd.f32 v47, v6;
	(xrf2) =	vadd.scan.msk.f32 $0xffff, v11  }
0x206: {  	v1 =	vmul.f32 v1, v4;
	v53, _, _ =	vpop (xrf2);
	v54 =	vmul.f32 v44, v5;
	v10 =	vadd.f32 v49, v10  }
0x207: {  	v56 =	vmul.f32 v46, v2;
	v3 =	vmul.f32 v48, v3;
	v55, _, _ =	vpop (xrf2);
	v6 =	vadd.f32 v51, v6  }
0x208: {  	v2 =	vmul.f32 v52, v2;
	v1 =	vadd.f32 v54, v1;
	v57, _, _ =	vpop (xrf2);
	(xrf2) =	vadd.scan.msk.f32 $0xffff, v10  }
0x209: {  	v6 =	vadd.f32 v56, v6;
	v58, _, _ =	vpop (xrf2)  }
0x20a: {  	v1 =	vadd.f32 v3, v1;
	v59, _, _ =	vpop (xrf2)  }
0x20b: {  	(xrf2) =	vadd.scan.msk.f32 $0xffff, v6;
	v3, _, _ =	vpop (xrf2)  }
0x20c: {  	v1 =	vadd.f32 v2, v1;
	v2, _, _ =	vpop (xrf2)  }
0x20d: {  	v2 =	vbroadcast v2, $0xF  }
0x20e: {  	(xrf2) =	vadd.scan.msk.f32 $0xffff, v1;
	v3 =	vbroadcast v3, $0xF  }
0x20f: {  	v60, _, _ =	vpop (xrf2);
	v1 =	vsel vm14, $0x0, v2;
	v2 =	vbroadcast v59, $0xF  }
0x210: {  	v1 =	vsel vm0, v3, v1;
	v3 =	vbroadcast v60, $0xF  }
0x211: {  	v1 =	vsel vm1, v1, v2;
	v2 =	vbroadcast v58, $0xF  }
0x212: {  	v61, _, _ =	vpop (xrf2);
	v1 =	vsel vm2, v1, v3;
	v3 =	vbroadcast v57, $0xF  }
0x213: {  	v1 =	vsel vm3, v1, v2;
	v2 =	vbroadcast v61, $0xF  }
0x214: {  	v1 =	vsel vm4, v1, v3;
	v3 =	vbroadcast v55, $0xF  }
0x215: {  	v62, _, _ =	vpop (xrf2);
	v1 =	vsel vm5, v1, v2;
	v2 =	vbroadcast v53, $0xF  }
0x216: {  	v1 =	vsel vm6, v1, v3;
	v3 =	vbroadcast v62, $0xF  }
0x217: {  	v1 =	vsel vm7, v1, v2;
	v2 =	vbroadcast v50, $0xF  }
0x218: {  	v63, _, _ =	vpop (xrf2);
	v1 =	vsel vm8, v1, v3;
	v3 =	vbroadcast v9, $0xF  }
0x219: {  	s31 =	sadd.s32 $0x1, s31;
	v1 =	vsel vm9, v1, v2;
	v2 =	vbroadcast v63, $0xF  }
0x21a: {  	p0 =	sne.s32 s31, $0x40;
	v1 =	vsel vm10, v1, v3;
	v3 =	vbroadcast v8, $0xF  }
.Ltmp2:
0x21b: {  	s0 =	sadd.s32 s4, s0;
	v1 =	vsel vm11, v1, v2;
	v2 =	vbroadcast v7, $0xF;
	(pc) =	sbr.rel @p0 .LBB2_2-.Ltmp2, $4  }
0x21c: {  	s0 =	smul.u32 $0x5A, s0;
	v1 =	vsel vm12, v1, v3  }
0x21d: {  	s1 =	sadd.s32 $0x10, s1;
	v1 =	vsel vm13, v1, v2  }
0x21e: {  	s0 =	sadd.s32 s2, s0;
	[tilespmem:s1+$0x0] =	vst v1  }
0x21f: {  	[hbm4b:s0+s3] =	stream.linear.scatter [tilespmem:s26], [sflag:$0x3], $0x2D0, $0x38;
	[tilespmem:$0x13DD0] =	vst v63  }
0x220: {  	s30 =	sadd.s32 $0x1, s30  }
0x221: {  	p0 =	sne.s32 s30, s8  }
.Ltmp3:
0x222: {  	_ = 	snop;
	(pc) =	sbr.rel @p0 .LBB2_1-.Ltmp3, $4  }
0x223: {  	_ = 	snop  }
0x224: {  	_ =	swait.ge [sflag:s29], $0x2D0  }
0x225: {  	[sflag:s29] =	ssyncset.done $0x0  }
0x226: {  	[sflag:s29] =	ssyncadd.s32 $0xFFFFFD30  }
0x227: {  	_ =	sfence.sel $0x180000  }
0x228: {  	[bflag:$0x0] =	sbarrier.arrive $0xFFFF  }
0x229: {  	_ =	strace $0x90000047  }
0x22a: {  	s0 =	stileid.u32;
	[bflag:$0x2] =	sbarrier.arrive $0xFFFF  }
0x22b: {  	p0 =	sne.s32 s0, $0x0;
	s0 =	rddreg [dreg:$0x2]  }
0x22c: {  	s0 =	sadd.s32 @!p0 $0x100000, s0  }
0x22d: {  	[sflag:s0] =	ssyncadd.tile.s32 @!p0 $0x1;
	_ =	shalt  }
.Lfunc_end2:
_tile_overlayer_lowered:
.L_overlay_start_2:
0x22e: {  	(tag) =	ssettag $0x2  }
0x22f: {  	s0 =	rddreg [dreg:$0x0];
	s2 =	stileid.u32  }
0x230: {  	s1 =	rddreg [dreg:$0x1];
	p0 =	sne.s32 s2, $0x0  }
0x231: {  	s3 =	rddreg [dreg:$0x2];
	[bflag:$0x3] =	sbarrier.arrive $0xFFFF;
	s2 =	simm.s32 @!p0 $0x1C04  }
0x232: {  	[timem:s3], [sflag:s2] =	dma.local @!p0 [hbm:s0], s1  }
0x233: {  	s0 =	simm.s32 @!p0 $0x4  }
0x234: {  	_ =	swait.ge @!p0 [sflag:s0], s1  }
0x235: {  	s1 =	ssub.s32 @!p0 $0x0, s1;
	[sflag:s0] =	ssyncset.done @!p0 $0x0  }
0x236: {  	[sflag:s0] =	ssyncadd.s32 @!p0 s1  }
0x237: {  	[bflag:$0x3] =	sbarrier.arrive $0xFFFF  }
0x238: {  	_ =	shalt  }

</sc_bundles>
